<compile_context>
chip_gen: v7x
topology: tpu7x:2x2x1
jax: 0.10.2.dev20260603
libtpu: 0.0.44.dev20260713+nightly
codegen_flags: <defaults>
</compile_context>

<pallas_src>
import functools

import jax
import jax.numpy as jnp
from jax import lax
from jax.experimental import pallas as pl
from jax.experimental.pallas import tpu as pltpu
from jax.experimental.pallas import tpu_sc as plsc

_NC, _NS, _L = 2, 16, 16
_NW = _NC * _NS


def _sc_pool_call(table, gids, B, S, H, K):
    CPB = _NW // B
    CW = H // CPB
    NV = CW // _L
    mesh = plsc.VectorSubcoreMesh(core_axis_name="c", subcore_axis_name="s")

    @functools.partial(
        pl.kernel,
        mesh=mesh,
        out_type=jax.ShapeDtypeStruct((B, H), jnp.float32),
        scratch_types=[
            pltpu.VMEM((K,), jnp.int32),
            pltpu.VMEM((K, CW), jnp.float32),
            pltpu.VMEM((CW,), jnp.float32),
            pltpu.SemaphoreType.DMA,
        ],
    )
    def body(table_hbm, gid_hbm, out_hbm, idx_v, rows_v, out_v, sem):
        wid = lax.axis_index("s") * _NC + lax.axis_index("c")
        b = wid // CPB
        c = lax.rem(wid, CPB)

        pltpu.sync_copy(gid_hbm.at[b], idx_v)
        gather = pltpu.async_copy(
            table_hbm.at[idx_v, pl.ds(pl.multiple_of(c * CW, CW), CW)],
            rows_v, sem)

        ia = idx_v[pl.ds(0, _L)]
        ib = idx_v[pl.ds(_L, _L)]
        lane = lax.iota(jnp.int32, _L)
        dup_a = ia != ia
        dup_b = dup_a
        for j in range(K):
            vj = ia[j] if j < _L else ib[j - _L]
            if j < _L:
                dup_a = dup_a | ((ia == vj) & (lane > j))
                dup_b = dup_b | (ib == vj)
            else:
                dup_b = dup_b | ((ib == vj) & (lane > (j - _L)))
        wa = jnp.where(dup_a, 0.0, 1.0)
        wb = jnp.where(dup_b, 0.0, 1.0)
        w = [wa[k] if k < _L else wb[k - _L] for k in range(K)]
        cnt = w[0]
        for k in range(1, K):
            cnt = cnt + w[k]
        inv = 1.0 / (jnp.full((_L,), 1.0, jnp.float32) * cnt)

        gather.wait()
        for v in range(NV):
            sl = pl.ds(v * _L, _L)
            acc = rows_v[0, sl] * w[0]
            for k in range(1, K):
                acc = acc + rows_v[k, sl] * w[k]
            out_v[sl] = acc * inv

        pltpu.sync_copy(out_v, out_hbm.at[b, pl.ds(c * CW, CW)])

    return body(table, gids)


def _tc_head(p_ref, w_ref, b_ref, o_ref):
    o_ref[...] = jnp.tanh(
        jnp.dot(p_ref[...], w_ref[...], preferred_element_type=jnp.float32)
        + b_ref[...]
    )


def kernel(hidden, token_idxs, W, b):
    B, S, H = hidden.shape
    K = token_idxs.shape[1]
    O = W.shape[1]

    table = hidden.reshape(B * S, H)
    gids = token_idxs.astype(jnp.int32) + (
        jnp.arange(B, dtype=jnp.int32)[:, None] * S)
    pooled = _sc_pool_call(table, gids, B, S, H, K)

    return pl.pallas_call(
        _tc_head,
        out_shape=jax.ShapeDtypeStruct((B, O), jnp.float32),
    )(pooled, W, b.reshape(1, O))

# --- scband reference (transcript-rebuilt; emitter-appended) ---
"""Pipeline reference for scband-token-embedding-pooler-4415226380944 (READ-ONLY COPY).

The authoritative reference and input builder live on the scoring server;
editing this copy changes nothing except your own understanding.
"""

import jax, jax.numpy as jnp
import numpy as np

B, S, H, O, K = 4, 4096, 1024, 1024, 32

def setup_inputs(seed: int = 0) -> dict:
    key = jax.random.key(seed)
    k1, k2, k3 = jax.random.split(key, 3)
    hidden = jax.random.normal(k1, (B, S, H), dtype=jnp.float32)
    token_idxs = jax.random.randint(k2, (B, K), 0, S, dtype=jnp.int64 if jax.config.jax_enable_x64 else jnp.int32)
    W = jax.random.normal(k3, (H, O), dtype=jnp.float32) * 0.02
    b = jnp.zeros((O,), dtype=jnp.float32)
    return {"hidden": hidden, "token_idxs": token_idxs, "W": W, "b": b}

def reference(hidden, token_idxs, W, b):
    # token mask: [B, S, H] with 1.0 at selected token positions (scatter-overwrite)
    Bv, Sv, Hv = hidden.shape
    b_idx = jnp.arange(Bv)[:, None]
    token_mask = jnp.zeros((Bv, Sv, Hv), dtype=hidden.dtype).at[b_idx, token_idxs, :].set(1.0)
    masked = hidden * token_mask
    # mean pooler over the time dimension
    pooled = masked.sum(axis=1) / token_mask.sum(axis=1)
    pooled = jnp.nan_to_num(pooled)
    # output layer: Linear + Tanh
    out = jnp.tanh(pooled @ W + b)
    return out

if __name__ == "__main__":
    import jax
    _d = setup_inputs()
    print(jax.jit(kernel)(*tuple(_d.values())))

</pallas_src>

<mosaic_0001>
#map = affine_map<(d0, d1) -> (0, 0)>
module attributes {stable_mosaic.version = 14 : i64} {
  func.func @body(%arg0: i32, %arg1: i32, %arg2: memref<16384x1024xf32, #tpu.memory_space<hbm>>, %arg3: memref<4x32xi32, #tpu.memory_space<hbm>>, %arg4: memref<4x1024xf32, #tpu.memory_space<hbm>>, %arg5: memref<32xi32, #tpu.memory_space<vmem>>, %arg6: memref<32x128xf32, #tpu.memory_space<vmem>>, %arg7: memref<128xf32, #tpu.memory_space<vmem>>, %arg8: memref<!tpu.dma_semaphore, #tpu.memory_space<semaphore_mem>>) attributes {dimension_semantics = [#tpu.dimension_semantics<core_parallel>, #tpu.dimension_semantics<subcore_parallel>], iteration_bounds = array<i64: 2, 16>, scalar_prefetch = 0 : i64, scratch_operands = 4 : i64, tpu.core_type = #tpu.core_type<sc_vector_subcore>, window_params = [{transform_indices = #map}, {transform_indices = #map}, {transform_indices = #map}]} {
    %mul3A = arith.constant 2 : i32
    %mul3A_0 = arith.muli %arg1, %mul3A : i32
    %add3A = arith.addi %mul3A_0, %arg0 : i32
    %jit3A = arith.constant 8 : i32
    %div3A = arith.divsi %add3A, %jit3A : i32
    %sign3A = arith.constant 0 : i32
    %sign3A_1 = arith.cmpi sgt, %add3A, %sign3A : i32
    %sign3A_2 = arith.extui %sign3A_1 : i1 to i32
    %sign3A_3 = arith.constant 0 : i32
    %sign3A_4 = arith.cmpi slt, %add3A, %sign3A_3 : i32
    %sign3A_5 = arith.extui %sign3A_4 : i1 to i32
    %sign3A_6 = arith.subi %sign3A_2, %sign3A_5 : i32
    %sign3A_7 = arith.constant 0 : i32
    %sign3A_8 = arith.cmpi sgt, %jit3A, %sign3A_7 : i32
    %sign3A_9 = arith.extui %sign3A_8 : i1 to i32
    %sign3A_10 = arith.constant 0 : i32
    %sign3A_11 = arith.cmpi slt, %jit3A, %sign3A_10 : i32
    %sign3A_12 = arith.extui %sign3A_11 : i1 to i32
    %sign3A_13 = arith.subi %sign3A_9, %sign3A_12 : i32
    %ne3A = arith.cmpi ne, %sign3A_6, %sign3A_13 : i32
    %rem3A = arith.remsi %add3A, %jit3A : i32
    %ne3A_14 = arith.constant 0 : i32
    %ne3A_15 = arith.cmpi ne, %rem3A, %ne3A_14 : i32
    %and3A = arith.andi %ne3A, %ne3A_15 : i1
    %sub3A = arith.constant 1 : i32
    %sub3A_16 = arith.subi %div3A, %sub3A : i32
    %select_n3A = arith.select %and3A, %sub3A_16, %div3A : i32
    %rem3A_17 = arith.constant 8 : i32
    %rem3A_18 = arith.remsi %add3A, %rem3A_17 : i32
    "tpu.region"() ({
      %run_scoped3A = tpu.sem_alloc : memref<!tpu.dma_semaphore, #tpu.memory_space<semaphore_mem>>
      %dma_start3A_2552 = arith.constant 0 : i32
      %dma_start3A_2553 = tpu.memref_slice %arg3[%select_n3A, %dma_start3A_2552] : memref<4x32xi32, #tpu.memory_space<hbm>> -> memref<1x32xi32, #tpu.memory_space<hbm>>
      %dma_start3A_2554 = tpu.memref_squeeze %dma_start3A_2553 : memref<1x32xi32, #tpu.memory_space<hbm>> -> memref<32xi32, #tpu.memory_space<hbm>>
      %dma_start3A_2555 = arith.constant 0 : i32
      %dma_start3A_2556 = tpu.memref_slice %arg3[%select_n3A, %dma_start3A_2555] : memref<4x32xi32, #tpu.memory_space<hbm>> -> memref<1x32xi32, #tpu.memory_space<hbm>>
      %dma_start3A_2557 = tpu.memref_squeeze %dma_start3A_2556 : memref<1x32xi32, #tpu.memory_space<hbm>> -> memref<32xi32, #tpu.memory_space<hbm>>
      tpu.enqueue_dma source(%dma_start3A_2557 : memref<32xi32, #tpu.memory_space<hbm>>) target(%arg5 : memref<32xi32, #tpu.memory_space<vmem>>) target_semaphore(%run_scoped3A : memref<!tpu.dma_semaphore, #tpu.memory_space<semaphore_mem>>)
      %dma_wait3A_2558 = arith.constant 0 : i32
      %dma_wait3A_2559 = tpu.memref_slice %arg3[%select_n3A, %dma_wait3A_2558] : memref<4x32xi32, #tpu.memory_space<hbm>> -> memref<1x32xi32, #tpu.memory_space<hbm>>
      %dma_wait3A_2560 = tpu.memref_squeeze %dma_wait3A_2559 : memref<1x32xi32, #tpu.memory_space<hbm>> -> memref<32xi32, #tpu.memory_space<hbm>>
      %dma_wait3A_2561 = arith.constant 0 : i32
      %dma_wait3A_2562 = tpu.memref_slice %arg3[%select_n3A, %dma_wait3A_2561] : memref<4x32xi32, #tpu.memory_space<hbm>> -> memref<1x32xi32, #tpu.memory_space<hbm>>
      %dma_wait3A_2563 = tpu.memref_squeeze %dma_wait3A_2562 : memref<1x32xi32, #tpu.memory_space<hbm>> -> memref<32xi32, #tpu.memory_space<hbm>>
      tpu.wait_dma2 semaphore(%run_scoped3A : memref<!tpu.dma_semaphore, #tpu.memory_space<semaphore_mem>>) src(%dma_wait3A_2563 : memref<32xi32, #tpu.memory_space<hbm>>) dst(%arg5 : memref<32xi32, #tpu.memory_space<vmem>>)
      tpu.yield
    }) : () -> ()
    %mul3A_19 = arith.constant 128 : i32
    %mul3A_20 = arith.muli %rem3A_18, %mul3A_19 : i32
    %multiple_of3A = tpu.assume_multiple %mul3A_20, 128 : i32
    %dma_start3A = arith.constant 0 : i32
    %dma_start3A_21 = tpu.memref_slice %arg2[%dma_start3A, %multiple_of3A] : memref<16384x1024xf32, #tpu.memory_space<hbm>> -> memref<16384x128xf32, #tpu.memory_space<hbm>>
    tpu.enqueue_indirect_dma source(%dma_start3A_21 : memref<16384x128xf32, #tpu.memory_space<hbm>>) target(%arg6 : memref<32x128xf32, #tpu.memory_space<vmem>>) offsets(%arg5 : memref<32xi32, #tpu.memory_space<vmem>>) semaphore(%arg8 : memref<!tpu.dma_semaphore, #tpu.memory_space<semaphore_mem>>)
    %get3A = arith.constant 0 : index
    %get3A_22 = tpu.vector_load %arg5[%get3A] {strides = array<i32>} : memref<32xi32, #tpu.memory_space<vmem>>, vector<16xi32>,
    %get3A_23 = vector.shape_cast %get3A_22 : vector<16xi32> to vector<16xi32>
    %get3A_24 = arith.constant 16 : index
    %get3A_25 = tpu.vector_load %arg5[%get3A_24] {strides = array<i32>} : memref<32xi32, #tpu.memory_space<vmem>>, vector<16xi32>,
    %get3A_26 = vector.shape_cast %get3A_25 : vector<16xi32> to vector<16xi32>
    %iota3A = tpu.iota {dimensions = array<i32: 0>} : vector<16xi32>
    %ne3A_27 = arith.cmpi ne, %get3A_23, %get3A_23 : vector<16xi32>
    %slice3A = vector.extract_strided_slice %get3A_23 {offsets = [0], sizes = [1], strides = [1]} : vector<16xi32> to vector<1xi32>
    %squeeze3A = vector.extract %slice3A[0] : i32 from vector<1xi32>
    %eq3A = vector.broadcast %squeeze3A : i32 to vector<16xi32>
    %eq3A_28 = arith.cmpi eq, %get3A_23, %eq3A : vector<16xi32>
    %gt3A = arith.constant 0 : i32
    %gt3A_29 = vector.broadcast %gt3A : i32 to vector<16xi32>
    %gt3A_30 = arith.cmpi sgt, %iota3A, %gt3A_29 : vector<16xi32>
    %and3A_31 = arith.andi %eq3A_28, %gt3A_30 : vector<16xi1>
    %or3A = arith.ori %ne3A_27, %and3A_31 : vector<16xi1>
    %eq3A_32 = vector.broadcast %squeeze3A : i32 to vector<16xi32>
    %eq3A_33 = arith.cmpi eq, %get3A_26, %eq3A_32 : vector<16xi32>
    %or3A_34 = arith.ori %ne3A_27, %eq3A_33 : vector<16xi1>
    %slice3A_35 = vector.extract_strided_slice %get3A_23 {offsets = [1], sizes = [1], strides = [1]} : vector<16xi32> to vector<1xi32>
    %squeeze3A_36 = vector.extract %slice3A_35[0] : i32 from vector<1xi32>
    %eq3A_37 = vector.broadcast %squeeze3A_36 : i32 to vector<16xi32>
    %eq3A_38 = arith.cmpi eq, %get3A_23, %eq3A_37 : vector<16xi32>
    %gt3A_39 = arith.constant 1 : i32
    %gt3A_40 = vector.broadcast %gt3A_39 : i32 to vector<16xi32>
    %gt3A_41 = arith.cmpi sgt, %iota3A, %gt3A_40 : vector<16xi32>
    %and3A_42 = arith.andi %eq3A_38, %gt3A_41 : vector<16xi1>
    %or3A_43 = arith.ori %or3A, %and3A_42 : vector<16xi1>
    %eq3A_44 = vector.broadcast %squeeze3A_36 : i32 to vector<16xi32>
    %eq3A_45 = arith.cmpi eq, %get3A_26, %eq3A_44 : vector<16xi32>
    %or3A_46 = arith.ori %or3A_34, %eq3A_45 : vector<16xi1>
    %slice3A_47 = vector.extract_strided_slice %get3A_23 {offsets = [2], sizes = [1], strides = [1]} : vector<16xi32> to vector<1xi32>
    %squeeze3A_48 = vector.extract %slice3A_47[0] : i32 from vector<1xi32>
    %eq3A_49 = vector.broadcast %squeeze3A_48 : i32 to vector<16xi32>
    %eq3A_50 = arith.cmpi eq, %get3A_23, %eq3A_49 : vector<16xi32>
    %gt3A_51 = arith.constant 2 : i32
    %gt3A_52 = vector.broadcast %gt3A_51 : i32 to vector<16xi32>
    %gt3A_53 = arith.cmpi sgt, %iota3A, %gt3A_52 : vector<16xi32>
    %and3A_54 = arith.andi %eq3A_50, %gt3A_53 : vector<16xi1>
    %or3A_55 = arith.ori %or3A_43, %and3A_54 : vector<16xi1>
    %eq3A_56 = vector.broadcast %squeeze3A_48 : i32 to vector<16xi32>
    %eq3A_57 = arith.cmpi eq, %get3A_26, %eq3A_56 : vector<16xi32>
    %or3A_58 = arith.ori %or3A_46, %eq3A_57 : vector<16xi1>
    %slice3A_59 = vector.extract_strided_slice %get3A_23 {offsets = [3], sizes = [1], strides = [1]} : vector<16xi32> to vector<1xi32>
    %squeeze3A_60 = vector.extract %slice3A_59[0] : i32 from vector<1xi32>
    %eq3A_61 = vector.broadcast %squeeze3A_60 : i32 to vector<16xi32>
    %eq3A_62 = arith.cmpi eq, %get3A_23, %eq3A_61 : vector<16xi32>
    %gt3A_63 = arith.constant 3 : i32
    %gt3A_64 = vector.broadcast %gt3A_63 : i32 to vector<16xi32>
    %gt3A_65 = arith.cmpi sgt, %iota3A, %gt3A_64 : vector<16xi32>
    %and3A_66 = arith.andi %eq3A_62, %gt3A_65 : vector<16xi1>
    %or3A_67 = arith.ori %or3A_55, %and3A_66 : vector<16xi1>
    %eq3A_68 = vector.broadcast %squeeze3A_60 : i32 to vector<16xi32>
    %eq3A_69 = arith.cmpi eq, %get3A_26, %eq3A_68 : vector<16xi32>
    %or3A_70 = arith.ori %or3A_58, %eq3A_69 : vector<16xi1>
    %slice3A_71 = vector.extract_strided_slice %get3A_23 {offsets = [4], sizes = [1], strides = [1]} : vector<16xi32> to vector<1xi32>
    %squeeze3A_72 = vector.extract %slice3A_71[0] : i32 from vector<1xi32>
    %eq3A_73 = vector.broadcast %squeeze3A_72 : i32 to vector<16xi32>
    %eq3A_74 = arith.cmpi eq, %get3A_23, %eq3A_73 : vector<16xi32>
    %gt3A_75 = arith.constant 4 : i32
    %gt3A_76 = vector.broadcast %gt3A_75 : i32 to vector<16xi32>
    %gt3A_77 = arith.cmpi sgt, %iota3A, %gt3A_76 : vector<16xi32>
    %and3A_78 = arith.andi %eq3A_74, %gt3A_77 : vector<16xi1>
    %or3A_79 = arith.ori %or3A_67, %and3A_78 : vector<16xi1>
    %eq3A_80 = vector.broadcast %squeeze3A_72 : i32 to vector<16xi32>
    %eq3A_81 = arith.cmpi eq, %get3A_26, %eq3A_80 : vector<16xi32>
    %or3A_82 = arith.ori %or3A_70, %eq3A_81 : vector<16xi1>
    %slice3A_83 = vector.extract_strided_slice %get3A_23 {offsets = [5], sizes = [1], strides = [1]} : vector<16xi32> to vector<1xi32>
    %squeeze3A_84 = vector.extract %slice3A_83[0] : i32 from vector<1xi32>
    %eq3A_85 = vector.broadcast %squeeze3A_84 : i32 to vector<16xi32>
    %eq3A_86 = arith.cmpi eq, %get3A_23, %eq3A_85 : vector<16xi32>
    %gt3A_87 = arith.constant 5 : i32
    %gt3A_88 = vector.broadcast %gt3A_87 : i32 to vector<16xi32>
    %gt3A_89 = arith.cmpi sgt, %iota3A, %gt3A_88 : vector<16xi32>
    %and3A_90 = arith.andi %eq3A_86, %gt3A_89 : vector<16xi1>
    %or3A_91 = arith.ori %or3A_79, %and3A_90 : vector<16xi1>
    %eq3A_92 = vector.broadcast %squeeze3A_84 : i32 to vector<16xi32>
    %eq3A_93 = arith.cmpi eq, %get3A_26, %eq3A_92 : vector<16xi32>
    %or3A_94 = arith.ori %or3A_82, %eq3A_93 : vector<16xi1>
    %slice3A_95 = vector.extract_strided_slice %get3A_23 {offsets = [6], sizes = [1], strides = [1]} : vector<16xi32> to vector<1xi32>
    %squeeze3A_96 = vector.extract %slice3A_95[0] : i32 from vector<1xi32>
    %eq3A_97 = vector.broadcast %squeeze3A_96 : i32 to vector<16xi32>
    %eq3A_98 = arith.cmpi eq, %get3A_23, %eq3A_97 : vector<16xi32>
    %gt3A_99 = arith.constant 6 : i32
    %gt3A_100 = vector.broadcast %gt3A_99 : i32 to vector<16xi32>
    %gt3A_101 = arith.cmpi sgt, %iota3A, %gt3A_100 : vector<16xi32>
    %and3A_102 = arith.andi %eq3A_98, %gt3A_101 : vector<16xi1>
    %or3A_103 = arith.ori %or3A_91, %and3A_102 : vector<16xi1>
    %eq3A_104 = vector.broadcast %squeeze3A_96 : i32 to vector<16xi32>
    %eq3A_105 = arith.cmpi eq, %get3A_26, %eq3A_104 : vector<16xi32>
    %or3A_106 = arith.ori %or3A_94, %eq3A_105 : vector<16xi1>
    %slice3A_107 = vector.extract_strided_slice %get3A_23 {offsets = [7], sizes = [1], strides = [1]} : vector<16xi32> to vector<1xi32>
    %squeeze3A_108 = vector.extract %slice3A_107[0] : i32 from vector<1xi32>
    %eq3A_109 = vector.broadcast %squeeze3A_108 : i32 to vector<16xi32>
    %eq3A_110 = arith.cmpi eq, %get3A_23, %eq3A_109 : vector<16xi32>
    %gt3A_111 = arith.constant 7 : i32
    %gt3A_112 = vector.broadcast %gt3A_111 : i32 to vector<16xi32>
    %gt3A_113 = arith.cmpi sgt, %iota3A, %gt3A_112 : vector<16xi32>
    %and3A_114 = arith.andi %eq3A_110, %gt3A_113 : vector<16xi1>
    %or3A_115 = arith.ori %or3A_103, %and3A_114 : vector<16xi1>
    %eq3A_116 = vector.broadcast %squeeze3A_108 : i32 to vector<16xi32>
    %eq3A_117 = arith.cmpi eq, %get3A_26, %eq3A_116 : vector<16xi32>
    %or3A_118 = arith.ori %or3A_106, %eq3A_117 : vector<16xi1>
    %slice3A_119 = vector.extract_strided_slice %get3A_23 {offsets = [8], sizes = [1], strides = [1]} : vector<16xi32> to vector<1xi32>
    %squeeze3A_120 = vector.extract %slice3A_119[0] : i32 from vector<1xi32>
    %eq3A_121 = vector.broadcast %squeeze3A_120 : i32 to vector<16xi32>
    %eq3A_122 = arith.cmpi eq, %get3A_23, %eq3A_121 : vector<16xi32>
    %gt3A_123 = arith.constant 8 : i32
    %gt3A_124 = vector.broadcast %gt3A_123 : i32 to vector<16xi32>
    %gt3A_125 = arith.cmpi sgt, %iota3A, %gt3A_124 : vector<16xi32>
    %and3A_126 = arith.andi %eq3A_122, %gt3A_125 : vector<16xi1>
    %or3A_127 = arith.ori %or3A_115, %and3A_126 : vector<16xi1>
    %eq3A_128 = vector.broadcast %squeeze3A_120 : i32 to vector<16xi32>
    %eq3A_129 = arith.cmpi eq, %get3A_26, %eq3A_128 : vector<16xi32>
    %or3A_130 = arith.ori %or3A_118, %eq3A_129 : vector<16xi1>
    %slice3A_131 = vector.extract_strided_slice %get3A_23 {offsets = [9], sizes = [1], strides = [1]} : vector<16xi32> to vector<1xi32>
    %squeeze3A_132 = vector.extract %slice3A_131[0] : i32 from vector<1xi32>
    %eq3A_133 = vector.broadcast %squeeze3A_132 : i32 to vector<16xi32>
    %eq3A_134 = arith.cmpi eq, %get3A_23, %eq3A_133 : vector<16xi32>
    %gt3A_135 = arith.constant 9 : i32
    %gt3A_136 = vector.broadcast %gt3A_135 : i32 to vector<16xi32>
    %gt3A_137 = arith.cmpi sgt, %iota3A, %gt3A_136 : vector<16xi32>
    %and3A_138 = arith.andi %eq3A_134, %gt3A_137 : vector<16xi1>
    %or3A_139 = arith.ori %or3A_127, %and3A_138 : vector<16xi1>
    %eq3A_140 = vector.broadcast %squeeze3A_132 : i32 to vector<16xi32>
    %eq3A_141 = arith.cmpi eq, %get3A_26, %eq3A_140 : vector<16xi32>
    %or3A_142 = arith.ori %or3A_130, %eq3A_141 : vector<16xi1>
    %slice3A_143 = vector.extract_strided_slice %get3A_23 {offsets = [10], sizes = [1], strides = [1]} : vector<16xi32> to vector<1xi32>
    %squeeze3A_144 = vector.extract %slice3A_143[0] : i32 from vector<1xi32>
    %eq3A_145 = vector.broadcast %squeeze3A_144 : i32 to vector<16xi32>
    %eq3A_146 = arith.cmpi eq, %get3A_23, %eq3A_145 : vector<16xi32>
    %gt3A_147 = arith.constant 10 : i32
    %gt3A_148 = vector.broadcast %gt3A_147 : i32 to vector<16xi32>
    %gt3A_149 = arith.cmpi sgt, %iota3A, %gt3A_148 : vector<16xi32>
    %and3A_150 = arith.andi %eq3A_146, %gt3A_149 : vector<16xi1>
    %or3A_151 = arith.ori %or3A_139, %and3A_150 : vector<16xi1>
    %eq3A_152 = vector.broadcast %squeeze3A_144 : i32 to vector<16xi32>
    %eq3A_153 = arith.cmpi eq, %get3A_26, %eq3A_152 : vector<16xi32>
    %or3A_154 = arith.ori %or3A_142, %eq3A_153 : vector<16xi1>
    %slice3A_155 = vector.extract_strided_slice %get3A_23 {offsets = [11], sizes = [1], strides = [1]} : vector<16xi32> to vector<1xi32>
    %squeeze3A_156 = vector.extract %slice3A_155[0] : i32 from vector<1xi32>
    %eq3A_157 = vector.broadcast %squeeze3A_156 : i32 to vector<16xi32>
    %eq3A_158 = arith.cmpi eq, %get3A_23, %eq3A_157 : vector<16xi32>
    %gt3A_159 = arith.constant 11 : i32
    %gt3A_160 = vector.broadcast %gt3A_159 : i32 to vector<16xi32>
    %gt3A_161 = arith.cmpi sgt, %iota3A, %gt3A_160 : vector<16xi32>
    %and3A_162 = arith.andi %eq3A_158, %gt3A_161 : vector<16xi1>
    %or3A_163 = arith.ori %or3A_151, %and3A_162 : vector<16xi1>
    %eq3A_164 = vector.broadcast %squeeze3A_156 : i32 to vector<16xi32>
    %eq3A_165 = arith.cmpi eq, %get3A_26, %eq3A_164 : vector<16xi32>
    %or3A_166 = arith.ori %or3A_154, %eq3A_165 : vector<16xi1>
    %slice3A_167 = vector.extract_strided_slice %get3A_23 {offsets = [12], sizes = [1], strides = [1]} : vector<16xi32> to vector<1xi32>
    %squeeze3A_168 = vector.extract %slice3A_167[0] : i32 from vector<1xi32>
    %eq3A_169 = vector.broadcast %squeeze3A_168 : i32 to vector<16xi32>
    %eq3A_170 = arith.cmpi eq, %get3A_23, %eq3A_169 : vector<16xi32>
    %gt3A_171 = arith.constant 12 : i32
    %gt3A_172 = vector.broadcast %gt3A_171 : i32 to vector<16xi32>
    %gt3A_173 = arith.cmpi sgt, %iota3A, %gt3A_172 : vector<16xi32>
    %and3A_174 = arith.andi %eq3A_170, %gt3A_173 : vector<16xi1>
    %or3A_175 = arith.ori %or3A_163, %and3A_174 : vector<16xi1>
    %eq3A_176 = vector.broadcast %squeeze3A_168 : i32 to vector<16xi32>
    %eq3A_177 = arith.cmpi eq, %get3A_26, %eq3A_176 : vector<16xi32>
    %or3A_178 = arith.ori %or3A_166, %eq3A_177 : vector<16xi1>
    %slice3A_179 = vector.extract_strided_slice %get3A_23 {offsets = [13], sizes = [1], strides = [1]} : vector<16xi32> to vector<1xi32>
    %squeeze3A_180 = vector.extract %slice3A_179[0] : i32 from vector<1xi32>
    %eq3A_181 = vector.broadcast %squeeze3A_180 : i32 to vector<16xi32>
    %eq3A_182 = arith.cmpi eq, %get3A_23, %eq3A_181 : vector<16xi32>
    %gt3A_183 = arith.constant 13 : i32
    %gt3A_184 = vector.broadcast %gt3A_183 : i32 to vector<16xi32>
    %gt3A_185 = arith.cmpi sgt, %iota3A, %gt3A_184 : vector<16xi32>
    %and3A_186 = arith.andi %eq3A_182, %gt3A_185 : vector<16xi1>
    %or3A_187 = arith.ori %or3A_175, %and3A_186 : vector<16xi1>
    %eq3A_188 = vector.broadcast %squeeze3A_180 : i32 to vector<16xi32>
    %eq3A_189 = arith.cmpi eq, %get3A_26, %eq3A_188 : vector<16xi32>
    %or3A_190 = arith.ori %or3A_178, %eq3A_189 : vector<16xi1>
    %slice3A_191 = vector.extract_strided_slice %get3A_23 {offsets = [14], sizes = [1], strides = [1]} : vector<16xi32> to vector<1xi32>
    %squeeze3A_192 = vector.extract %slice3A_191[0] : i32 from vector<1xi32>
    %eq3A_193 = vector.broadcast %squeeze3A_192 : i32 to vector<16xi32>
    %eq3A_194 = arith.cmpi eq, %get3A_23, %eq3A_193 : vector<16xi32>
    %gt3A_195 = arith.constant 14 : i32
    %gt3A_196 = vector.broadcast %gt3A_195 : i32 to vector<16xi32>
    %gt3A_197 = arith.cmpi sgt, %iota3A, %gt3A_196 : vector<16xi32>
    %and3A_198 = arith.andi %eq3A_194, %gt3A_197 : vector<16xi1>
    %or3A_199 = arith.ori %or3A_187, %and3A_198 : vector<16xi1>
    %eq3A_200 = vector.broadcast %squeeze3A_192 : i32 to vector<16xi32>
    %eq3A_201 = arith.cmpi eq, %get3A_26, %eq3A_200 : vector<16xi32>
    %or3A_202 = arith.ori %or3A_190, %eq3A_201 : vector<16xi1>
    %slice3A_203 = vector.extract_strided_slice %get3A_23 {offsets = [15], sizes = [1], strides = [1]} : vector<16xi32> to vector<1xi32>
    %squeeze3A_204 = vector.extract %slice3A_203[0] : i32 from vector<1xi32>
    %eq3A_205 = vector.broadcast %squeeze3A_204 : i32 to vector<16xi32>
    %eq3A_206 = arith.cmpi eq, %get3A_23, %eq3A_205 : vector<16xi32>
    %gt3A_207 = arith.constant 15 : i32
    %gt3A_208 = vector.broadcast %gt3A_207 : i32 to vector<16xi32>
    %gt3A_209 = arith.cmpi sgt, %iota3A, %gt3A_208 : vector<16xi32>
    %and3A_210 = arith.andi %eq3A_206, %gt3A_209 : vector<16xi1>
    %or3A_211 = arith.ori %or3A_199, %and3A_210 : vector<16xi1>
    %eq3A_212 = vector.broadcast %squeeze3A_204 : i32 to vector<16xi32>
    %eq3A_213 = arith.cmpi eq, %get3A_26, %eq3A_212 : vector<16xi32>
    %or3A_214 = arith.ori %or3A_202, %eq3A_213 : vector<16xi1>
    %slice3A_215 = vector.extract_strided_slice %get3A_26 {offsets = [0], sizes = [1], strides = [1]} : vector<16xi32> to vector<1xi32>
    %squeeze3A_216 = vector.extract %slice3A_215[0] : i32 from vector<1xi32>
    %eq3A_217 = vector.broadcast %squeeze3A_216 : i32 to vector<16xi32>
    %eq3A_218 = arith.cmpi eq, %get3A_26, %eq3A_217 : vector<16xi32>
    %gt3A_219 = arith.constant 0 : i32
    %gt3A_220 = vector.broadcast %gt3A_219 : i32 to vector<16xi32>
    %gt3A_221 = arith.cmpi sgt, %iota3A, %gt3A_220 : vector<16xi32>
    %and3A_222 = arith.andi %eq3A_218, %gt3A_221 : vector<16xi1>
    %or3A_223 = arith.ori %or3A_214, %and3A_222 : vector<16xi1>
    %slice3A_224 = vector.extract_strided_slice %get3A_26 {offsets = [1], sizes = [1], strides = [1]} : vector<16xi32> to vector<1xi32>
    %squeeze3A_225 = vector.extract %slice3A_224[0] : i32 from vector<1xi32>
    %eq3A_226 = vector.broadcast %squeeze3A_225 : i32 to vector<16xi32>
    %eq3A_227 = arith.cmpi eq, %get3A_26, %eq3A_226 : vector<16xi32>
    %gt3A_228 = arith.constant 1 : i32
    %gt3A_229 = vector.broadcast %gt3A_228 : i32 to vector<16xi32>
    %gt3A_230 = arith.cmpi sgt, %iota3A, %gt3A_229 : vector<16xi32>
    %and3A_231 = arith.andi %eq3A_227, %gt3A_230 : vector<16xi1>
    %or3A_232 = arith.ori %or3A_223, %and3A_231 : vector<16xi1>
    %slice3A_233 = vector.extract_strided_slice %get3A_26 {offsets = [2], sizes = [1], strides = [1]} : vector<16xi32> to vector<1xi32>
    %squeeze3A_234 = vector.extract %slice3A_233[0] : i32 from vector<1xi32>
    %eq3A_235 = vector.broadcast %squeeze3A_234 : i32 to vector<16xi32>
    %eq3A_236 = arith.cmpi eq, %get3A_26, %eq3A_235 : vector<16xi32>
    %gt3A_237 = arith.constant 2 : i32
    %gt3A_238 = vector.broadcast %gt3A_237 : i32 to vector<16xi32>
    %gt3A_239 = arith.cmpi sgt, %iota3A, %gt3A_238 : vector<16xi32>
    %and3A_240 = arith.andi %eq3A_236, %gt3A_239 : vector<16xi1>
    %or3A_241 = arith.ori %or3A_232, %and3A_240 : vector<16xi1>
    %slice3A_242 = vector.extract_strided_slice %get3A_26 {offsets = [3], sizes = [1], strides = [1]} : vector<16xi32> to vector<1xi32>
    %squeeze3A_243 = vector.extract %slice3A_242[0] : i32 from vector<1xi32>
    %eq3A_244 = vector.broadcast %squeeze3A_243 : i32 to vector<16xi32>
    %eq3A_245 = arith.cmpi eq, %get3A_26, %eq3A_244 : vector<16xi32>
    %gt3A_246 = arith.constant 3 : i32
    %gt3A_247 = vector.broadcast %gt3A_246 : i32 to vector<16xi32>
    %gt3A_248 = arith.cmpi sgt, %iota3A, %gt3A_247 : vector<16xi32>
    %and3A_249 = arith.andi %eq3A_245, %gt3A_248 : vector<16xi1>
    %or3A_250 = arith.ori %or3A_241, %and3A_249 : vector<16xi1>
    %slice3A_251 = vector.extract_strided_slice %get3A_26 {offsets = [4], sizes = [1], strides = [1]} : vector<16xi32> to vector<1xi32>
    %squeeze3A_252 = vector.extract %slice3A_251[0] : i32 from vector<1xi32>
    %eq3A_253 = vector.broadcast %squeeze3A_252 : i32 to vector<16xi32>
    %eq3A_254 = arith.cmpi eq, %get3A_26, %eq3A_253 : vector<16xi32>
    %gt3A_255 = arith.constant 4 : i32
    %gt3A_256 = vector.broadcast %gt3A_255 : i32 to vector<16xi32>
    %gt3A_257 = arith.cmpi sgt, %iota3A, %gt3A_256 : vector<16xi32>
    %and3A_258 = arith.andi %eq3A_254, %gt3A_257 : vector<16xi1>
    %or3A_259 = arith.ori %or3A_250, %and3A_258 : vector<16xi1>
    %slice3A_260 = vector.extract_strided_slice %get3A_26 {offsets = [5], sizes = [1], strides = [1]} : vector<16xi32> to vector<1xi32>
    %squeeze3A_261 = vector.extract %slice3A_260[0] : i32 from vector<1xi32>
    %eq3A_262 = vector.broadcast %squeeze3A_261 : i32 to vector<16xi32>
    %eq3A_263 = arith.cmpi eq, %get3A_26, %eq3A_262 : vector<16xi32>
    %gt3A_264 = arith.constant 5 : i32
    %gt3A_265 = vector.broadcast %gt3A_264 : i32 to vector<16xi32>
    %gt3A_266 = arith.cmpi sgt, %iota3A, %gt3A_265 : vector<16xi32>
    %and3A_267 = arith.andi %eq3A_263, %gt3A_266 : vector<16xi1>
    %or3A_268 = arith.ori %or3A_259, %and3A_267 : vector<16xi1>
    %slice3A_269 = vector.extract_strided_slice %get3A_26 {offsets = [6], sizes = [1], strides = [1]} : vector<16xi32> to vector<1xi32>
    %squeeze3A_270 = vector.extract %slice3A_269[0] : i32 from vector<1xi32>
    %eq3A_271 = vector.broadcast %squeeze3A_270 : i32 to vector<16xi32>
    %eq3A_272 = arith.cmpi eq, %get3A_26, %eq3A_271 : vector<16xi32>
    %gt3A_273 = arith.constant 6 : i32
    %gt3A_274 = vector.broadcast %gt3A_273 : i32 to vector<16xi32>
    %gt3A_275 = arith.cmpi sgt, %iota3A, %gt3A_274 : vector<16xi32>
    %and3A_276 = arith.andi %eq3A_272, %gt3A_275 : vector<16xi1>
    %or3A_277 = arith.ori %or3A_268, %and3A_276 : vector<16xi1>
    %slice3A_278 = vector.extract_strided_slice %get3A_26 {offsets = [7], sizes = [1], strides = [1]} : vector<16xi32> to vector<1xi32>
    %squeeze3A_279 = vector.extract %slice3A_278[0] : i32 from vector<1xi32>
    %eq3A_280 = vector.broadcast %squeeze3A_279 : i32 to vector<16xi32>
    %eq3A_281 = arith.cmpi eq, %get3A_26, %eq3A_280 : vector<16xi32>
    %gt3A_282 = arith.constant 7 : i32
    %gt3A_283 = vector.broadcast %gt3A_282 : i32 to vector<16xi32>
    %gt3A_284 = arith.cmpi sgt, %iota3A, %gt3A_283 : vector<16xi32>
    %and3A_285 = arith.andi %eq3A_281, %gt3A_284 : vector<16xi1>
    %or3A_286 = arith.ori %or3A_277, %and3A_285 : vector<16xi1>
    %slice3A_287 = vector.extract_strided_slice %get3A_26 {offsets = [8], sizes = [1], strides = [1]} : vector<16xi32> to vector<1xi32>
    %squeeze3A_288 = vector.extract %slice3A_287[0] : i32 from vector<1xi32>
    %eq3A_289 = vector.broadcast %squeeze3A_288 : i32 to vector<16xi32>
    %eq3A_290 = arith.cmpi eq, %get3A_26, %eq3A_289 : vector<16xi32>
    %gt3A_291 = arith.constant 8 : i32
    %gt3A_292 = vector.broadcast %gt3A_291 : i32 to vector<16xi32>
    %gt3A_293 = arith.cmpi sgt, %iota3A, %gt3A_292 : vector<16xi32>
    %and3A_294 = arith.andi %eq3A_290, %gt3A_293 : vector<16xi1>
    %or3A_295 = arith.ori %or3A_286, %and3A_294 : vector<16xi1>
    %slice3A_296 = vector.extract_strided_slice %get3A_26 {offsets = [9], sizes = [1], strides = [1]} : vector<16xi32> to vector<1xi32>
    %squeeze3A_297 = vector.extract %slice3A_296[0] : i32 from vector<1xi32>
    %eq3A_298 = vector.broadcast %squeeze3A_297 : i32 to vector<16xi32>
    %eq3A_299 = arith.cmpi eq, %get3A_26, %eq3A_298 : vector<16xi32>
    %gt3A_300 = arith.constant 9 : i32
    %gt3A_301 = vector.broadcast %gt3A_300 : i32 to vector<16xi32>
    %gt3A_302 = arith.cmpi sgt, %iota3A, %gt3A_301 : vector<16xi32>
    %and3A_303 = arith.andi %eq3A_299, %gt3A_302 : vector<16xi1>
    %or3A_304 = arith.ori %or3A_295, %and3A_303 : vector<16xi1>
    %slice3A_305 = vector.extract_strided_slice %get3A_26 {offsets = [10], sizes = [1], strides = [1]} : vector<16xi32> to vector<1xi32>
    %squeeze3A_306 = vector.extract %slice3A_305[0] : i32 from vector<1xi32>
    %eq3A_307 = vector.broadcast %squeeze3A_306 : i32 to vector<16xi32>
    %eq3A_308 = arith.cmpi eq, %get3A_26, %eq3A_307 : vector<16xi32>
    %gt3A_309 = arith.constant 10 : i32
    %gt3A_310 = vector.broadcast %gt3A_309 : i32 to vector<16xi32>
    %gt3A_311 = arith.cmpi sgt, %iota3A, %gt3A_310 : vector<16xi32>
    %and3A_312 = arith.andi %eq3A_308, %gt3A_311 : vector<16xi1>
    %or3A_313 = arith.ori %or3A_304, %and3A_312 : vector<16xi1>
    %slice3A_314 = vector.extract_strided_slice %get3A_26 {offsets = [11], sizes = [1], strides = [1]} : vector<16xi32> to vector<1xi32>
    %squeeze3A_315 = vector.extract %slice3A_314[0] : i32 from vector<1xi32>
    %eq3A_316 = vector.broadcast %squeeze3A_315 : i32 to vector<16xi32>
    %eq3A_317 = arith.cmpi eq, %get3A_26, %eq3A_316 : vector<16xi32>
    %gt3A_318 = arith.constant 11 : i32
    %gt3A_319 = vector.broadcast %gt3A_318 : i32 to vector<16xi32>
    %gt3A_320 = arith.cmpi sgt, %iota3A, %gt3A_319 : vector<16xi32>
    %and3A_321 = arith.andi %eq3A_317, %gt3A_320 : vector<16xi1>
    %or3A_322 = arith.ori %or3A_313, %and3A_321 : vector<16xi1>
    %slice3A_323 = vector.extract_strided_slice %get3A_26 {offsets = [12], sizes = [1], strides = [1]} : vector<16xi32> to vector<1xi32>
    %squeeze3A_324 = vector.extract %slice3A_323[0] : i32 from vector<1xi32>
    %eq3A_325 = vector.broadcast %squeeze3A_324 : i32 to vector<16xi32>
    %eq3A_326 = arith.cmpi eq, %get3A_26, %eq3A_325 : vector<16xi32>
    %gt3A_327 = arith.constant 12 : i32
    %gt3A_328 = vector.broadcast %gt3A_327 : i32 to vector<16xi32>
    %gt3A_329 = arith.cmpi sgt, %iota3A, %gt3A_328 : vector<16xi32>
    %and3A_330 = arith.andi %eq3A_326, %gt3A_329 : vector<16xi1>
    %or3A_331 = arith.ori %or3A_322, %and3A_330 : vector<16xi1>
    %slice3A_332 = vector.extract_strided_slice %get3A_26 {offsets = [13], sizes = [1], strides = [1]} : vector<16xi32> to vector<1xi32>
    %squeeze3A_333 = vector.extract %slice3A_332[0] : i32 from vector<1xi32>
    %eq3A_334 = vector.broadcast %squeeze3A_333 : i32 to vector<16xi32>
    %eq3A_335 = arith.cmpi eq, %get3A_26, %eq3A_334 : vector<16xi32>
    %gt3A_336 = arith.constant 13 : i32
    %gt3A_337 = vector.broadcast %gt3A_336 : i32 to vector<16xi32>
    %gt3A_338 = arith.cmpi sgt, %iota3A, %gt3A_337 : vector<16xi32>
    %and3A_339 = arith.andi %eq3A_335, %gt3A_338 : vector<16xi1>
    %or3A_340 = arith.ori %or3A_331, %and3A_339 : vector<16xi1>
    %slice3A_341 = vector.extract_strided_slice %get3A_26 {offsets = [14], sizes = [1], strides = [1]} : vector<16xi32> to vector<1xi32>
    %squeeze3A_342 = vector.extract %slice3A_341[0] : i32 from vector<1xi32>
    %eq3A_343 = vector.broadcast %squeeze3A_342 : i32 to vector<16xi32>
    %eq3A_344 = arith.cmpi eq, %get3A_26, %eq3A_343 : vector<16xi32>
    %gt3A_345 = arith.constant 14 : i32
    %gt3A_346 = vector.broadcast %gt3A_345 : i32 to vector<16xi32>
    %gt3A_347 = arith.cmpi sgt, %iota3A, %gt3A_346 : vector<16xi32>
    %and3A_348 = arith.andi %eq3A_344, %gt3A_347 : vector<16xi1>
    %or3A_349 = arith.ori %or3A_340, %and3A_348 : vector<16xi1>
    %slice3A_350 = vector.extract_strided_slice %get3A_26 {offsets = [15], sizes = [1], strides = [1]} : vector<16xi32> to vector<1xi32>
    %squeeze3A_351 = vector.extract %slice3A_350[0] : i32 from vector<1xi32>
    %eq3A_352 = vector.broadcast %squeeze3A_351 : i32 to vector<16xi32>
    %eq3A_353 = arith.cmpi eq, %get3A_26, %eq3A_352 : vector<16xi32>
    %gt3A_354 = arith.constant 15 : i32
    %gt3A_355 = vector.broadcast %gt3A_354 : i32 to vector<16xi32>
    %gt3A_356 = arith.cmpi sgt, %iota3A, %gt3A_355 : vector<16xi32>
    %and3A_357 = arith.andi %eq3A_353, %gt3A_356 : vector<16xi1>
    %or3A_358 = arith.ori %or3A_349, %and3A_357 : vector<16xi1>
    %jit3A_359 = arith.constant 0.000000e+00 : f32
    %jit3A_360 = arith.constant 1.000000e+00 : f32
    %broadcast_in_dim3A = vector.broadcast %jit3A_359 : f32 to vector<16xf32>
    %broadcast_in_dim3A_361 = vector.broadcast %jit3A_360 : f32 to vector<16xf32>
    %select_n3A_362 = arith.select %or3A_211, %broadcast_in_dim3A, %broadcast_in_dim3A_361 : vector<16xi1>, vector<16xf32>
    %jit3A_363 = arith.constant 0.000000e+00 : f32
    %jit3A_364 = arith.constant 1.000000e+00 : f32
    %broadcast_in_dim3A_365 = vector.broadcast %jit3A_363 : f32 to vector<16xf32>
    %broadcast_in_dim3A_366 = vector.broadcast %jit3A_364 : f32 to vector<16xf32>
    %select_n3A_367 = arith.select %or3A_358, %broadcast_in_dim3A_365, %broadcast_in_dim3A_366 : vector<16xi1>, vector<16xf32>
    %slice3A_368 = vector.extract_strided_slice %select_n3A_362 {offsets = [0], sizes = [1], strides = [1]} : vector<16xf32> to vector<1xf32>
    %squeeze3A_369 = vector.extract %slice3A_368[0] : f32 from vector<1xf32>
    %slice3A_370 = vector.extract_strided_slice %select_n3A_362 {offsets = [1], sizes = [1], strides = [1]} : vector<16xf32> to vector<1xf32>
    %squeeze3A_371 = vector.extract %slice3A_370[0] : f32 from vector<1xf32>
    %slice3A_372 = vector.extract_strided_slice %select_n3A_362 {offsets = [2], sizes = [1], strides = [1]} : vector<16xf32> to vector<1xf32>
    %squeeze3A_373 = vector.extract %slice3A_372[0] : f32 from vector<1xf32>
    %slice3A_374 = vector.extract_strided_slice %select_n3A_362 {offsets = [3], sizes = [1], strides = [1]} : vector<16xf32> to vector<1xf32>
    %squeeze3A_375 = vector.extract %slice3A_374[0] : f32 from vector<1xf32>
    %slice3A_376 = vector.extract_strided_slice %select_n3A_362 {offsets = [4], sizes = [1], strides = [1]} : vector<16xf32> to vector<1xf32>
    %squeeze3A_377 = vector.extract %slice3A_376[0] : f32 from vector<1xf32>
    %slice3A_378 = vector.extract_strided_slice %select_n3A_362 {offsets = [5], sizes = [1], strides = [1]} : vector<16xf32> to vector<1xf32>
    %squeeze3A_379 = vector.extract %slice3A_378[0] : f32 from vector<1xf32>
    %slice3A_380 = vector.extract_strided_slice %select_n3A_362 {offsets = [6], sizes = [1], strides = [1]} : vector<16xf32> to vector<1xf32>
    %squeeze3A_381 = vector.extract %slice3A_380[0] : f32 from vector<1xf32>
    %slice3A_382 = vector.extract_strided_slice %select_n3A_362 {offsets = [7], sizes = [1], strides = [1]} : vector<16xf32> to vector<1xf32>
    %squeeze3A_383 = vector.extract %slice3A_382[0] : f32 from vector<1xf32>
    %slice3A_384 = vector.extract_strided_slice %select_n3A_362 {offsets = [8], sizes = [1], strides = [1]} : vector<16xf32> to vector<1xf32>
    %squeeze3A_385 = vector.extract %slice3A_384[0] : f32 from vector<1xf32>
    %slice3A_386 = vector.extract_strided_slice %select_n3A_362 {offsets = [9], sizes = [1], strides = [1]} : vector<16xf32> to vector<1xf32>
    %squeeze3A_387 = vector.extract %slice3A_386[0] : f32 from vector<1xf32>
    %slice3A_388 = vector.extract_strided_slice %select_n3A_362 {offsets = [10], sizes = [1], strides = [1]} : vector<16xf32> to vector<1xf32>
    %squeeze3A_389 = vector.extract %slice3A_388[0] : f32 from vector<1xf32>
    %slice3A_390 = vector.extract_strided_slice %select_n3A_362 {offsets = [11], sizes = [1], strides = [1]} : vector<16xf32> to vector<1xf32>
    %squeeze3A_391 = vector.extract %slice3A_390[0] : f32 from vector<1xf32>
    %slice3A_392 = vector.extract_strided_slice %select_n3A_362 {offsets = [12], sizes = [1], strides = [1]} : vector<16xf32> to vector<1xf32>
    %squeeze3A_393 = vector.extract %slice3A_392[0] : f32 from vector<1xf32>
    %slice3A_394 = vector.extract_strided_slice %select_n3A_362 {offsets = [13], sizes = [1], strides = [1]} : vector<16xf32> to vector<1xf32>
    %squeeze3A_395 = vector.extract %slice3A_394[0] : f32 from vector<1xf32>
    %slice3A_396 = vector.extract_strided_slice %select_n3A_362 {offsets = [14], sizes = [1], strides = [1]} : vector<16xf32> to vector<1xf32>
    %squeeze3A_397 = vector.extract %slice3A_396[0] : f32 from vector<1xf32>
    %slice3A_398 = vector.extract_strided_slice %select_n3A_362 {offsets = [15], sizes = [1], strides = [1]} : vector<16xf32> to vector<1xf32>
    %squeeze3A_399 = vector.extract %slice3A_398[0] : f32 from vector<1xf32>
    %slice3A_400 = vector.extract_strided_slice %select_n3A_367 {offsets = [0], sizes = [1], strides = [1]} : vector<16xf32> to vector<1xf32>
    %squeeze3A_401 = vector.extract %slice3A_400[0] : f32 from vector<1xf32>
    %slice3A_402 = vector.extract_strided_slice %select_n3A_367 {offsets = [1], sizes = [1], strides = [1]} : vector<16xf32> to vector<1xf32>
    %squeeze3A_403 = vector.extract %slice3A_402[0] : f32 from vector<1xf32>
    %slice3A_404 = vector.extract_strided_slice %select_n3A_367 {offsets = [2], sizes = [1], strides = [1]} : vector<16xf32> to vector<1xf32>
    %squeeze3A_405 = vector.extract %slice3A_404[0] : f32 from vector<1xf32>
    %slice3A_406 = vector.extract_strided_slice %select_n3A_367 {offsets = [3], sizes = [1], strides = [1]} : vector<16xf32> to vector<1xf32>
    %squeeze3A_407 = vector.extract %slice3A_406[0] : f32 from vector<1xf32>
    %slice3A_408 = vector.extract_strided_slice %select_n3A_367 {offsets = [4], sizes = [1], strides = [1]} : vector<16xf32> to vector<1xf32>
    %squeeze3A_409 = vector.extract %slice3A_408[0] : f32 from vector<1xf32>
    %slice3A_410 = vector.extract_strided_slice %select_n3A_367 {offsets = [5], sizes = [1], strides = [1]} : vector<16xf32> to vector<1xf32>
    %squeeze3A_411 = vector.extract %slice3A_410[0] : f32 from vector<1xf32>
    %slice3A_412 = vector.extract_strided_slice %select_n3A_367 {offsets = [6], sizes = [1], strides = [1]} : vector<16xf32> to vector<1xf32>
    %squeeze3A_413 = vector.extract %slice3A_412[0] : f32 from vector<1xf32>
    %slice3A_414 = vector.extract_strided_slice %select_n3A_367 {offsets = [7], sizes = [1], strides = [1]} : vector<16xf32> to vector<1xf32>
    %squeeze3A_415 = vector.extract %slice3A_414[0] : f32 from vector<1xf32>
    %slice3A_416 = vector.extract_strided_slice %select_n3A_367 {offsets = [8], sizes = [1], strides = [1]} : vector<16xf32> to vector<1xf32>
    %squeeze3A_417 = vector.extract %slice3A_416[0] : f32 from vector<1xf32>
    %slice3A_418 = vector.extract_strided_slice %select_n3A_367 {offsets = [9], sizes = [1], strides = [1]} : vector<16xf32> to vector<1xf32>
    %squeeze3A_419 = vector.extract %slice3A_418[0] : f32 from vector<1xf32>
    %slice3A_420 = vector.extract_strided_slice %select_n3A_367 {offsets = [10], sizes = [1], strides = [1]} : vector<16xf32> to vector<1xf32>
    %squeeze3A_421 = vector.extract %slice3A_420[0] : f32 from vector<1xf32>
    %slice3A_422 = vector.extract_strided_slice %select_n3A_367 {offsets = [11], sizes = [1], strides = [1]} : vector<16xf32> to vector<1xf32>
    %squeeze3A_423 = vector.extract %slice3A_422[0] : f32 from vector<1xf32>
    %slice3A_424 = vector.extract_strided_slice %select_n3A_367 {offsets = [12], sizes = [1], strides = [1]} : vector<16xf32> to vector<1xf32>
    %squeeze3A_425 = vector.extract %slice3A_424[0] : f32 from vector<1xf32>
    %slice3A_426 = vector.extract_strided_slice %select_n3A_367 {offsets = [13], sizes = [1], strides = [1]} : vector<16xf32> to vector<1xf32>
    %squeeze3A_427 = vector.extract %slice3A_426[0] : f32 from vector<1xf32>
    %slice3A_428 = vector.extract_strided_slice %select_n3A_367 {offsets = [14], sizes = [1], strides = [1]} : vector<16xf32> to vector<1xf32>
    %squeeze3A_429 = vector.extract %slice3A_428[0] : f32 from vector<1xf32>
    %slice3A_430 = vector.extract_strided_slice %select_n3A_367 {offsets = [15], sizes = [1], strides = [1]} : vector<16xf32> to vector<1xf32>
    %squeeze3A_431 = vector.extract %slice3A_430[0] : f32 from vector<1xf32>
    %add3A_432 = arith.addf %squeeze3A_369, %squeeze3A_371 : f32
    %add3A_433 = arith.addf %add3A_432, %squeeze3A_373 : f32
    %add3A_434 = arith.addf %add3A_433, %squeeze3A_375 : f32
    %add3A_435 = arith.addf %add3A_434, %squeeze3A_377 : f32
    %add3A_436 = arith.addf %add3A_435, %squeeze3A_379 : f32
    %add3A_437 = arith.addf %add3A_436, %squeeze3A_381 : f32
    %add3A_438 = arith.addf %add3A_437, %squeeze3A_383 : f32
    %add3A_439 = arith.addf %add3A_438, %squeeze3A_385 : f32
    %add3A_440 = arith.addf %add3A_439, %squeeze3A_387 : f32
    %add3A_441 = arith.addf %add3A_440, %squeeze3A_389 : f32
    %add3A_442 = arith.addf %add3A_441, %squeeze3A_391 : f32
    %add3A_443 = arith.addf %add3A_442, %squeeze3A_393 : f32
    %add3A_444 = arith.addf %add3A_443, %squeeze3A_395 : f32
    %add3A_445 = arith.addf %add3A_444, %squeeze3A_397 : f32
    %add3A_446 = arith.addf %add3A_445, %squeeze3A_399 : f32
    %add3A_447 = arith.addf %add3A_446, %squeeze3A_401 : f32
    %add3A_448 = arith.addf %add3A_447, %squeeze3A_403 : f32
    %add3A_449 = arith.addf %add3A_448, %squeeze3A_405 : f32
    %add3A_450 = arith.addf %add3A_449, %squeeze3A_407 : f32
    %add3A_451 = arith.addf %add3A_450, %squeeze3A_409 : f32
    %add3A_452 = arith.addf %add3A_451, %squeeze3A_411 : f32
    %add3A_453 = arith.addf %add3A_452, %squeeze3A_413 : f32
    %add3A_454 = arith.addf %add3A_453, %squeeze3A_415 : f32
    %add3A_455 = arith.addf %add3A_454, %squeeze3A_417 : f32
    %add3A_456 = arith.addf %add3A_455, %squeeze3A_419 : f32
    %add3A_457 = arith.addf %add3A_456, %squeeze3A_421 : f32
    %add3A_458 = arith.addf %add3A_457, %squeeze3A_423 : f32
    %add3A_459 = arith.addf %add3A_458, %squeeze3A_425 : f32
    %add3A_460 = arith.addf %add3A_459, %squeeze3A_427 : f32
    %add3A_461 = arith.addf %add3A_460, %squeeze3A_429 : f32
    %add3A_462 = arith.addf %add3A_461, %squeeze3A_431 : f32
    %broadcast_in_dim3A_463 = arith.constant 1.000000e+00 : f32
    %broadcast_in_dim3A_464 = vector.broadcast %broadcast_in_dim3A_463 : f32 to vector<16xf32>
    %mul3A_465 = vector.broadcast %add3A_462 : f32 to vector<16xf32>
    %mul3A_466 = arith.mulf %broadcast_in_dim3A_464, %mul3A_465 : vector<16xf32>
    %div3A_467 = arith.constant 1.000000e+00 : f32
    %div3A_468 = vector.broadcast %div3A_467 : f32 to vector<16xf32>
    %div3A_469 = arith.divf %div3A_468, %mul3A_466 : vector<16xf32>
    %dma_wait3A = arith.constant 0 : i32
    %dma_wait3A_470 = tpu.memref_slice %arg2[%dma_wait3A, %multiple_of3A] : memref<16384x1024xf32, #tpu.memory_space<hbm>> -> memref<16384x128xf32, #tpu.memory_space<hbm>>
    tpu.wait_indirect_dma semaphore(%arg8 : memref<!tpu.dma_semaphore, #tpu.memory_space<semaphore_mem>>) src(%dma_wait3A_470 : memref<16384x128xf32, #tpu.memory_space<hbm>>) dst(%arg6 : memref<32x128xf32, #tpu.memory_space<vmem>>)
    %get3A_471 = arith.constant 0 : i32
    %get3A_472 = arith.index_cast %get3A_471 : i32 to index
    %get3A_473 = arith.constant 0 : index
    %get3A_474 = tpu.vector_load %arg6[%get3A_472, %get3A_473] {strides = array<i32>} : memref<32x128xf32, #tpu.memory_space<vmem>>, vector<1x16xf32>,
    %get3A_475 = vector.shape_cast %get3A_474 : vector<1x16xf32> to vector<16xf32>
    %mul3A_476 = vector.broadcast %squeeze3A_369 : f32 to vector<16xf32>
    %mul3A_477 = arith.mulf %get3A_475, %mul3A_476 : vector<16xf32>
    %get3A_478 = arith.constant 1 : i32
    %get3A_479 = arith.index_cast %get3A_478 : i32 to index
    %get3A_480 = arith.constant 0 : index
    %get3A_481 = tpu.vector_load %arg6[%get3A_479, %get3A_480] {strides = array<i32>} : memref<32x128xf32, #tpu.memory_space<vmem>>, vector<1x16xf32>,
    %get3A_482 = vector.shape_cast %get3A_481 : vector<1x16xf32> to vector<16xf32>
    %mul3A_483 = vector.broadcast %squeeze3A_371 : f32 to vector<16xf32>
    %mul3A_484 = arith.mulf %get3A_482, %mul3A_483 : vector<16xf32>
    %add3A_485 = arith.addf %mul3A_477, %mul3A_484 : vector<16xf32>
    %get3A_486 = arith.constant 2 : i32
    %get3A_487 = arith.index_cast %get3A_486 : i32 to index
    %get3A_488 = arith.constant 0 : index
    %get3A_489 = tpu.vector_load %arg6[%get3A_487, %get3A_488] {strides = array<i32>} : memref<32x128xf32, #tpu.memory_space<vmem>>, vector<1x16xf32>,
    %get3A_490 = vector.shape_cast %get3A_489 : vector<1x16xf32> to vector<16xf32>
    %mul3A_491 = vector.broadcast %squeeze3A_373 : f32 to vector<16xf32>
    %mul3A_492 = arith.mulf %get3A_490, %mul3A_491 : vector<16xf32>
    %add3A_493 = arith.addf %add3A_485, %mul3A_492 : vector<16xf32>
    %get3A_494 = arith.constant 3 : i32
    %get3A_495 = arith.index_cast %get3A_494 : i32 to index
    %get3A_496 = arith.constant 0 : index
    %get3A_497 = tpu.vector_load %arg6[%get3A_495, %get3A_496] {strides = array<i32>} : memref<32x128xf32, #tpu.memory_space<vmem>>, vector<1x16xf32>,
    %get3A_498 = vector.shape_cast %get3A_497 : vector<1x16xf32> to vector<16xf32>
    %mul3A_499 = vector.broadcast %squeeze3A_375 : f32 to vector<16xf32>
    %mul3A_500 = arith.mulf %get3A_498, %mul3A_499 : vector<16xf32>
    %add3A_501 = arith.addf %add3A_493, %mul3A_500 : vector<16xf32>
    %get3A_502 = arith.constant 4 : i32
    %get3A_503 = arith.index_cast %get3A_502 : i32 to index
    %get3A_504 = arith.constant 0 : index
    %get3A_505 = tpu.vector_load %arg6[%get3A_503, %get3A_504] {strides = array<i32>} : memref<32x128xf32, #tpu.memory_space<vmem>>, vector<1x16xf32>,
    %get3A_506 = vector.shape_cast %get3A_505 : vector<1x16xf32> to vector<16xf32>
    %mul3A_507 = vector.broadcast %squeeze3A_377 : f32 to vector<16xf32>
    %mul3A_508 = arith.mulf %get3A_506, %mul3A_507 : vector<16xf32>
    %add3A_509 = arith.addf %add3A_501, %mul3A_508 : vector<16xf32>
    %get3A_510 = arith.constant 5 : i32
    %get3A_511 = arith.index_cast %get3A_510 : i32 to index
    %get3A_512 = arith.constant 0 : index
    %get3A_513 = tpu.vector_load %arg6[%get3A_511, %get3A_512] {strides = array<i32>} : memref<32x128xf32, #tpu.memory_space<vmem>>, vector<1x16xf32>,
    %get3A_514 = vector.shape_cast %get3A_513 : vector<1x16xf32> to vector<16xf32>
    %mul3A_515 = vector.broadcast %squeeze3A_379 : f32 to vector<16xf32>
    %mul3A_516 = arith.mulf %get3A_514, %mul3A_515 : vector<16xf32>
    %add3A_517 = arith.addf %add3A_509, %mul3A_516 : vector<16xf32>
    %get3A_518 = arith.constant 6 : i32
    %get3A_519 = arith.index_cast %get3A_518 : i32 to index
    %get3A_520 = arith.constant 0 : index
    %get3A_521 = tpu.vector_load %arg6[%get3A_519, %get3A_520] {strides = array<i32>} : memref<32x128xf32, #tpu.memory_space<vmem>>, vector<1x16xf32>,
    %get3A_522 = vector.shape_cast %get3A_521 : vector<1x16xf32> to vector<16xf32>
    %mul3A_523 = vector.broadcast %squeeze3A_381 : f32 to vector<16xf32>
    %mul3A_524 = arith.mulf %get3A_522, %mul3A_523 : vector<16xf32>
    %add3A_525 = arith.addf %add3A_517, %mul3A_524 : vector<16xf32>
    %get3A_526 = arith.constant 7 : i32
    %get3A_527 = arith.index_cast %get3A_526 : i32 to index
    %get3A_528 = arith.constant 0 : index
    %get3A_529 = tpu.vector_load %arg6[%get3A_527, %get3A_528] {strides = array<i32>} : memref<32x128xf32, #tpu.memory_space<vmem>>, vector<1x16xf32>,
    %get3A_530 = vector.shape_cast %get3A_529 : vector<1x16xf32> to vector<16xf32>
    %mul3A_531 = vector.broadcast %squeeze3A_383 : f32 to vector<16xf32>
    %mul3A_532 = arith.mulf %get3A_530, %mul3A_531 : vector<16xf32>
    %add3A_533 = arith.addf %add3A_525, %mul3A_532 : vector<16xf32>
    %get3A_534 = arith.constant 8 : i32
    %get3A_535 = arith.index_cast %get3A_534 : i32 to index
    %get3A_536 = arith.constant 0 : index
    %get3A_537 = tpu.vector_load %arg6[%get3A_535, %get3A_536] {strides = array<i32>} : memref<32x128xf32, #tpu.memory_space<vmem>>, vector<1x16xf32>,
    %get3A_538 = vector.shape_cast %get3A_537 : vector<1x16xf32> to vector<16xf32>
    %mul3A_539 = vector.broadcast %squeeze3A_385 : f32 to vector<16xf32>
    %mul3A_540 = arith.mulf %get3A_538, %mul3A_539 : vector<16xf32>
    %add3A_541 = arith.addf %add3A_533, %mul3A_540 : vector<16xf32>
    %get3A_542 = arith.constant 9 : i32
    %get3A_543 = arith.index_cast %get3A_542 : i32 to index
    %get3A_544 = arith.constant 0 : index
    %get3A_545 = tpu.vector_load %arg6[%get3A_543, %get3A_544] {strides = array<i32>} : memref<32x128xf32, #tpu.memory_space<vmem>>, vector<1x16xf32>,
    %get3A_546 = vector.shape_cast %get3A_545 : vector<1x16xf32> to vector<16xf32>
    %mul3A_547 = vector.broadcast %squeeze3A_387 : f32 to vector<16xf32>
    %mul3A_548 = arith.mulf %get3A_546, %mul3A_547 : vector<16xf32>
    %add3A_549 = arith.addf %add3A_541, %mul3A_548 : vector<16xf32>
    %get3A_550 = arith.constant 10 : i32
    %get3A_551 = arith.index_cast %get3A_550 : i32 to index
    %get3A_552 = arith.constant 0 : index
    %get3A_553 = tpu.vector_load %arg6[%get3A_551, %get3A_552] {strides = array<i32>} : memref<32x128xf32, #tpu.memory_space<vmem>>, vector<1x16xf32>,
    %get3A_554 = vector.shape_cast %get3A_553 : vector<1x16xf32> to vector<16xf32>
    %mul3A_555 = vector.broadcast %squeeze3A_389 : f32 to vector<16xf32>
    %mul3A_556 = arith.mulf %get3A_554, %mul3A_555 : vector<16xf32>
    %add3A_557 = arith.addf %add3A_549, %mul3A_556 : vector<16xf32>
    %get3A_558 = arith.constant 11 : i32
    %get3A_559 = arith.index_cast %get3A_558 : i32 to index
    %get3A_560 = arith.constant 0 : index
    %get3A_561 = tpu.vector_load %arg6[%get3A_559, %get3A_560] {strides = array<i32>} : memref<32x128xf32, #tpu.memory_space<vmem>>, vector<1x16xf32>,
    %get3A_562 = vector.shape_cast %get3A_561 : vector<1x16xf32> to vector<16xf32>
    %mul3A_563 = vector.broadcast %squeeze3A_391 : f32 to vector<16xf32>
    %mul3A_564 = arith.mulf %get3A_562, %mul3A_563 : vector<16xf32>
    %add3A_565 = arith.addf %add3A_557, %mul3A_564 : vector<16xf32>
    %get3A_566 = arith.constant 12 : i32
    %get3A_567 = arith.index_cast %get3A_566 : i32 to index
    %get3A_568 = arith.constant 0 : index
    %get3A_569 = tpu.vector_load %arg6[%get3A_567, %get3A_568] {strides = array<i32>} : memref<32x128xf32, #tpu.memory_space<vmem>>, vector<1x16xf32>,
    %get3A_570 = vector.shape_cast %get3A_569 : vector<1x16xf32> to vector<16xf32>
    %mul3A_571 = vector.broadcast %squeeze3A_393 : f32 to vector<16xf32>
    %mul3A_572 = arith.mulf %get3A_570, %mul3A_571 : vector<16xf32>
    %add3A_573 = arith.addf %add3A_565, %mul3A_572 : vector<16xf32>
    %get3A_574 = arith.constant 13 : i32
    %get3A_575 = arith.index_cast %get3A_574 : i32 to index
    %get3A_576 = arith.constant 0 : index
    %get3A_577 = tpu.vector_load %arg6[%get3A_575, %get3A_576] {strides = array<i32>} : memref<32x128xf32, #tpu.memory_space<vmem>>, vector<1x16xf32>,
    %get3A_578 = vector.shape_cast %get3A_577 : vector<1x16xf32> to vector<16xf32>
    %mul3A_579 = vector.broadcast %squeeze3A_395 : f32 to vector<16xf32>
    %mul3A_580 = arith.mulf %get3A_578, %mul3A_579 : vector<16xf32>
    %add3A_581 = arith.addf %add3A_573, %mul3A_580 : vector<16xf32>
    %get3A_582 = arith.constant 14 : i32
    %get3A_583 = arith.index_cast %get3A_582 : i32 to index
    %get3A_584 = arith.constant 0 : index
    %get3A_585 = tpu.vector_load %arg6[%get3A_583, %get3A_584] {strides = array<i32>} : memref<32x128xf32, #tpu.memory_space<vmem>>, vector<1x16xf32>,
    %get3A_586 = vector.shape_cast %get3A_585 : vector<1x16xf32> to vector<16xf32>
    %mul3A_587 = vector.broadcast %squeeze3A_397 : f32 to vector<16xf32>
    %mul3A_588 = arith.mulf %get3A_586, %mul3A_587 : vector<16xf32>
    %add3A_589 = arith.addf %add3A_581, %mul3A_588 : vector<16xf32>
    %get3A_590 = arith.constant 15 : i32
    %get3A_591 = arith.index_cast %get3A_590 : i32 to index
    %get3A_592 = arith.constant 0 : index
    %get3A_593 = tpu.vector_load %arg6[%get3A_591, %get3A_592] {strides = array<i32>} : memref<32x128xf32, #tpu.memory_space<vmem>>, vector<1x16xf32>,
    %get3A_594 = vector.shape_cast %get3A_593 : vector<1x16xf32> to vector<16xf32>
    %mul3A_595 = vector.broadcast %squeeze3A_399 : f32 to vector<16xf32>
    %mul3A_596 = arith.mulf %get3A_594, %mul3A_595 : vector<16xf32>
    %add3A_597 = arith.addf %add3A_589, %mul3A_596 : vector<16xf32>
    %get3A_598 = arith.constant 16 : i32
    %get3A_599 = arith.index_cast %get3A_598 : i32 to index
    %get3A_600 = arith.constant 0 : index
    %get3A_601 = tpu.vector_load %arg6[%get3A_599, %get3A_600] {strides = array<i32>} : memref<32x128xf32, #tpu.memory_space<vmem>>, vector<1x16xf32>,
    %get3A_602 = vector.shape_cast %get3A_601 : vector<1x16xf32> to vector<16xf32>
    %mul3A_603 = vector.broadcast %squeeze3A_401 : f32 to vector<16xf32>
    %mul3A_604 = arith.mulf %get3A_602, %mul3A_603 : vector<16xf32>
    %add3A_605 = arith.addf %add3A_597, %mul3A_604 : vector<16xf32>
    %get3A_606 = arith.constant 17 : i32
    %get3A_607 = arith.index_cast %get3A_606 : i32 to index
    %get3A_608 = arith.constant 0 : index
    %get3A_609 = tpu.vector_load %arg6[%get3A_607, %get3A_608] {strides = array<i32>} : memref<32x128xf32, #tpu.memory_space<vmem>>, vector<1x16xf32>,
    %get3A_610 = vector.shape_cast %get3A_609 : vector<1x16xf32> to vector<16xf32>
    %mul3A_611 = vector.broadcast %squeeze3A_403 : f32 to vector<16xf32>
    %mul3A_612 = arith.mulf %get3A_610, %mul3A_611 : vector<16xf32>
    %add3A_613 = arith.addf %add3A_605, %mul3A_612 : vector<16xf32>
    %get3A_614 = arith.constant 18 : i32
    %get3A_615 = arith.index_cast %get3A_614 : i32 to index
    %get3A_616 = arith.constant 0 : index
    %get3A_617 = tpu.vector_load %arg6[%get3A_615, %get3A_616] {strides = array<i32>} : memref<32x128xf32, #tpu.memory_space<vmem>>, vector<1x16xf32>,
    %get3A_618 = vector.shape_cast %get3A_617 : vector<1x16xf32> to vector<16xf32>
    %mul3A_619 = vector.broadcast %squeeze3A_405 : f32 to vector<16xf32>
    %mul3A_620 = arith.mulf %get3A_618, %mul3A_619 : vector<16xf32>
    %add3A_621 = arith.addf %add3A_613, %mul3A_620 : vector<16xf32>
    %get3A_622 = arith.constant 19 : i32
    %get3A_623 = arith.index_cast %get3A_622 : i32 to index
    %get3A_624 = arith.constant 0 : index
    %get3A_625 = tpu.vector_load %arg6[%get3A_623, %get3A_624] {strides = array<i32>} : memref<32x128xf32, #tpu.memory_space<vmem>>, vector<1x16xf32>,
    %get3A_626 = vector.shape_cast %get3A_625 : vector<1x16xf32> to vector<16xf32>
    %mul3A_627 = vector.broadcast %squeeze3A_407 : f32 to vector<16xf32>
    %mul3A_628 = arith.mulf %get3A_626, %mul3A_627 : vector<16xf32>
    %add3A_629 = arith.addf %add3A_621, %mul3A_628 : vector<16xf32>
    %get3A_630 = arith.constant 20 : i32
    %get3A_631 = arith.index_cast %get3A_630 : i32 to index
    %get3A_632 = arith.constant 0 : index
    %get3A_633 = tpu.vector_load %arg6[%get3A_631, %get3A_632] {strides = array<i32>} : memref<32x128xf32, #tpu.memory_space<vmem>>, vector<1x16xf32>,
    %get3A_634 = vector.shape_cast %get3A_633 : vector<1x16xf32> to vector<16xf32>
    %mul3A_635 = vector.broadcast %squeeze3A_409 : f32 to vector<16xf32>
    %mul3A_636 = arith.mulf %get3A_634, %mul3A_635 : vector<16xf32>
    %add3A_637 = arith.addf %add3A_629, %mul3A_636 : vector<16xf32>
    %get3A_638 = arith.constant 21 : i32
    %get3A_639 = arith.index_cast %get3A_638 : i32 to index
    %get3A_640 = arith.constant 0 : index
    %get3A_641 = tpu.vector_load %arg6[%get3A_639, %get3A_640] {strides = array<i32>} : memref<32x128xf32, #tpu.memory_space<vmem>>, vector<1x16xf32>,
    %get3A_642 = vector.shape_cast %get3A_641 : vector<1x16xf32> to vector<16xf32>
    %mul3A_643 = vector.broadcast %squeeze3A_411 : f32 to vector<16xf32>
    %mul3A_644 = arith.mulf %get3A_642, %mul3A_643 : vector<16xf32>
    %add3A_645 = arith.addf %add3A_637, %mul3A_644 : vector<16xf32>
    %get3A_646 = arith.constant 22 : i32
    %get3A_647 = arith.index_cast %get3A_646 : i32 to index
    %get3A_648 = arith.constant 0 : index
    %get3A_649 = tpu.vector_load %arg6[%get3A_647, %get3A_648] {strides = array<i32>} : memref<32x128xf32, #tpu.memory_space<vmem>>, vector<1x16xf32>,
    %get3A_650 = vector.shape_cast %get3A_649 : vector<1x16xf32> to vector<16xf32>
    %mul3A_651 = vector.broadcast %squeeze3A_413 : f32 to vector<16xf32>
    %mul3A_652 = arith.mulf %get3A_650, %mul3A_651 : vector<16xf32>
    %add3A_653 = arith.addf %add3A_645, %mul3A_652 : vector<16xf32>
    %get3A_654 = arith.constant 23 : i32
    %get3A_655 = arith.index_cast %get3A_654 : i32 to index
    %get3A_656 = arith.constant 0 : index
    %get3A_657 = tpu.vector_load %arg6[%get3A_655, %get3A_656] {strides = array<i32>} : memref<32x128xf32, #tpu.memory_space<vmem>>, vector<1x16xf32>,
    %get3A_658 = vector.shape_cast %get3A_657 : vector<1x16xf32> to vector<16xf32>
    %mul3A_659 = vector.broadcast %squeeze3A_415 : f32 to vector<16xf32>
    %mul3A_660 = arith.mulf %get3A_658, %mul3A_659 : vector<16xf32>
    %add3A_661 = arith.addf %add3A_653, %mul3A_660 : vector<16xf32>
    %get3A_662 = arith.constant 24 : i32
    %get3A_663 = arith.index_cast %get3A_662 : i32 to index
    %get3A_664 = arith.constant 0 : index
    %get3A_665 = tpu.vector_load %arg6[%get3A_663, %get3A_664] {strides = array<i32>} : memref<32x128xf32, #tpu.memory_space<vmem>>, vector<1x16xf32>,
    %get3A_666 = vector.shape_cast %get3A_665 : vector<1x16xf32> to vector<16xf32>
    %mul3A_667 = vector.broadcast %squeeze3A_417 : f32 to vector<16xf32>
    %mul3A_668 = arith.mulf %get3A_666, %mul3A_667 : vector<16xf32>
    %add3A_669 = arith.addf %add3A_661, %mul3A_668 : vector<16xf32>
    %get3A_670 = arith.constant 25 : i32
    %get3A_671 = arith.index_cast %get3A_670 : i32 to index
    %get3A_672 = arith.constant 0 : index
    %get3A_673 = tpu.vector_load %arg6[%get3A_671, %get3A_672] {strides = array<i32>} : memref<32x128xf32, #tpu.memory_space<vmem>>, vector<1x16xf32>,
    %get3A_674 = vector.shape_cast %get3A_673 : vector<1x16xf32> to vector<16xf32>
    %mul3A_675 = vector.broadcast %squeeze3A_419 : f32 to vector<16xf32>
    %mul3A_676 = arith.mulf %get3A_674, %mul3A_675 : vector<16xf32>
    %add3A_677 = arith.addf %add3A_669, %mul3A_676 : vector<16xf32>
    %get3A_678 = arith.constant 26 : i32
    %get3A_679 = arith.index_cast %get3A_678 : i32 to index
    %get3A_680 = arith.constant 0 : index
    %get3A_681 = tpu.vector_load %arg6[%get3A_679, %get3A_680] {strides = array<i32>} : memref<32x128xf32, #tpu.memory_space<vmem>>, vector<1x16xf32>,
    %get3A_682 = vector.shape_cast %get3A_681 : vector<1x16xf32> to vector<16xf32>
    %mul3A_683 = vector.broadcast %squeeze3A_421 : f32 to vector<16xf32>
    %mul3A_684 = arith.mulf %get3A_682, %mul3A_683 : vector<16xf32>
    %add3A_685 = arith.addf %add3A_677, %mul3A_684 : vector<16xf32>
    %get3A_686 = arith.constant 27 : i32
    %get3A_687 = arith.index_cast %get3A_686 : i32 to index
    %get3A_688 = arith.constant 0 : index
    %get3A_689 = tpu.vector_load %arg6[%get3A_687, %get3A_688] {strides = array<i32>} : memref<32x128xf32, #tpu.memory_space<vmem>>, vector<1x16xf32>,
    %get3A_690 = vector.shape_cast %get3A_689 : vector<1x16xf32> to vector<16xf32>
    %mul3A_691 = vector.broadcast %squeeze3A_423 : f32 to vector<16xf32>
    %mul3A_692 = arith.mulf %get3A_690, %mul3A_691 : vector<16xf32>
    %add3A_693 = arith.addf %add3A_685, %mul3A_692 : vector<16xf32>
    %get3A_694 = arith.constant 28 : i32
    %get3A_695 = arith.index_cast %get3A_694 : i32 to index
    %get3A_696 = arith.constant 0 : index
    %get3A_697 = tpu.vector_load %arg6[%get3A_695, %get3A_696] {strides = array<i32>} : memref<32x128xf32, #tpu.memory_space<vmem>>, vector<1x16xf32>,
    %get3A_698 = vector.shape_cast %get3A_697 : vector<1x16xf32> to vector<16xf32>
    %mul3A_699 = vector.broadcast %squeeze3A_425 : f32 to vector<16xf32>
    %mul3A_700 = arith.mulf %get3A_698, %mul3A_699 : vector<16xf32>
    %add3A_701 = arith.addf %add3A_693, %mul3A_700 : vector<16xf32>
    %get3A_702 = arith.constant 29 : i32
    %get3A_703 = arith.index_cast %get3A_702 : i32 to index
    %get3A_704 = arith.constant 0 : index
    %get3A_705 = tpu.vector_load %arg6[%get3A_703, %get3A_704] {strides = array<i32>} : memref<32x128xf32, #tpu.memory_space<vmem>>, vector<1x16xf32>,
    %get3A_706 = vector.shape_cast %get3A_705 : vector<1x16xf32> to vector<16xf32>
    %mul3A_707 = vector.broadcast %squeeze3A_427 : f32 to vector<16xf32>
    %mul3A_708 = arith.mulf %get3A_706, %mul3A_707 : vector<16xf32>
    %add3A_709 = arith.addf %add3A_701, %mul3A_708 : vector<16xf32>
    %get3A_710 = arith.constant 30 : i32
    %get3A_711 = arith.index_cast %get3A_710 : i32 to index
    %get3A_712 = arith.constant 0 : index
    %get3A_713 = tpu.vector_load %arg6[%get3A_711, %get3A_712] {strides = array<i32>} : memref<32x128xf32, #tpu.memory_space<vmem>>, vector<1x16xf32>,
    %get3A_714 = vector.shape_cast %get3A_713 : vector<1x16xf32> to vector<16xf32>
    %mul3A_715 = vector.broadcast %squeeze3A_429 : f32 to vector<16xf32>
    %mul3A_716 = arith.mulf %get3A_714, %mul3A_715 : vector<16xf32>
    %add3A_717 = arith.addf %add3A_709, %mul3A_716 : vector<16xf32>
    %get3A_718 = arith.constant 31 : i32
    %get3A_719 = arith.index_cast %get3A_718 : i32 to index
    %get3A_720 = arith.constant 0 : index
    %get3A_721 = tpu.vector_load %arg6[%get3A_719, %get3A_720] {strides = array<i32>} : memref<32x128xf32, #tpu.memory_space<vmem>>, vector<1x16xf32>,
    %get3A_722 = vector.shape_cast %get3A_721 : vector<1x16xf32> to vector<16xf32>
    %mul3A_723 = vector.broadcast %squeeze3A_431 : f32 to vector<16xf32>
    %mul3A_724 = arith.mulf %get3A_722, %mul3A_723 : vector<16xf32>
    %add3A_725 = arith.addf %add3A_717, %mul3A_724 : vector<16xf32>
    %mul3A_726 = arith.mulf %add3A_725, %div3A_469 : vector<16xf32>
    %swap3A = arith.constant 0 : index
    %swap3A_727 = tpu.vector_load %arg7[%swap3A] {strides = array<i32>} : memref<128xf32, #tpu.memory_space<vmem>>, vector<16xf32>,
    %swap3A_728 = vector.shape_cast %swap3A_727 : vector<16xf32> to vector<16xf32>
    %swap3A_729 = vector.shape_cast %mul3A_726 : vector<16xf32> to vector<16xf32>
    tpu.vector_store %arg7[%swap3A], %swap3A_729 {strides = array<i32>} : memref<128xf32, #tpu.memory_space<vmem>>, vector<16xf32>,
    %get3A_730 = arith.constant 0 : i32
    %get3A_731 = arith.index_cast %get3A_730 : i32 to index
    %get3A_732 = arith.constant 16 : index
    %get3A_733 = tpu.vector_load %arg6[%get3A_731, %get3A_732] {strides = array<i32>} : memref<32x128xf32, #tpu.memory_space<vmem>>, vector<1x16xf32>,
    %get3A_734 = vector.shape_cast %get3A_733 : vector<1x16xf32> to vector<16xf32>
    %mul3A_735 = vector.broadcast %squeeze3A_369 : f32 to vector<16xf32>
    %mul3A_736 = arith.mulf %get3A_734, %mul3A_735 : vector<16xf32>
    %get3A_737 = arith.constant 1 : i32
    %get3A_738 = arith.index_cast %get3A_737 : i32 to index
    %get3A_739 = arith.constant 16 : index
    %get3A_740 = tpu.vector_load %arg6[%get3A_738, %get3A_739] {strides = array<i32>} : memref<32x128xf32, #tpu.memory_space<vmem>>, vector<1x16xf32>,
    %get3A_741 = vector.shape_cast %get3A_740 : vector<1x16xf32> to vector<16xf32>
    %mul3A_742 = vector.broadcast %squeeze3A_371 : f32 to vector<16xf32>
    %mul3A_743 = arith.mulf %get3A_741, %mul3A_742 : vector<16xf32>
    %add3A_744 = arith.addf %mul3A_736, %mul3A_743 : vector<16xf32>
    %get3A_745 = arith.constant 2 : i32
    %get3A_746 = arith.index_cast %get3A_745 : i32 to index
    %get3A_747 = arith.constant 16 : index
    %get3A_748 = tpu.vector_load %arg6[%get3A_746, %get3A_747] {strides = array<i32>} : memref<32x128xf32, #tpu.memory_space<vmem>>, vector<1x16xf32>,
    %get3A_749 = vector.shape_cast %get3A_748 : vector<1x16xf32> to vector<16xf32>
    %mul3A_750 = vector.broadcast %squeeze3A_373 : f32 to vector<16xf32>
    %mul3A_751 = arith.mulf %get3A_749, %mul3A_750 : vector<16xf32>
    %add3A_752 = arith.addf %add3A_744, %mul3A_751 : vector<16xf32>
    %get3A_753 = arith.constant 3 : i32
    %get3A_754 = arith.index_cast %get3A_753 : i32 to index
    %get3A_755 = arith.constant 16 : index
    %get3A_756 = tpu.vector_load %arg6[%get3A_754, %get3A_755] {strides = array<i32>} : memref<32x128xf32, #tpu.memory_space<vmem>>, vector<1x16xf32>,
    %get3A_757 = vector.shape_cast %get3A_756 : vector<1x16xf32> to vector<16xf32>
    %mul3A_758 = vector.broadcast %squeeze3A_375 : f32 to vector<16xf32>
    %mul3A_759 = arith.mulf %get3A_757, %mul3A_758 : vector<16xf32>
    %add3A_760 = arith.addf %add3A_752, %mul3A_759 : vector<16xf32>
    %get3A_761 = arith.constant 4 : i32
    %get3A_762 = arith.index_cast %get3A_761 : i32 to index
    %get3A_763 = arith.constant 16 : index
    %get3A_764 = tpu.vector_load %arg6[%get3A_762, %get3A_763] {strides = array<i32>} : memref<32x128xf32, #tpu.memory_space<vmem>>, vector<1x16xf32>,
    %get3A_765 = vector.shape_cast %get3A_764 : vector<1x16xf32> to vector<16xf32>
    %mul3A_766 = vector.broadcast %squeeze3A_377 : f32 to vector<16xf32>
    %mul3A_767 = arith.mulf %get3A_765, %mul3A_766 : vector<16xf32>
    %add3A_768 = arith.addf %add3A_760, %mul3A_767 : vector<16xf32>
    %get3A_769 = arith.constant 5 : i32
    %get3A_770 = arith.index_cast %get3A_769 : i32 to index
    %get3A_771 = arith.constant 16 : index
    %get3A_772 = tpu.vector_load %arg6[%get3A_770, %get3A_771] {strides = array<i32>} : memref<32x128xf32, #tpu.memory_space<vmem>>, vector<1x16xf32>,
    %get3A_773 = vector.shape_cast %get3A_772 : vector<1x16xf32> to vector<16xf32>
    %mul3A_774 = vector.broadcast %squeeze3A_379 : f32 to vector<16xf32>
    %mul3A_775 = arith.mulf %get3A_773, %mul3A_774 : vector<16xf32>
    %add3A_776 = arith.addf %add3A_768, %mul3A_775 : vector<16xf32>
    %get3A_777 = arith.constant 6 : i32
    %get3A_778 = arith.index_cast %get3A_777 : i32 to index
    %get3A_779 = arith.constant 16 : index
    %get3A_780 = tpu.vector_load %arg6[%get3A_778, %get3A_779] {strides = array<i32>} : memref<32x128xf32, #tpu.memory_space<vmem>>, vector<1x16xf32>,
    %get3A_781 = vector.shape_cast %get3A_780 : vector<1x16xf32> to vector<16xf32>
    %mul3A_782 = vector.broadcast %squeeze3A_381 : f32 to vector<16xf32>
    %mul3A_783 = arith.mulf %get3A_781, %mul3A_782 : vector<16xf32>
    %add3A_784 = arith.addf %add3A_776, %mul3A_783 : vector<16xf32>
    %get3A_785 = arith.constant 7 : i32
    %get3A_786 = arith.index_cast %get3A_785 : i32 to index
    %get3A_787 = arith.constant 16 : index
    %get3A_788 = tpu.vector_load %arg6[%get3A_786, %get3A_787] {strides = array<i32>} : memref<32x128xf32, #tpu.memory_space<vmem>>, vector<1x16xf32>,
    %get3A_789 = vector.shape_cast %get3A_788 : vector<1x16xf32> to vector<16xf32>
    %mul3A_790 = vector.broadcast %squeeze3A_383 : f32 to vector<16xf32>
    %mul3A_791 = arith.mulf %get3A_789, %mul3A_790 : vector<16xf32>
    %add3A_792 = arith.addf %add3A_784, %mul3A_791 : vector<16xf32>
    %get3A_793 = arith.constant 8 : i32
    %get3A_794 = arith.index_cast %get3A_793 : i32 to index
    %get3A_795 = arith.constant 16 : index
    %get3A_796 = tpu.vector_load %arg6[%get3A_794, %get3A_795] {strides = array<i32>} : memref<32x128xf32, #tpu.memory_space<vmem>>, vector<1x16xf32>,
    %get3A_797 = vector.shape_cast %get3A_796 : vector<1x16xf32> to vector<16xf32>
    %mul3A_798 = vector.broadcast %squeeze3A_385 : f32 to vector<16xf32>
    %mul3A_799 = arith.mulf %get3A_797, %mul3A_798 : vector<16xf32>
    %add3A_800 = arith.addf %add3A_792, %mul3A_799 : vector<16xf32>
    %get3A_801 = arith.constant 9 : i32
    %get3A_802 = arith.index_cast %get3A_801 : i32 to index
    %get3A_803 = arith.constant 16 : index
    %get3A_804 = tpu.vector_load %arg6[%get3A_802, %get3A_803] {strides = array<i32>} : memref<32x128xf32, #tpu.memory_space<vmem>>, vector<1x16xf32>,
    %get3A_805 = vector.shape_cast %get3A_804 : vector<1x16xf32> to vector<16xf32>
    %mul3A_806 = vector.broadcast %squeeze3A_387 : f32 to vector<16xf32>
    %mul3A_807 = arith.mulf %get3A_805, %mul3A_806 : vector<16xf32>
    %add3A_808 = arith.addf %add3A_800, %mul3A_807 : vector<16xf32>
    %get3A_809 = arith.constant 10 : i32
    %get3A_810 = arith.index_cast %get3A_809 : i32 to index
    %get3A_811 = arith.constant 16 : index
    %get3A_812 = tpu.vector_load %arg6[%get3A_810, %get3A_811] {strides = array<i32>} : memref<32x128xf32, #tpu.memory_space<vmem>>, vector<1x16xf32>,
    %get3A_813 = vector.shape_cast %get3A_812 : vector<1x16xf32> to vector<16xf32>
    %mul3A_814 = vector.broadcast %squeeze3A_389 : f32 to vector<16xf32>
    %mul3A_815 = arith.mulf %get3A_813, %mul3A_814 : vector<16xf32>
    %add3A_816 = arith.addf %add3A_808, %mul3A_815 : vector<16xf32>
    %get3A_817 = arith.constant 11 : i32
    %get3A_818 = arith.index_cast %get3A_817 : i32 to index
    %get3A_819 = arith.constant 16 : index
    %get3A_820 = tpu.vector_load %arg6[%get3A_818, %get3A_819] {strides = array<i32>} : memref<32x128xf32, #tpu.memory_space<vmem>>, vector<1x16xf32>,
    %get3A_821 = vector.shape_cast %get3A_820 : vector<1x16xf32> to vector<16xf32>
    %mul3A_822 = vector.broadcast %squeeze3A_391 : f32 to vector<16xf32>
    %mul3A_823 = arith.mulf %get3A_821, %mul3A_822 : vector<16xf32>
    %add3A_824 = arith.addf %add3A_816, %mul3A_823 : vector<16xf32>
    %get3A_825 = arith.constant 12 : i32
    %get3A_826 = arith.index_cast %get3A_825 : i32 to index
    %get3A_827 = arith.constant 16 : index
    %get3A_828 = tpu.vector_load %arg6[%get3A_826, %get3A_827] {strides = array<i32>} : memref<32x128xf32, #tpu.memory_space<vmem>>, vector<1x16xf32>,
    %get3A_829 = vector.shape_cast %get3A_828 : vector<1x16xf32> to vector<16xf32>
    %mul3A_830 = vector.broadcast %squeeze3A_393 : f32 to vector<16xf32>
    %mul3A_831 = arith.mulf %get3A_829, %mul3A_830 : vector<16xf32>
    %add3A_832 = arith.addf %add3A_824, %mul3A_831 : vector<16xf32>
    %get3A_833 = arith.constant 13 : i32
    %get3A_834 = arith.index_cast %get3A_833 : i32 to index
    %get3A_835 = arith.constant 16 : index
    %get3A_836 = tpu.vector_load %arg6[%get3A_834, %get3A_835] {strides = array<i32>} : memref<32x128xf32, #tpu.memory_space<vmem>>, vector<1x16xf32>,
    %get3A_837 = vector.shape_cast %get3A_836 : vector<1x16xf32> to vector<16xf32>
    %mul3A_838 = vector.broadcast %squeeze3A_395 : f32 to vector<16xf32>
    %mul3A_839 = arith.mulf %get3A_837, %mul3A_838 : vector<16xf32>
    %add3A_840 = arith.addf %add3A_832, %mul3A_839 : vector<16xf32>
    %get3A_841 = arith.constant 14 : i32
    %get3A_842 = arith.index_cast %get3A_841 : i32 to index
    %get3A_843 = arith.constant 16 : index
    %get3A_844 = tpu.vector_load %arg6[%get3A_842, %get3A_843] {strides = array<i32>} : memref<32x128xf32, #tpu.memory_space<vmem>>, vector<1x16xf32>,
    %get3A_845 = vector.shape_cast %get3A_844 : vector<1x16xf32> to vector<16xf32>
    %mul3A_846 = vector.broadcast %squeeze3A_397 : f32 to vector<16xf32>
    %mul3A_847 = arith.mulf %get3A_845, %mul3A_846 : vector<16xf32>
    %add3A_848 = arith.addf %add3A_840, %mul3A_847 : vector<16xf32>
    %get3A_849 = arith.constant 15 : i32
    %get3A_850 = arith.index_cast %get3A_849 : i32 to index
    %get3A_851 = arith.constant 16 : index
    %get3A_852 = tpu.vector_load %arg6[%get3A_850, %get3A_851] {strides = array<i32>} : memref<32x128xf32, #tpu.memory_space<vmem>>, vector<1x16xf32>,
    %get3A_853 = vector.shape_cast %get3A_852 : vector<1x16xf32> to vector<16xf32>
    %mul3A_854 = vector.broadcast %squeeze3A_399 : f32 to vector<16xf32>
    %mul3A_855 = arith.mulf %get3A_853, %mul3A_854 : vector<16xf32>
    %add3A_856 = arith.addf %add3A_848, %mul3A_855 : vector<16xf32>
    %get3A_857 = arith.constant 16 : i32
    %get3A_858 = arith.index_cast %get3A_857 : i32 to index
    %get3A_859 = arith.constant 16 : index
    %get3A_860 = tpu.vector_load %arg6[%get3A_858, %get3A_859] {strides = array<i32>} : memref<32x128xf32, #tpu.memory_space<vmem>>, vector<1x16xf32>,
    %get3A_861 = vector.shape_cast %get3A_860 : vector<1x16xf32> to vector<16xf32>
    %mul3A_862 = vector.broadcast %squeeze3A_401 : f32 to vector<16xf32>
    %mul3A_863 = arith.mulf %get3A_861, %mul3A_862 : vector<16xf32>
    %add3A_864 = arith.addf %add3A_856, %mul3A_863 : vector<16xf32>
    %get3A_865 = arith.constant 17 : i32
    %get3A_866 = arith.index_cast %get3A_865 : i32 to index
    %get3A_867 = arith.constant 16 : index
    %get3A_868 = tpu.vector_load %arg6[%get3A_866, %get3A_867] {strides = array<i32>} : memref<32x128xf32, #tpu.memory_space<vmem>>, vector<1x16xf32>,
    %get3A_869 = vector.shape_cast %get3A_868 : vector<1x16xf32> to vector<16xf32>
    %mul3A_870 = vector.broadcast %squeeze3A_403 : f32 to vector<16xf32>
    %mul3A_871 = arith.mulf %get3A_869, %mul3A_870 : vector<16xf32>
    %add3A_872 = arith.addf %add3A_864, %mul3A_871 : vector<16xf32>
    %get3A_873 = arith.constant 18 : i32
    %get3A_874 = arith.index_cast %get3A_873 : i32 to index
    %get3A_875 = arith.constant 16 : index
    %get3A_876 = tpu.vector_load %arg6[%get3A_874, %get3A_875] {strides = array<i32>} : memref<32x128xf32, #tpu.memory_space<vmem>>, vector<1x16xf32>,
    %get3A_877 = vector.shape_cast %get3A_876 : vector<1x16xf32> to vector<16xf32>
    %mul3A_878 = vector.broadcast %squeeze3A_405 : f32 to vector<16xf32>
    %mul3A_879 = arith.mulf %get3A_877, %mul3A_878 : vector<16xf32>
    %add3A_880 = arith.addf %add3A_872, %mul3A_879 : vector<16xf32>
    %get3A_881 = arith.constant 19 : i32
    %get3A_882 = arith.index_cast %get3A_881 : i32 to index
    %get3A_883 = arith.constant 16 : index
    %get3A_884 = tpu.vector_load %arg6[%get3A_882, %get3A_883] {strides = array<i32>} : memref<32x128xf32, #tpu.memory_space<vmem>>, vector<1x16xf32>,
    %get3A_885 = vector.shape_cast %get3A_884 : vector<1x16xf32> to vector<16xf32>
    %mul3A_886 = vector.broadcast %squeeze3A_407 : f32 to vector<16xf32>
    %mul3A_887 = arith.mulf %get3A_885, %mul3A_886 : vector<16xf32>
    %add3A_888 = arith.addf %add3A_880, %mul3A_887 : vector<16xf32>
    %get3A_889 = arith.constant 20 : i32
    %get3A_890 = arith.index_cast %get3A_889 : i32 to index
    %get3A_891 = arith.constant 16 : index
    %get3A_892 = tpu.vector_load %arg6[%get3A_890, %get3A_891] {strides = array<i32>} : memref<32x128xf32, #tpu.memory_space<vmem>>, vector<1x16xf32>,
    %get3A_893 = vector.shape_cast %get3A_892 : vector<1x16xf32> to vector<16xf32>
    %mul3A_894 = vector.broadcast %squeeze3A_409 : f32 to vector<16xf32>
    %mul3A_895 = arith.mulf %get3A_893, %mul3A_894 : vector<16xf32>
    %add3A_896 = arith.addf %add3A_888, %mul3A_895 : vector<16xf32>
    %get3A_897 = arith.constant 21 : i32
    %get3A_898 = arith.index_cast %get3A_897 : i32 to index
    %get3A_899 = arith.constant 16 : index
    %get3A_900 = tpu.vector_load %arg6[%get3A_898, %get3A_899] {strides = array<i32>} : memref<32x128xf32, #tpu.memory_space<vmem>>, vector<1x16xf32>,
    %get3A_901 = vector.shape_cast %get3A_900 : vector<1x16xf32> to vector<16xf32>
    %mul3A_902 = vector.broadcast %squeeze3A_411 : f32 to vector<16xf32>
    %mul3A_903 = arith.mulf %get3A_901, %mul3A_902 : vector<16xf32>
    %add3A_904 = arith.addf %add3A_896, %mul3A_903 : vector<16xf32>
    %get3A_905 = arith.constant 22 : i32
    %get3A_906 = arith.index_cast %get3A_905 : i32 to index
    %get3A_907 = arith.constant 16 : index
    %get3A_908 = tpu.vector_load %arg6[%get3A_906, %get3A_907] {strides = array<i32>} : memref<32x128xf32, #tpu.memory_space<vmem>>, vector<1x16xf32>,
    %get3A_909 = vector.shape_cast %get3A_908 : vector<1x16xf32> to vector<16xf32>
    %mul3A_910 = vector.broadcast %squeeze3A_413 : f32 to vector<16xf32>
    %mul3A_911 = arith.mulf %get3A_909, %mul3A_910 : vector<16xf32>
    %add3A_912 = arith.addf %add3A_904, %mul3A_911 : vector<16xf32>
    %get3A_913 = arith.constant 23 : i32
    %get3A_914 = arith.index_cast %get3A_913 : i32 to index
    %get3A_915 = arith.constant 16 : index
    %get3A_916 = tpu.vector_load %arg6[%get3A_914, %get3A_915] {strides = array<i32>} : memref<32x128xf32, #tpu.memory_space<vmem>>, vector<1x16xf32>,
    %get3A_917 = vector.shape_cast %get3A_916 : vector<1x16xf32> to vector<16xf32>
    %mul3A_918 = vector.broadcast %squeeze3A_415 : f32 to vector<16xf32>
    %mul3A_919 = arith.mulf %get3A_917, %mul3A_918 : vector<16xf32>
    %add3A_920 = arith.addf %add3A_912, %mul3A_919 : vector<16xf32>
    %get3A_921 = arith.constant 24 : i32
    %get3A_922 = arith.index_cast %get3A_921 : i32 to index
    %get3A_923 = arith.constant 16 : index
    %get3A_924 = tpu.vector_load %arg6[%get3A_922, %get3A_923] {strides = array<i32>} : memref<32x128xf32, #tpu.memory_space<vmem>>, vector<1x16xf32>,
    %get3A_925 = vector.shape_cast %get3A_924 : vector<1x16xf32> to vector<16xf32>
    %mul3A_926 = vector.broadcast %squeeze3A_417 : f32 to vector<16xf32>
    %mul3A_927 = arith.mulf %get3A_925, %mul3A_926 : vector<16xf32>
    %add3A_928 = arith.addf %add3A_920, %mul3A_927 : vector<16xf32>
    %get3A_929 = arith.constant 25 : i32
    %get3A_930 = arith.index_cast %get3A_929 : i32 to index
    %get3A_931 = arith.constant 16 : index
    %get3A_932 = tpu.vector_load %arg6[%get3A_930, %get3A_931] {strides = array<i32>} : memref<32x128xf32, #tpu.memory_space<vmem>>, vector<1x16xf32>,
    %get3A_933 = vector.shape_cast %get3A_932 : vector<1x16xf32> to vector<16xf32>
    %mul3A_934 = vector.broadcast %squeeze3A_419 : f32 to vector<16xf32>
    %mul3A_935 = arith.mulf %get3A_933, %mul3A_934 : vector<16xf32>
    %add3A_936 = arith.addf %add3A_928, %mul3A_935 : vector<16xf32>
    %get3A_937 = arith.constant 26 : i32
    %get3A_938 = arith.index_cast %get3A_937 : i32 to index
    %get3A_939 = arith.constant 16 : index
    %get3A_940 = tpu.vector_load %arg6[%get3A_938, %get3A_939] {strides = array<i32>} : memref<32x128xf32, #tpu.memory_space<vmem>>, vector<1x16xf32>,
    %get3A_941 = vector.shape_cast %get3A_940 : vector<1x16xf32> to vector<16xf32>
    %mul3A_942 = vector.broadcast %squeeze3A_421 : f32 to vector<16xf32>
    %mul3A_943 = arith.mulf %get3A_941, %mul3A_942 : vector<16xf32>
    %add3A_944 = arith.addf %add3A_936, %mul3A_943 : vector<16xf32>
    %get3A_945 = arith.constant 27 : i32
    %get3A_946 = arith.index_cast %get3A_945 : i32 to index
    %get3A_947 = arith.constant 16 : index
    %get3A_948 = tpu.vector_load %arg6[%get3A_946, %get3A_947] {strides = array<i32>} : memref<32x128xf32, #tpu.memory_space<vmem>>, vector<1x16xf32>,
    %get3A_949 = vector.shape_cast %get3A_948 : vector<1x16xf32> to vector<16xf32>
    %mul3A_950 = vector.broadcast %squeeze3A_423 : f32 to vector<16xf32>
    %mul3A_951 = arith.mulf %get3A_949, %mul3A_950 : vector<16xf32>
    %add3A_952 = arith.addf %add3A_944, %mul3A_951 : vector<16xf32>
    %get3A_953 = arith.constant 28 : i32
    %get3A_954 = arith.index_cast %get3A_953 : i32 to index
    %get3A_955 = arith.constant 16 : index
    %get3A_956 = tpu.vector_load %arg6[%get3A_954, %get3A_955] {strides = array<i32>} : memref<32x128xf32, #tpu.memory_space<vmem>>, vector<1x16xf32>,
    %get3A_957 = vector.shape_cast %get3A_956 : vector<1x16xf32> to vector<16xf32>
    %mul3A_958 = vector.broadcast %squeeze3A_425 : f32 to vector<16xf32>
    %mul3A_959 = arith.mulf %get3A_957, %mul3A_958 : vector<16xf32>
    %add3A_960 = arith.addf %add3A_952, %mul3A_959 : vector<16xf32>
    %get3A_961 = arith.constant 29 : i32
    %get3A_962 = arith.index_cast %get3A_961 : i32 to index
    %get3A_963 = arith.constant 16 : index
    %get3A_964 = tpu.vector_load %arg6[%get3A_962, %get3A_963] {strides = array<i32>} : memref<32x128xf32, #tpu.memory_space<vmem>>, vector<1x16xf32>,
    %get3A_965 = vector.shape_cast %get3A_964 : vector<1x16xf32> to vector<16xf32>
    %mul3A_966 = vector.broadcast %squeeze3A_427 : f32 to vector<16xf32>
    %mul3A_967 = arith.mulf %get3A_965, %mul3A_966 : vector<16xf32>
    %add3A_968 = arith.addf %add3A_960, %mul3A_967 : vector<16xf32>
    %get3A_969 = arith.constant 30 : i32
    %get3A_970 = arith.index_cast %get3A_969 : i32 to index
    %get3A_971 = arith.constant 16 : index
    %get3A_972 = tpu.vector_load %arg6[%get3A_970, %get3A_971] {strides = array<i32>} : memref<32x128xf32, #tpu.memory_space<vmem>>, vector<1x16xf32>,
    %get3A_973 = vector.shape_cast %get3A_972 : vector<1x16xf32> to vector<16xf32>
    %mul3A_974 = vector.broadcast %squeeze3A_429 : f32 to vector<16xf32>
    %mul3A_975 = arith.mulf %get3A_973, %mul3A_974 : vector<16xf32>
    %add3A_976 = arith.addf %add3A_968, %mul3A_975 : vector<16xf32>
    %get3A_977 = arith.constant 31 : i32
    %get3A_978 = arith.index_cast %get3A_977 : i32 to index
    %get3A_979 = arith.constant 16 : index
    %get3A_980 = tpu.vector_load %arg6[%get3A_978, %get3A_979] {strides = array<i32>} : memref<32x128xf32, #tpu.memory_space<vmem>>, vector<1x16xf32>,
    %get3A_981 = vector.shape_cast %get3A_980 : vector<1x16xf32> to vector<16xf32>
    %mul3A_982 = vector.broadcast %squeeze3A_431 : f32 to vector<16xf32>
    %mul3A_983 = arith.mulf %get3A_981, %mul3A_982 : vector<16xf32>
    %add3A_984 = arith.addf %add3A_976, %mul3A_983 : vector<16xf32>
    %mul3A_985 = arith.mulf %add3A_984, %div3A_469 : vector<16xf32>
    %swap3A_986 = arith.constant 16 : index
    %swap3A_987 = tpu.vector_load %arg7[%swap3A_986] {strides = array<i32>} : memref<128xf32, #tpu.memory_space<vmem>>, vector<16xf32>,
    %swap3A_988 = vector.shape_cast %swap3A_987 : vector<16xf32> to vector<16xf32>
    %swap3A_989 = vector.shape_cast %mul3A_985 : vector<16xf32> to vector<16xf32>
    tpu.vector_store %arg7[%swap3A_986], %swap3A_989 {strides = array<i32>} : memref<128xf32, #tpu.memory_space<vmem>>, vector<16xf32>,
    %get3A_990 = arith.constant 0 : i32
    %get3A_991 = arith.index_cast %get3A_990 : i32 to index
    %get3A_992 = arith.constant 32 : index
    %get3A_993 = tpu.vector_load %arg6[%get3A_991, %get3A_992] {strides = array<i32>} : memref<32x128xf32, #tpu.memory_space<vmem>>, vector<1x16xf32>,
    %get3A_994 = vector.shape_cast %get3A_993 : vector<1x16xf32> to vector<16xf32>
    %mul3A_995 = vector.broadcast %squeeze3A_369 : f32 to vector<16xf32>
    %mul3A_996 = arith.mulf %get3A_994, %mul3A_995 : vector<16xf32>
    %get3A_997 = arith.constant 1 : i32
    %get3A_998 = arith.index_cast %get3A_997 : i32 to index
    %get3A_999 = arith.constant 32 : index
    %get3A_1000 = tpu.vector_load %arg6[%get3A_998, %get3A_999] {strides = array<i32>} : memref<32x128xf32, #tpu.memory_space<vmem>>, vector<1x16xf32>,
    %get3A_1001 = vector.shape_cast %get3A_1000 : vector<1x16xf32> to vector<16xf32>
    %mul3A_1002 = vector.broadcast %squeeze3A_371 : f32 to vector<16xf32>
    %mul3A_1003 = arith.mulf %get3A_1001, %mul3A_1002 : vector<16xf32>
    %add3A_1004 = arith.addf %mul3A_996, %mul3A_1003 : vector<16xf32>
    %get3A_1005 = arith.constant 2 : i32
    %get3A_1006 = arith.index_cast %get3A_1005 : i32 to index
    %get3A_1007 = arith.constant 32 : index
    %get3A_1008 = tpu.vector_load %arg6[%get3A_1006, %get3A_1007] {strides = array<i32>} : memref<32x128xf32, #tpu.memory_space<vmem>>, vector<1x16xf32>,
    %get3A_1009 = vector.shape_cast %get3A_1008 : vector<1x16xf32> to vector<16xf32>
    %mul3A_1010 = vector.broadcast %squeeze3A_373 : f32 to vector<16xf32>
    %mul3A_1011 = arith.mulf %get3A_1009, %mul3A_1010 : vector<16xf32>
    %add3A_1012 = arith.addf %add3A_1004, %mul3A_1011 : vector<16xf32>
    %get3A_1013 = arith.constant 3 : i32
    %get3A_1014 = arith.index_cast %get3A_1013 : i32 to index
    %get3A_1015 = arith.constant 32 : index
    %get3A_1016 = tpu.vector_load %arg6[%get3A_1014, %get3A_1015] {strides = array<i32>} : memref<32x128xf32, #tpu.memory_space<vmem>>, vector<1x16xf32>,
    %get3A_1017 = vector.shape_cast %get3A_1016 : vector<1x16xf32> to vector<16xf32>
    %mul3A_1018 = vector.broadcast %squeeze3A_375 : f32 to vector<16xf32>
    %mul3A_1019 = arith.mulf %get3A_1017, %mul3A_1018 : vector<16xf32>
    %add3A_1020 = arith.addf %add3A_1012, %mul3A_1019 : vector<16xf32>
    %get3A_1021 = arith.constant 4 : i32
    %get3A_1022 = arith.index_cast %get3A_1021 : i32 to index
    %get3A_1023 = arith.constant 32 : index
    %get3A_1024 = tpu.vector_load %arg6[%get3A_1022, %get3A_1023] {strides = array<i32>} : memref<32x128xf32, #tpu.memory_space<vmem>>, vector<1x16xf32>,
    %get3A_1025 = vector.shape_cast %get3A_1024 : vector<1x16xf32> to vector<16xf32>
    %mul3A_1026 = vector.broadcast %squeeze3A_377 : f32 to vector<16xf32>
    %mul3A_1027 = arith.mulf %get3A_1025, %mul3A_1026 : vector<16xf32>
    %add3A_1028 = arith.addf %add3A_1020, %mul3A_1027 : vector<16xf32>
    %get3A_1029 = arith.constant 5 : i32
    %get3A_1030 = arith.index_cast %get3A_1029 : i32 to index
    %get3A_1031 = arith.constant 32 : index
    %get3A_1032 = tpu.vector_load %arg6[%get3A_1030, %get3A_1031] {strides = array<i32>} : memref<32x128xf32, #tpu.memory_space<vmem>>, vector<1x16xf32>,
    %get3A_1033 = vector.shape_cast %get3A_1032 : vector<1x16xf32> to vector<16xf32>
    %mul3A_1034 = vector.broadcast %squeeze3A_379 : f32 to vector<16xf32>
    %mul3A_1035 = arith.mulf %get3A_1033, %mul3A_1034 : vector<16xf32>
    %add3A_1036 = arith.addf %add3A_1028, %mul3A_1035 : vector<16xf32>
    %get3A_1037 = arith.constant 6 : i32
    %get3A_1038 = arith.index_cast %get3A_1037 : i32 to index
    %get3A_1039 = arith.constant 32 : index
    %get3A_1040 = tpu.vector_load %arg6[%get3A_1038, %get3A_1039] {strides = array<i32>} : memref<32x128xf32, #tpu.memory_space<vmem>>, vector<1x16xf32>,
    %get3A_1041 = vector.shape_cast %get3A_1040 : vector<1x16xf32> to vector<16xf32>
    %mul3A_1042 = vector.broadcast %squeeze3A_381 : f32 to vector<16xf32>
    %mul3A_1043 = arith.mulf %get3A_1041, %mul3A_1042 : vector<16xf32>
    %add3A_1044 = arith.addf %add3A_1036, %mul3A_1043 : vector<16xf32>
    %get3A_1045 = arith.constant 7 : i32
    %get3A_1046 = arith.index_cast %get3A_1045 : i32 to index
    %get3A_1047 = arith.constant 32 : index
    %get3A_1048 = tpu.vector_load %arg6[%get3A_1046, %get3A_1047] {strides = array<i32>} : memref<32x128xf32, #tpu.memory_space<vmem>>, vector<1x16xf32>,
    %get3A_1049 = vector.shape_cast %get3A_1048 : vector<1x16xf32> to vector<16xf32>
    %mul3A_1050 = vector.broadcast %squeeze3A_383 : f32 to vector<16xf32>
    %mul3A_1051 = arith.mulf %get3A_1049, %mul3A_1050 : vector<16xf32>
    %add3A_1052 = arith.addf %add3A_1044, %mul3A_1051 : vector<16xf32>
    %get3A_1053 = arith.constant 8 : i32
    %get3A_1054 = arith.index_cast %get3A_1053 : i32 to index
    %get3A_1055 = arith.constant 32 : index
    %get3A_1056 = tpu.vector_load %arg6[%get3A_1054, %get3A_1055] {strides = array<i32>} : memref<32x128xf32, #tpu.memory_space<vmem>>, vector<1x16xf32>,
    %get3A_1057 = vector.shape_cast %get3A_1056 : vector<1x16xf32> to vector<16xf32>
    %mul3A_1058 = vector.broadcast %squeeze3A_385 : f32 to vector<16xf32>
    %mul3A_1059 = arith.mulf %get3A_1057, %mul3A_1058 : vector<16xf32>
    %add3A_1060 = arith.addf %add3A_1052, %mul3A_1059 : vector<16xf32>
    %get3A_1061 = arith.constant 9 : i32
    %get3A_1062 = arith.index_cast %get3A_1061 : i32 to index
    %get3A_1063 = arith.constant 32 : index
    %get3A_1064 = tpu.vector_load %arg6[%get3A_1062, %get3A_1063] {strides = array<i32>} : memref<32x128xf32, #tpu.memory_space<vmem>>, vector<1x16xf32>,
    %get3A_1065 = vector.shape_cast %get3A_1064 : vector<1x16xf32> to vector<16xf32>
    %mul3A_1066 = vector.broadcast %squeeze3A_387 : f32 to vector<16xf32>
    %mul3A_1067 = arith.mulf %get3A_1065, %mul3A_1066 : vector<16xf32>
    %add3A_1068 = arith.addf %add3A_1060, %mul3A_1067 : vector<16xf32>
    %get3A_1069 = arith.constant 10 : i32
    %get3A_1070 = arith.index_cast %get3A_1069 : i32 to index
    %get3A_1071 = arith.constant 32 : index
    %get3A_1072 = tpu.vector_load %arg6[%get3A_1070, %get3A_1071] {strides = array<i32>} : memref<32x128xf32, #tpu.memory_space<vmem>>, vector<1x16xf32>,
    %get3A_1073 = vector.shape_cast %get3A_1072 : vector<1x16xf32> to vector<16xf32>
    %mul3A_1074 = vector.broadcast %squeeze3A_389 : f32 to vector<16xf32>
    %mul3A_1075 = arith.mulf %get3A_1073, %mul3A_1074 : vector<16xf32>
    %add3A_1076 = arith.addf %add3A_1068, %mul3A_1075 : vector<16xf32>
    %get3A_1077 = arith.constant 11 : i32
    %get3A_1078 = arith.index_cast %get3A_1077 : i32 to index
    %get3A_1079 = arith.constant 32 : index
    %get3A_1080 = tpu.vector_load %arg6[%get3A_1078, %get3A_1079] {strides = array<i32>} : memref<32x128xf32, #tpu.memory_space<vmem>>, vector<1x16xf32>,
    %get3A_1081 = vector.shape_cast %get3A_1080 : vector<1x16xf32> to vector<16xf32>
    %mul3A_1082 = vector.broadcast %squeeze3A_391 : f32 to vector<16xf32>
    %mul3A_1083 = arith.mulf %get3A_1081, %mul3A_1082 : vector<16xf32>
    %add3A_1084 = arith.addf %add3A_1076, %mul3A_1083 : vector<16xf32>
    %get3A_1085 = arith.constant 12 : i32
    %get3A_1086 = arith.index_cast %get3A_1085 : i32 to index
    %get3A_1087 = arith.constant 32 : index
    %get3A_1088 = tpu.vector_load %arg6[%get3A_1086, %get3A_1087] {strides = array<i32>} : memref<32x128xf32, #tpu.memory_space<vmem>>, vector<1x16xf32>,
    %get3A_1089 = vector.shape_cast %get3A_1088 : vector<1x16xf32> to vector<16xf32>
    %mul3A_1090 = vector.broadcast %squeeze3A_393 : f32 to vector<16xf32>
    %mul3A_1091 = arith.mulf %get3A_1089, %mul3A_1090 : vector<16xf32>
    %add3A_1092 = arith.addf %add3A_1084, %mul3A_1091 : vector<16xf32>
    %get3A_1093 = arith.constant 13 : i32
    %get3A_1094 = arith.index_cast %get3A_1093 : i32 to index
    %get3A_1095 = arith.constant 32 : index
    %get3A_1096 = tpu.vector_load %arg6[%get3A_1094, %get3A_1095] {strides = array<i32>} : memref<32x128xf32, #tpu.memory_space<vmem>>, vector<1x16xf32>,
    %get3A_1097 = vector.shape_cast %get3A_1096 : vector<1x16xf32> to vector<16xf32>
    %mul3A_1098 = vector.broadcast %squeeze3A_395 : f32 to vector<16xf32>
    %mul3A_1099 = arith.mulf %get3A_1097, %mul3A_1098 : vector<16xf32>
    %add3A_1100 = arith.addf %add3A_1092, %mul3A_1099 : vector<16xf32>
    %get3A_1101 = arith.constant 14 : i32
    %get3A_1102 = arith.index_cast %get3A_1101 : i32 to index
    %get3A_1103 = arith.constant 32 : index
    %get3A_1104 = tpu.vector_load %arg6[%get3A_1102, %get3A_1103] {strides = array<i32>} : memref<32x128xf32, #tpu.memory_space<vmem>>, vector<1x16xf32>,
    %get3A_1105 = vector.shape_cast %get3A_1104 : vector<1x16xf32> to vector<16xf32>
    %mul3A_1106 = vector.broadcast %squeeze3A_397 : f32 to vector<16xf32>
    %mul3A_1107 = arith.mulf %get3A_1105, %mul3A_1106 : vector<16xf32>
    %add3A_1108 = arith.addf %add3A_1100, %mul3A_1107 : vector<16xf32>
    %get3A_1109 = arith.constant 15 : i32
    %get3A_1110 = arith.index_cast %get3A_1109 : i32 to index
    %get3A_1111 = arith.constant 32 : index
    %get3A_1112 = tpu.vector_load %arg6[%get3A_1110, %get3A_1111] {strides = array<i32>} : memref<32x128xf32, #tpu.memory_space<vmem>>, vector<1x16xf32>,
    %get3A_1113 = vector.shape_cast %get3A_1112 : vector<1x16xf32> to vector<16xf32>
    %mul3A_1114 = vector.broadcast %squeeze3A_399 : f32 to vector<16xf32>
    %mul3A_1115 = arith.mulf %get3A_1113, %mul3A_1114 : vector<16xf32>
    %add3A_1116 = arith.addf %add3A_1108, %mul3A_1115 : vector<16xf32>
    %get3A_1117 = arith.constant 16 : i32
    %get3A_1118 = arith.index_cast %get3A_1117 : i32 to index
    %get3A_1119 = arith.constant 32 : index
    %get3A_1120 = tpu.vector_load %arg6[%get3A_1118, %get3A_1119] {strides = array<i32>} : memref<32x128xf32, #tpu.memory_space<vmem>>, vector<1x16xf32>,
    %get3A_1121 = vector.shape_cast %get3A_1120 : vector<1x16xf32> to vector<16xf32>
    %mul3A_1122 = vector.broadcast %squeeze3A_401 : f32 to vector<16xf32>
    %mul3A_1123 = arith.mulf %get3A_1121, %mul3A_1122 : vector<16xf32>
    %add3A_1124 = arith.addf %add3A_1116, %mul3A_1123 : vector<16xf32>
    %get3A_1125 = arith.constant 17 : i32
    %get3A_1126 = arith.index_cast %get3A_1125 : i32 to index
    %get3A_1127 = arith.constant 32 : index
    %get3A_1128 = tpu.vector_load %arg6[%get3A_1126, %get3A_1127] {strides = array<i32>} : memref<32x128xf32, #tpu.memory_space<vmem>>, vector<1x16xf32>,
    %get3A_1129 = vector.shape_cast %get3A_1128 : vector<1x16xf32> to vector<16xf32>
    %mul3A_1130 = vector.broadcast %squeeze3A_403 : f32 to vector<16xf32>
    %mul3A_1131 = arith.mulf %get3A_1129, %mul3A_1130 : vector<16xf32>
    %add3A_1132 = arith.addf %add3A_1124, %mul3A_1131 : vector<16xf32>
    %get3A_1133 = arith.constant 18 : i32
    %get3A_1134 = arith.index_cast %get3A_1133 : i32 to index
    %get3A_1135 = arith.constant 32 : index
    %get3A_1136 = tpu.vector_load %arg6[%get3A_1134, %get3A_1135] {strides = array<i32>} : memref<32x128xf32, #tpu.memory_space<vmem>>, vector<1x16xf32>,
    %get3A_1137 = vector.shape_cast %get3A_1136 : vector<1x16xf32> to vector<16xf32>
    %mul3A_1138 = vector.broadcast %squeeze3A_405 : f32 to vector<16xf32>
    %mul3A_1139 = arith.mulf %get3A_1137, %mul3A_1138 : vector<16xf32>
    %add3A_1140 = arith.addf %add3A_1132, %mul3A_1139 : vector<16xf32>
    %get3A_1141 = arith.constant 19 : i32
    %get3A_1142 = arith.index_cast %get3A_1141 : i32 to index
    %get3A_1143 = arith.constant 32 : index
    %get3A_1144 = tpu.vector_load %arg6[%get3A_1142, %get3A_1143] {strides = array<i32>} : memref<32x128xf32, #tpu.memory_space<vmem>>, vector<1x16xf32>,
    %get3A_1145 = vector.shape_cast %get3A_1144 : vector<1x16xf32> to vector<16xf32>
    %mul3A_1146 = vector.broadcast %squeeze3A_407 : f32 to vector<16xf32>
    %mul3A_1147 = arith.mulf %get3A_1145, %mul3A_1146 : vector<16xf32>
    %add3A_1148 = arith.addf %add3A_1140, %mul3A_1147 : vector<16xf32>
    %get3A_1149 = arith.constant 20 : i32
    %get3A_1150 = arith.index_cast %get3A_1149 : i32 to index
    %get3A_1151 = arith.constant 32 : index
    %get3A_1152 = tpu.vector_load %arg6[%get3A_1150, %get3A_1151] {strides = array<i32>} : memref<32x128xf32, #tpu.memory_space<vmem>>, vector<1x16xf32>,
    %get3A_1153 = vector.shape_cast %get3A_1152 : vector<1x16xf32> to vector<16xf32>
    %mul3A_1154 = vector.broadcast %squeeze3A_409 : f32 to vector<16xf32>
    %mul3A_1155 = arith.mulf %get3A_1153, %mul3A_1154 : vector<16xf32>
    %add3A_1156 = arith.addf %add3A_1148, %mul3A_1155 : vector<16xf32>
    %get3A_1157 = arith.constant 21 : i32
    %get3A_1158 = arith.index_cast %get3A_1157 : i32 to index
    %get3A_1159 = arith.constant 32 : index
    %get3A_1160 = tpu.vector_load %arg6[%get3A_1158, %get3A_1159] {strides = array<i32>} : memref<32x128xf32, #tpu.memory_space<vmem>>, vector<1x16xf32>,
    %get3A_1161 = vector.shape_cast %get3A_1160 : vector<1x16xf32> to vector<16xf32>
    %mul3A_1162 = vector.broadcast %squeeze3A_411 : f32 to vector<16xf32>
    %mul3A_1163 = arith.mulf %get3A_1161, %mul3A_1162 : vector<16xf32>
    %add3A_1164 = arith.addf %add3A_1156, %mul3A_1163 : vector<16xf32>
    %get3A_1165 = arith.constant 22 : i32
    %get3A_1166 = arith.index_cast %get3A_1165 : i32 to index
    %get3A_1167 = arith.constant 32 : index
    %get3A_1168 = tpu.vector_load %arg6[%get3A_1166, %get3A_1167] {strides = array<i32>} : memref<32x128xf32, #tpu.memory_space<vmem>>, vector<1x16xf32>,
    %get3A_1169 = vector.shape_cast %get3A_1168 : vector<1x16xf32> to vector<16xf32>
    %mul3A_1170 = vector.broadcast %squeeze3A_413 : f32 to vector<16xf32>
    %mul3A_1171 = arith.mulf %get3A_1169, %mul3A_1170 : vector<16xf32>
    %add3A_1172 = arith.addf %add3A_1164, %mul3A_1171 : vector<16xf32>
    %get3A_1173 = arith.constant 23 : i32
    %get3A_1174 = arith.index_cast %get3A_1173 : i32 to index
    %get3A_1175 = arith.constant 32 : index
    %get3A_1176 = tpu.vector_load %arg6[%get3A_1174, %get3A_1175] {strides = array<i32>} : memref<32x128xf32, #tpu.memory_space<vmem>>, vector<1x16xf32>,
    %get3A_1177 = vector.shape_cast %get3A_1176 : vector<1x16xf32> to vector<16xf32>
    %mul3A_1178 = vector.broadcast %squeeze3A_415 : f32 to vector<16xf32>
    %mul3A_1179 = arith.mulf %get3A_1177, %mul3A_1178 : vector<16xf32>
    %add3A_1180 = arith.addf %add3A_1172, %mul3A_1179 : vector<16xf32>
    %get3A_1181 = arith.constant 24 : i32
    %get3A_1182 = arith.index_cast %get3A_1181 : i32 to index
    %get3A_1183 = arith.constant 32 : index
    %get3A_1184 = tpu.vector_load %arg6[%get3A_1182, %get3A_1183] {strides = array<i32>} : memref<32x128xf32, #tpu.memory_space<vmem>>, vector<1x16xf32>,
    %get3A_1185 = vector.shape_cast %get3A_1184 : vector<1x16xf32> to vector<16xf32>
    %mul3A_1186 = vector.broadcast %squeeze3A_417 : f32 to vector<16xf32>
    %mul3A_1187 = arith.mulf %get3A_1185, %mul3A_1186 : vector<16xf32>
    %add3A_1188 = arith.addf %add3A_1180, %mul3A_1187 : vector<16xf32>
    %get3A_1189 = arith.constant 25 : i32
    %get3A_1190 = arith.index_cast %get3A_1189 : i32 to index
    %get3A_1191 = arith.constant 32 : index
    %get3A_1192 = tpu.vector_load %arg6[%get3A_1190, %get3A_1191] {strides = array<i32>} : memref<32x128xf32, #tpu.memory_space<vmem>>, vector<1x16xf32>,
    %get3A_1193 = vector.shape_cast %get3A_1192 : vector<1x16xf32> to vector<16xf32>
    %mul3A_1194 = vector.broadcast %squeeze3A_419 : f32 to vector<16xf32>
    %mul3A_1195 = arith.mulf %get3A_1193, %mul3A_1194 : vector<16xf32>
    %add3A_1196 = arith.addf %add3A_1188, %mul3A_1195 : vector<16xf32>
    %get3A_1197 = arith.constant 26 : i32
    %get3A_1198 = arith.index_cast %get3A_1197 : i32 to index
    %get3A_1199 = arith.constant 32 : index
    %get3A_1200 = tpu.vector_load %arg6[%get3A_1198, %get3A_1199] {strides = array<i32>} : memref<32x128xf32, #tpu.memory_space<vmem>>, vector<1x16xf32>,
    %get3A_1201 = vector.shape_cast %get3A_1200 : vector<1x16xf32> to vector<16xf32>
    %mul3A_1202 = vector.broadcast %squeeze3A_421 : f32 to vector<16xf32>
    %mul3A_1203 = arith.mulf %get3A_1201, %mul3A_1202 : vector<16xf32>
    %add3A_1204 = arith.addf %add3A_1196, %mul3A_1203 : vector<16xf32>
    %get3A_1205 = arith.constant 27 : i32
    %get3A_1206 = arith.index_cast %get3A_1205 : i32 to index
    %get3A_1207 = arith.constant 32 : index
    %get3A_1208 = tpu.vector_load %arg6[%get3A_1206, %get3A_1207] {strides = array<i32>} : memref<32x128xf32, #tpu.memory_space<vmem>>, vector<1x16xf32>,
    %get3A_1209 = vector.shape_cast %get3A_1208 : vector<1x16xf32> to vector<16xf32>
    %mul3A_1210 = vector.broadcast %squeeze3A_423 : f32 to vector<16xf32>
    %mul3A_1211 = arith.mulf %get3A_1209, %mul3A_1210 : vector<16xf32>
    %add3A_1212 = arith.addf %add3A_1204, %mul3A_1211 : vector<16xf32>
    %get3A_1213 = arith.constant 28 : i32
    %get3A_1214 = arith.index_cast %get3A_1213 : i32 to index
    %get3A_1215 = arith.constant 32 : index
    %get3A_1216 = tpu.vector_load %arg6[%get3A_1214, %get3A_1215] {strides = array<i32>} : memref<32x128xf32, #tpu.memory_space<vmem>>, vector<1x16xf32>,
    %get3A_1217 = vector.shape_cast %get3A_1216 : vector<1x16xf32> to vector<16xf32>
    %mul3A_1218 = vector.broadcast %squeeze3A_425 : f32 to vector<16xf32>
    %mul3A_1219 = arith.mulf %get3A_1217, %mul3A_1218 : vector<16xf32>
    %add3A_1220 = arith.addf %add3A_1212, %mul3A_1219 : vector<16xf32>
    %get3A_1221 = arith.constant 29 : i32
    %get3A_1222 = arith.index_cast %get3A_1221 : i32 to index
    %get3A_1223 = arith.constant 32 : index
    %get3A_1224 = tpu.vector_load %arg6[%get3A_1222, %get3A_1223] {strides = array<i32>} : memref<32x128xf32, #tpu.memory_space<vmem>>, vector<1x16xf32>,
    %get3A_1225 = vector.shape_cast %get3A_1224 : vector<1x16xf32> to vector<16xf32>
    %mul3A_1226 = vector.broadcast %squeeze3A_427 : f32 to vector<16xf32>
    %mul3A_1227 = arith.mulf %get3A_1225, %mul3A_1226 : vector<16xf32>
    %add3A_1228 = arith.addf %add3A_1220, %mul3A_1227 : vector<16xf32>
    %get3A_1229 = arith.constant 30 : i32
    %get3A_1230 = arith.index_cast %get3A_1229 : i32 to index
    %get3A_1231 = arith.constant 32 : index
    %get3A_1232 = tpu.vector_load %arg6[%get3A_1230, %get3A_1231] {strides = array<i32>} : memref<32x128xf32, #tpu.memory_space<vmem>>, vector<1x16xf32>,
    %get3A_1233 = vector.shape_cast %get3A_1232 : vector<1x16xf32> to vector<16xf32>
    %mul3A_1234 = vector.broadcast %squeeze3A_429 : f32 to vector<16xf32>
    %mul3A_1235 = arith.mulf %get3A_1233, %mul3A_1234 : vector<16xf32>
    %add3A_1236 = arith.addf %add3A_1228, %mul3A_1235 : vector<16xf32>
    %get3A_1237 = arith.constant 31 : i32
    %get3A_1238 = arith.index_cast %get3A_1237 : i32 to index
    %get3A_1239 = arith.constant 32 : index
    %get3A_1240 = tpu.vector_load %arg6[%get3A_1238, %get3A_1239] {strides = array<i32>} : memref<32x128xf32, #tpu.memory_space<vmem>>, vector<1x16xf32>,
    %get3A_1241 = vector.shape_cast %get3A_1240 : vector<1x16xf32> to vector<16xf32>
    %mul3A_1242 = vector.broadcast %squeeze3A_431 : f32 to vector<16xf32>
    %mul3A_1243 = arith.mulf %get3A_1241, %mul3A_1242 : vector<16xf32>
    %add3A_1244 = arith.addf %add3A_1236, %mul3A_1243 : vector<16xf32>
    %mul3A_1245 = arith.mulf %add3A_1244, %div3A_469 : vector<16xf32>
    %swap3A_1246 = arith.constant 32 : index
    %swap3A_1247 = tpu.vector_load %arg7[%swap3A_1246] {strides = array<i32>} : memref<128xf32, #tpu.memory_space<vmem>>, vector<16xf32>,
    %swap3A_1248 = vector.shape_cast %swap3A_1247 : vector<16xf32> to vector<16xf32>
    %swap3A_1249 = vector.shape_cast %mul3A_1245 : vector<16xf32> to vector<16xf32>
    tpu.vector_store %arg7[%swap3A_1246], %swap3A_1249 {strides = array<i32>} : memref<128xf32, #tpu.memory_space<vmem>>, vector<16xf32>,
    %get3A_1250 = arith.constant 0 : i32
    %get3A_1251 = arith.index_cast %get3A_1250 : i32 to index
    %get3A_1252 = arith.constant 48 : index
    %get3A_1253 = tpu.vector_load %arg6[%get3A_1251, %get3A_1252] {strides = array<i32>} : memref<32x128xf32, #tpu.memory_space<vmem>>, vector<1x16xf32>,
    %get3A_1254 = vector.shape_cast %get3A_1253 : vector<1x16xf32> to vector<16xf32>
    %mul3A_1255 = vector.broadcast %squeeze3A_369 : f32 to vector<16xf32>
    %mul3A_1256 = arith.mulf %get3A_1254, %mul3A_1255 : vector<16xf32>
    %get3A_1257 = arith.constant 1 : i32
    %get3A_1258 = arith.index_cast %get3A_1257 : i32 to index
    %get3A_1259 = arith.constant 48 : index
    %get3A_1260 = tpu.vector_load %arg6[%get3A_1258, %get3A_1259] {strides = array<i32>} : memref<32x128xf32, #tpu.memory_space<vmem>>, vector<1x16xf32>,
    %get3A_1261 = vector.shape_cast %get3A_1260 : vector<1x16xf32> to vector<16xf32>
    %mul3A_1262 = vector.broadcast %squeeze3A_371 : f32 to vector<16xf32>
    %mul3A_1263 = arith.mulf %get3A_1261, %mul3A_1262 : vector<16xf32>
    %add3A_1264 = arith.addf %mul3A_1256, %mul3A_1263 : vector<16xf32>
    %get3A_1265 = arith.constant 2 : i32
    %get3A_1266 = arith.index_cast %get3A_1265 : i32 to index
    %get3A_1267 = arith.constant 48 : index
    %get3A_1268 = tpu.vector_load %arg6[%get3A_1266, %get3A_1267] {strides = array<i32>} : memref<32x128xf32, #tpu.memory_space<vmem>>, vector<1x16xf32>,
    %get3A_1269 = vector.shape_cast %get3A_1268 : vector<1x16xf32> to vector<16xf32>
    %mul3A_1270 = vector.broadcast %squeeze3A_373 : f32 to vector<16xf32>
    %mul3A_1271 = arith.mulf %get3A_1269, %mul3A_1270 : vector<16xf32>
    %add3A_1272 = arith.addf %add3A_1264, %mul3A_1271 : vector<16xf32>
    %get3A_1273 = arith.constant 3 : i32
    %get3A_1274 = arith.index_cast %get3A_1273 : i32 to index
    %get3A_1275 = arith.constant 48 : index
    %get3A_1276 = tpu.vector_load %arg6[%get3A_1274, %get3A_1275] {strides = array<i32>} : memref<32x128xf32, #tpu.memory_space<vmem>>, vector<1x16xf32>,
    %get3A_1277 = vector.shape_cast %get3A_1276 : vector<1x16xf32> to vector<16xf32>
    %mul3A_1278 = vector.broadcast %squeeze3A_375 : f32 to vector<16xf32>
    %mul3A_1279 = arith.mulf %get3A_1277, %mul3A_1278 : vector<16xf32>
    %add3A_1280 = arith.addf %add3A_1272, %mul3A_1279 : vector<16xf32>
    %get3A_1281 = arith.constant 4 : i32
    %get3A_1282 = arith.index_cast %get3A_1281 : i32 to index
    %get3A_1283 = arith.constant 48 : index
    %get3A_1284 = tpu.vector_load %arg6[%get3A_1282, %get3A_1283] {strides = array<i32>} : memref<32x128xf32, #tpu.memory_space<vmem>>, vector<1x16xf32>,
    %get3A_1285 = vector.shape_cast %get3A_1284 : vector<1x16xf32> to vector<16xf32>
    %mul3A_1286 = vector.broadcast %squeeze3A_377 : f32 to vector<16xf32>
    %mul3A_1287 = arith.mulf %get3A_1285, %mul3A_1286 : vector<16xf32>
    %add3A_1288 = arith.addf %add3A_1280, %mul3A_1287 : vector<16xf32>
    %get3A_1289 = arith.constant 5 : i32
    %get3A_1290 = arith.index_cast %get3A_1289 : i32 to index
    %get3A_1291 = arith.constant 48 : index
    %get3A_1292 = tpu.vector_load %arg6[%get3A_1290, %get3A_1291] {strides = array<i32>} : memref<32x128xf32, #tpu.memory_space<vmem>>, vector<1x16xf32>,
    %get3A_1293 = vector.shape_cast %get3A_1292 : vector<1x16xf32> to vector<16xf32>
    %mul3A_1294 = vector.broadcast %squeeze3A_379 : f32 to vector<16xf32>
    %mul3A_1295 = arith.mulf %get3A_1293, %mul3A_1294 : vector<16xf32>
    %add3A_1296 = arith.addf %add3A_1288, %mul3A_1295 : vector<16xf32>
    %get3A_1297 = arith.constant 6 : i32
    %get3A_1298 = arith.index_cast %get3A_1297 : i32 to index
    %get3A_1299 = arith.constant 48 : index
    %get3A_1300 = tpu.vector_load %arg6[%get3A_1298, %get3A_1299] {strides = array<i32>} : memref<32x128xf32, #tpu.memory_space<vmem>>, vector<1x16xf32>,
    %get3A_1301 = vector.shape_cast %get3A_1300 : vector<1x16xf32> to vector<16xf32>
    %mul3A_1302 = vector.broadcast %squeeze3A_381 : f32 to vector<16xf32>
    %mul3A_1303 = arith.mulf %get3A_1301, %mul3A_1302 : vector<16xf32>
    %add3A_1304 = arith.addf %add3A_1296, %mul3A_1303 : vector<16xf32>
    %get3A_1305 = arith.constant 7 : i32
    %get3A_1306 = arith.index_cast %get3A_1305 : i32 to index
    %get3A_1307 = arith.constant 48 : index
    %get3A_1308 = tpu.vector_load %arg6[%get3A_1306, %get3A_1307] {strides = array<i32>} : memref<32x128xf32, #tpu.memory_space<vmem>>, vector<1x16xf32>,
    %get3A_1309 = vector.shape_cast %get3A_1308 : vector<1x16xf32> to vector<16xf32>
    %mul3A_1310 = vector.broadcast %squeeze3A_383 : f32 to vector<16xf32>
    %mul3A_1311 = arith.mulf %get3A_1309, %mul3A_1310 : vector<16xf32>
    %add3A_1312 = arith.addf %add3A_1304, %mul3A_1311 : vector<16xf32>
    %get3A_1313 = arith.constant 8 : i32
    %get3A_1314 = arith.index_cast %get3A_1313 : i32 to index
    %get3A_1315 = arith.constant 48 : index
    %get3A_1316 = tpu.vector_load %arg6[%get3A_1314, %get3A_1315] {strides = array<i32>} : memref<32x128xf32, #tpu.memory_space<vmem>>, vector<1x16xf32>,
    %get3A_1317 = vector.shape_cast %get3A_1316 : vector<1x16xf32> to vector<16xf32>
    %mul3A_1318 = vector.broadcast %squeeze3A_385 : f32 to vector<16xf32>
    %mul3A_1319 = arith.mulf %get3A_1317, %mul3A_1318 : vector<16xf32>
    %add3A_1320 = arith.addf %add3A_1312, %mul3A_1319 : vector<16xf32>
    %get3A_1321 = arith.constant 9 : i32
    %get3A_1322 = arith.index_cast %get3A_1321 : i32 to index
    %get3A_1323 = arith.constant 48 : index
    %get3A_1324 = tpu.vector_load %arg6[%get3A_1322, %get3A_1323] {strides = array<i32>} : memref<32x128xf32, #tpu.memory_space<vmem>>, vector<1x16xf32>,
    %get3A_1325 = vector.shape_cast %get3A_1324 : vector<1x16xf32> to vector<16xf32>
    %mul3A_1326 = vector.broadcast %squeeze3A_387 : f32 to vector<16xf32>
    %mul3A_1327 = arith.mulf %get3A_1325, %mul3A_1326 : vector<16xf32>
    %add3A_1328 = arith.addf %add3A_1320, %mul3A_1327 : vector<16xf32>
    %get3A_1329 = arith.constant 10 : i32
    %get3A_1330 = arith.index_cast %get3A_1329 : i32 to index
    %get3A_1331 = arith.constant 48 : index
    %get3A_1332 = tpu.vector_load %arg6[%get3A_1330, %get3A_1331] {strides = array<i32>} : memref<32x128xf32, #tpu.memory_space<vmem>>, vector<1x16xf32>,
    %get3A_1333 = vector.shape_cast %get3A_1332 : vector<1x16xf32> to vector<16xf32>
    %mul3A_1334 = vector.broadcast %squeeze3A_389 : f32 to vector<16xf32>
    %mul3A_1335 = arith.mulf %get3A_1333, %mul3A_1334 : vector<16xf32>
    %add3A_1336 = arith.addf %add3A_1328, %mul3A_1335 : vector<16xf32>
    %get3A_1337 = arith.constant 11 : i32
    %get3A_1338 = arith.index_cast %get3A_1337 : i32 to index
    %get3A_1339 = arith.constant 48 : index
    %get3A_1340 = tpu.vector_load %arg6[%get3A_1338, %get3A_1339] {strides = array<i32>} : memref<32x128xf32, #tpu.memory_space<vmem>>, vector<1x16xf32>,
    %get3A_1341 = vector.shape_cast %get3A_1340 : vector<1x16xf32> to vector<16xf32>
    %mul3A_1342 = vector.broadcast %squeeze3A_391 : f32 to vector<16xf32>
    %mul3A_1343 = arith.mulf %get3A_1341, %mul3A_1342 : vector<16xf32>
    %add3A_1344 = arith.addf %add3A_1336, %mul3A_1343 : vector<16xf32>
    %get3A_1345 = arith.constant 12 : i32
    %get3A_1346 = arith.index_cast %get3A_1345 : i32 to index
    %get3A_1347 = arith.constant 48 : index
    %get3A_1348 = tpu.vector_load %arg6[%get3A_1346, %get3A_1347] {strides = array<i32>} : memref<32x128xf32, #tpu.memory_space<vmem>>, vector<1x16xf32>,
    %get3A_1349 = vector.shape_cast %get3A_1348 : vector<1x16xf32> to vector<16xf32>
    %mul3A_1350 = vector.broadcast %squeeze3A_393 : f32 to vector<16xf32>
    %mul3A_1351 = arith.mulf %get3A_1349, %mul3A_1350 : vector<16xf32>
    %add3A_1352 = arith.addf %add3A_1344, %mul3A_1351 : vector<16xf32>
    %get3A_1353 = arith.constant 13 : i32
    %get3A_1354 = arith.index_cast %get3A_1353 : i32 to index
    %get3A_1355 = arith.constant 48 : index
    %get3A_1356 = tpu.vector_load %arg6[%get3A_1354, %get3A_1355] {strides = array<i32>} : memref<32x128xf32, #tpu.memory_space<vmem>>, vector<1x16xf32>,
    %get3A_1357 = vector.shape_cast %get3A_1356 : vector<1x16xf32> to vector<16xf32>
    %mul3A_1358 = vector.broadcast %squeeze3A_395 : f32 to vector<16xf32>
    %mul3A_1359 = arith.mulf %get3A_1357, %mul3A_1358 : vector<16xf32>
    %add3A_1360 = arith.addf %add3A_1352, %mul3A_1359 : vector<16xf32>
    %get3A_1361 = arith.constant 14 : i32
    %get3A_1362 = arith.index_cast %get3A_1361 : i32 to index
    %get3A_1363 = arith.constant 48 : index
    %get3A_1364 = tpu.vector_load %arg6[%get3A_1362, %get3A_1363] {strides = array<i32>} : memref<32x128xf32, #tpu.memory_space<vmem>>, vector<1x16xf32>,
    %get3A_1365 = vector.shape_cast %get3A_1364 : vector<1x16xf32> to vector<16xf32>
    %mul3A_1366 = vector.broadcast %squeeze3A_397 : f32 to vector<16xf32>
    %mul3A_1367 = arith.mulf %get3A_1365, %mul3A_1366 : vector<16xf32>
    %add3A_1368 = arith.addf %add3A_1360, %mul3A_1367 : vector<16xf32>
    %get3A_1369 = arith.constant 15 : i32
    %get3A_1370 = arith.index_cast %get3A_1369 : i32 to index
    %get3A_1371 = arith.constant 48 : index
    %get3A_1372 = tpu.vector_load %arg6[%get3A_1370, %get3A_1371] {strides = array<i32>} : memref<32x128xf32, #tpu.memory_space<vmem>>, vector<1x16xf32>,
    %get3A_1373 = vector.shape_cast %get3A_1372 : vector<1x16xf32> to vector<16xf32>
    %mul3A_1374 = vector.broadcast %squeeze3A_399 : f32 to vector<16xf32>
    %mul3A_1375 = arith.mulf %get3A_1373, %mul3A_1374 : vector<16xf32>
    %add3A_1376 = arith.addf %add3A_1368, %mul3A_1375 : vector<16xf32>
    %get3A_1377 = arith.constant 16 : i32
    %get3A_1378 = arith.index_cast %get3A_1377 : i32 to index
    %get3A_1379 = arith.constant 48 : index
    %get3A_1380 = tpu.vector_load %arg6[%get3A_1378, %get3A_1379] {strides = array<i32>} : memref<32x128xf32, #tpu.memory_space<vmem>>, vector<1x16xf32>,
    %get3A_1381 = vector.shape_cast %get3A_1380 : vector<1x16xf32> to vector<16xf32>
    %mul3A_1382 = vector.broadcast %squeeze3A_401 : f32 to vector<16xf32>
    %mul3A_1383 = arith.mulf %get3A_1381, %mul3A_1382 : vector<16xf32>
    %add3A_1384 = arith.addf %add3A_1376, %mul3A_1383 : vector<16xf32>
    %get3A_1385 = arith.constant 17 : i32
    %get3A_1386 = arith.index_cast %get3A_1385 : i32 to index
    %get3A_1387 = arith.constant 48 : index
    %get3A_1388 = tpu.vector_load %arg6[%get3A_1386, %get3A_1387] {strides = array<i32>} : memref<32x128xf32, #tpu.memory_space<vmem>>, vector<1x16xf32>,
    %get3A_1389 = vector.shape_cast %get3A_1388 : vector<1x16xf32> to vector<16xf32>
    %mul3A_1390 = vector.broadcast %squeeze3A_403 : f32 to vector<16xf32>
    %mul3A_1391 = arith.mulf %get3A_1389, %mul3A_1390 : vector<16xf32>
    %add3A_1392 = arith.addf %add3A_1384, %mul3A_1391 : vector<16xf32>
    %get3A_1393 = arith.constant 18 : i32
    %get3A_1394 = arith.index_cast %get3A_1393 : i32 to index
    %get3A_1395 = arith.constant 48 : index
    %get3A_1396 = tpu.vector_load %arg6[%get3A_1394, %get3A_1395] {strides = array<i32>} : memref<32x128xf32, #tpu.memory_space<vmem>>, vector<1x16xf32>,
    %get3A_1397 = vector.shape_cast %get3A_1396 : vector<1x16xf32> to vector<16xf32>
    %mul3A_1398 = vector.broadcast %squeeze3A_405 : f32 to vector<16xf32>
    %mul3A_1399 = arith.mulf %get3A_1397, %mul3A_1398 : vector<16xf32>
    %add3A_1400 = arith.addf %add3A_1392, %mul3A_1399 : vector<16xf32>
    %get3A_1401 = arith.constant 19 : i32
    %get3A_1402 = arith.index_cast %get3A_1401 : i32 to index
    %get3A_1403 = arith.constant 48 : index
    %get3A_1404 = tpu.vector_load %arg6[%get3A_1402, %get3A_1403] {strides = array<i32>} : memref<32x128xf32, #tpu.memory_space<vmem>>, vector<1x16xf32>,
    %get3A_1405 = vector.shape_cast %get3A_1404 : vector<1x16xf32> to vector<16xf32>
    %mul3A_1406 = vector.broadcast %squeeze3A_407 : f32 to vector<16xf32>
    %mul3A_1407 = arith.mulf %get3A_1405, %mul3A_1406 : vector<16xf32>
    %add3A_1408 = arith.addf %add3A_1400, %mul3A_1407 : vector<16xf32>
    %get3A_1409 = arith.constant 20 : i32
    %get3A_1410 = arith.index_cast %get3A_1409 : i32 to index
    %get3A_1411 = arith.constant 48 : index
    %get3A_1412 = tpu.vector_load %arg6[%get3A_1410, %get3A_1411] {strides = array<i32>} : memref<32x128xf32, #tpu.memory_space<vmem>>, vector<1x16xf32>,
    %get3A_1413 = vector.shape_cast %get3A_1412 : vector<1x16xf32> to vector<16xf32>
    %mul3A_1414 = vector.broadcast %squeeze3A_409 : f32 to vector<16xf32>
    %mul3A_1415 = arith.mulf %get3A_1413, %mul3A_1414 : vector<16xf32>
    %add3A_1416 = arith.addf %add3A_1408, %mul3A_1415 : vector<16xf32>
    %get3A_1417 = arith.constant 21 : i32
    %get3A_1418 = arith.index_cast %get3A_1417 : i32 to index
    %get3A_1419 = arith.constant 48 : index
    %get3A_1420 = tpu.vector_load %arg6[%get3A_1418, %get3A_1419] {strides = array<i32>} : memref<32x128xf32, #tpu.memory_space<vmem>>, vector<1x16xf32>,
    %get3A_1421 = vector.shape_cast %get3A_1420 : vector<1x16xf32> to vector<16xf32>
    %mul3A_1422 = vector.broadcast %squeeze3A_411 : f32 to vector<16xf32>
    %mul3A_1423 = arith.mulf %get3A_1421, %mul3A_1422 : vector<16xf32>
    %add3A_1424 = arith.addf %add3A_1416, %mul3A_1423 : vector<16xf32>
    %get3A_1425 = arith.constant 22 : i32
    %get3A_1426 = arith.index_cast %get3A_1425 : i32 to index
    %get3A_1427 = arith.constant 48 : index
    %get3A_1428 = tpu.vector_load %arg6[%get3A_1426, %get3A_1427] {strides = array<i32>} : memref<32x128xf32, #tpu.memory_space<vmem>>, vector<1x16xf32>,
    %get3A_1429 = vector.shape_cast %get3A_1428 : vector<1x16xf32> to vector<16xf32>
    %mul3A_1430 = vector.broadcast %squeeze3A_413 : f32 to vector<16xf32>
    %mul3A_1431 = arith.mulf %get3A_1429, %mul3A_1430 : vector<16xf32>
    %add3A_1432 = arith.addf %add3A_1424, %mul3A_1431 : vector<16xf32>
    %get3A_1433 = arith.constant 23 : i32
    %get3A_1434 = arith.index_cast %get3A_1433 : i32 to index
    %get3A_1435 = arith.constant 48 : index
    %get3A_1436 = tpu.vector_load %arg6[%get3A_1434, %get3A_1435] {strides = array<i32>} : memref<32x128xf32, #tpu.memory_space<vmem>>, vector<1x16xf32>,
    %get3A_1437 = vector.shape_cast %get3A_1436 : vector<1x16xf32> to vector<16xf32>
    %mul3A_1438 = vector.broadcast %squeeze3A_415 : f32 to vector<16xf32>
    %mul3A_1439 = arith.mulf %get3A_1437, %mul3A_1438 : vector<16xf32>
    %add3A_1440 = arith.addf %add3A_1432, %mul3A_1439 : vector<16xf32>
    %get3A_1441 = arith.constant 24 : i32
    %get3A_1442 = arith.index_cast %get3A_1441 : i32 to index
    %get3A_1443 = arith.constant 48 : index
    %get3A_1444 = tpu.vector_load %arg6[%get3A_1442, %get3A_1443] {strides = array<i32>} : memref<32x128xf32, #tpu.memory_space<vmem>>, vector<1x16xf32>,
    %get3A_1445 = vector.shape_cast %get3A_1444 : vector<1x16xf32> to vector<16xf32>
    %mul3A_1446 = vector.broadcast %squeeze3A_417 : f32 to vector<16xf32>
    %mul3A_1447 = arith.mulf %get3A_1445, %mul3A_1446 : vector<16xf32>
    %add3A_1448 = arith.addf %add3A_1440, %mul3A_1447 : vector<16xf32>
    %get3A_1449 = arith.constant 25 : i32
    %get3A_1450 = arith.index_cast %get3A_1449 : i32 to index
    %get3A_1451 = arith.constant 48 : index
    %get3A_1452 = tpu.vector_load %arg6[%get3A_1450, %get3A_1451] {strides = array<i32>} : memref<32x128xf32, #tpu.memory_space<vmem>>, vector<1x16xf32>,
    %get3A_1453 = vector.shape_cast %get3A_1452 : vector<1x16xf32> to vector<16xf32>
    %mul3A_1454 = vector.broadcast %squeeze3A_419 : f32 to vector<16xf32>
    %mul3A_1455 = arith.mulf %get3A_1453, %mul3A_1454 : vector<16xf32>
    %add3A_1456 = arith.addf %add3A_1448, %mul3A_1455 : vector<16xf32>
    %get3A_1457 = arith.constant 26 : i32
    %get3A_1458 = arith.index_cast %get3A_1457 : i32 to index
    %get3A_1459 = arith.constant 48 : index
    %get3A_1460 = tpu.vector_load %arg6[%get3A_1458, %get3A_1459] {strides = array<i32>} : memref<32x128xf32, #tpu.memory_space<vmem>>, vector<1x16xf32>,
    %get3A_1461 = vector.shape_cast %get3A_1460 : vector<1x16xf32> to vector<16xf32>
    %mul3A_1462 = vector.broadcast %squeeze3A_421 : f32 to vector<16xf32>
    %mul3A_1463 = arith.mulf %get3A_1461, %mul3A_1462 : vector<16xf32>
    %add3A_1464 = arith.addf %add3A_1456, %mul3A_1463 : vector<16xf32>
    %get3A_1465 = arith.constant 27 : i32
    %get3A_1466 = arith.index_cast %get3A_1465 : i32 to index
    %get3A_1467 = arith.constant 48 : index
    %get3A_1468 = tpu.vector_load %arg6[%get3A_1466, %get3A_1467] {strides = array<i32>} : memref<32x128xf32, #tpu.memory_space<vmem>>, vector<1x16xf32>,
    %get3A_1469 = vector.shape_cast %get3A_1468 : vector<1x16xf32> to vector<16xf32>
    %mul3A_1470 = vector.broadcast %squeeze3A_423 : f32 to vector<16xf32>
    %mul3A_1471 = arith.mulf %get3A_1469, %mul3A_1470 : vector<16xf32>
    %add3A_1472 = arith.addf %add3A_1464, %mul3A_1471 : vector<16xf32>
    %get3A_1473 = arith.constant 28 : i32
    %get3A_1474 = arith.index_cast %get3A_1473 : i32 to index
    %get3A_1475 = arith.constant 48 : index
    %get3A_1476 = tpu.vector_load %arg6[%get3A_1474, %get3A_1475] {strides = array<i32>} : memref<32x128xf32, #tpu.memory_space<vmem>>, vector<1x16xf32>,
    %get3A_1477 = vector.shape_cast %get3A_1476 : vector<1x16xf32> to vector<16xf32>
    %mul3A_1478 = vector.broadcast %squeeze3A_425 : f32 to vector<16xf32>
    %mul3A_1479 = arith.mulf %get3A_1477, %mul3A_1478 : vector<16xf32>
    %add3A_1480 = arith.addf %add3A_1472, %mul3A_1479 : vector<16xf32>
    %get3A_1481 = arith.constant 29 : i32
    %get3A_1482 = arith.index_cast %get3A_1481 : i32 to index
    %get3A_1483 = arith.constant 48 : index
    %get3A_1484 = tpu.vector_load %arg6[%get3A_1482, %get3A_1483] {strides = array<i32>} : memref<32x128xf32, #tpu.memory_space<vmem>>, vector<1x16xf32>,
    %get3A_1485 = vector.shape_cast %get3A_1484 : vector<1x16xf32> to vector<16xf32>
    %mul3A_1486 = vector.broadcast %squeeze3A_427 : f32 to vector<16xf32>
    %mul3A_1487 = arith.mulf %get3A_1485, %mul3A_1486 : vector<16xf32>
    %add3A_1488 = arith.addf %add3A_1480, %mul3A_1487 : vector<16xf32>
    %get3A_1489 = arith.constant 30 : i32
    %get3A_1490 = arith.index_cast %get3A_1489 : i32 to index
    %get3A_1491 = arith.constant 48 : index
    %get3A_1492 = tpu.vector_load %arg6[%get3A_1490, %get3A_1491] {strides = array<i32>} : memref<32x128xf32, #tpu.memory_space<vmem>>, vector<1x16xf32>,
    %get3A_1493 = vector.shape_cast %get3A_1492 : vector<1x16xf32> to vector<16xf32>
    %mul3A_1494 = vector.broadcast %squeeze3A_429 : f32 to vector<16xf32>
    %mul3A_1495 = arith.mulf %get3A_1493, %mul3A_1494 : vector<16xf32>
    %add3A_1496 = arith.addf %add3A_1488, %mul3A_1495 : vector<16xf32>
    %get3A_1497 = arith.constant 31 : i32
    %get3A_1498 = arith.index_cast %get3A_1497 : i32 to index
    %get3A_1499 = arith.constant 48 : index
    %get3A_1500 = tpu.vector_load %arg6[%get3A_1498, %get3A_1499] {strides = array<i32>} : memref<32x128xf32, #tpu.memory_space<vmem>>, vector<1x16xf32>,
    %get3A_1501 = vector.shape_cast %get3A_1500 : vector<1x16xf32> to vector<16xf32>
    %mul3A_1502 = vector.broadcast %squeeze3A_431 : f32 to vector<16xf32>
    %mul3A_1503 = arith.mulf %get3A_1501, %mul3A_1502 : vector<16xf32>
    %add3A_1504 = arith.addf %add3A_1496, %mul3A_1503 : vector<16xf32>
    %mul3A_1505 = arith.mulf %add3A_1504, %div3A_469 : vector<16xf32>
    %swap3A_1506 = arith.constant 48 : index
    %swap3A_1507 = tpu.vector_load %arg7[%swap3A_1506] {strides = array<i32>} : memref<128xf32, #tpu.memory_space<vmem>>, vector<16xf32>,
    %swap3A_1508 = vector.shape_cast %swap3A_1507 : vector<16xf32> to vector<16xf32>
    %swap3A_1509 = vector.shape_cast %mul3A_1505 : vector<16xf32> to vector<16xf32>
    tpu.vector_store %arg7[%swap3A_1506], %swap3A_1509 {strides = array<i32>} : memref<128xf32, #tpu.memory_space<vmem>>, vector<16xf32>,
    %get3A_1510 = arith.constant 0 : i32
    %get3A_1511 = arith.index_cast %get3A_1510 : i32 to index
    %get3A_1512 = arith.constant 64 : index
    %get3A_1513 = tpu.vector_load %arg6[%get3A_1511, %get3A_1512] {strides = array<i32>} : memref<32x128xf32, #tpu.memory_space<vmem>>, vector<1x16xf32>,
    %get3A_1514 = vector.shape_cast %get3A_1513 : vector<1x16xf32> to vector<16xf32>
    %mul3A_1515 = vector.broadcast %squeeze3A_369 : f32 to vector<16xf32>
    %mul3A_1516 = arith.mulf %get3A_1514, %mul3A_1515 : vector<16xf32>
    %get3A_1517 = arith.constant 1 : i32
    %get3A_1518 = arith.index_cast %get3A_1517 : i32 to index
    %get3A_1519 = arith.constant 64 : index
    %get3A_1520 = tpu.vector_load %arg6[%get3A_1518, %get3A_1519] {strides = array<i32>} : memref<32x128xf32, #tpu.memory_space<vmem>>, vector<1x16xf32>,
    %get3A_1521 = vector.shape_cast %get3A_1520 : vector<1x16xf32> to vector<16xf32>
    %mul3A_1522 = vector.broadcast %squeeze3A_371 : f32 to vector<16xf32>
    %mul3A_1523 = arith.mulf %get3A_1521, %mul3A_1522 : vector<16xf32>
    %add3A_1524 = arith.addf %mul3A_1516, %mul3A_1523 : vector<16xf32>
    %get3A_1525 = arith.constant 2 : i32
    %get3A_1526 = arith.index_cast %get3A_1525 : i32 to index
    %get3A_1527 = arith.constant 64 : index
    %get3A_1528 = tpu.vector_load %arg6[%get3A_1526, %get3A_1527] {strides = array<i32>} : memref<32x128xf32, #tpu.memory_space<vmem>>, vector<1x16xf32>,
    %get3A_1529 = vector.shape_cast %get3A_1528 : vector<1x16xf32> to vector<16xf32>
    %mul3A_1530 = vector.broadcast %squeeze3A_373 : f32 to vector<16xf32>
    %mul3A_1531 = arith.mulf %get3A_1529, %mul3A_1530 : vector<16xf32>
    %add3A_1532 = arith.addf %add3A_1524, %mul3A_1531 : vector<16xf32>
    %get3A_1533 = arith.constant 3 : i32
    %get3A_1534 = arith.index_cast %get3A_1533 : i32 to index
    %get3A_1535 = arith.constant 64 : index
    %get3A_1536 = tpu.vector_load %arg6[%get3A_1534, %get3A_1535] {strides = array<i32>} : memref<32x128xf32, #tpu.memory_space<vmem>>, vector<1x16xf32>,
    %get3A_1537 = vector.shape_cast %get3A_1536 : vector<1x16xf32> to vector<16xf32>
    %mul3A_1538 = vector.broadcast %squeeze3A_375 : f32 to vector<16xf32>
    %mul3A_1539 = arith.mulf %get3A_1537, %mul3A_1538 : vector<16xf32>
    %add3A_1540 = arith.addf %add3A_1532, %mul3A_1539 : vector<16xf32>
    %get3A_1541 = arith.constant 4 : i32
    %get3A_1542 = arith.index_cast %get3A_1541 : i32 to index
    %get3A_1543 = arith.constant 64 : index
    %get3A_1544 = tpu.vector_load %arg6[%get3A_1542, %get3A_1543] {strides = array<i32>} : memref<32x128xf32, #tpu.memory_space<vmem>>, vector<1x16xf32>,
    %get3A_1545 = vector.shape_cast %get3A_1544 : vector<1x16xf32> to vector<16xf32>
    %mul3A_1546 = vector.broadcast %squeeze3A_377 : f32 to vector<16xf32>
    %mul3A_1547 = arith.mulf %get3A_1545, %mul3A_1546 : vector<16xf32>
    %add3A_1548 = arith.addf %add3A_1540, %mul3A_1547 : vector<16xf32>
    %get3A_1549 = arith.constant 5 : i32
    %get3A_1550 = arith.index_cast %get3A_1549 : i32 to index
    %get3A_1551 = arith.constant 64 : index
    %get3A_1552 = tpu.vector_load %arg6[%get3A_1550, %get3A_1551] {strides = array<i32>} : memref<32x128xf32, #tpu.memory_space<vmem>>, vector<1x16xf32>,
    %get3A_1553 = vector.shape_cast %get3A_1552 : vector<1x16xf32> to vector<16xf32>
    %mul3A_1554 = vector.broadcast %squeeze3A_379 : f32 to vector<16xf32>
    %mul3A_1555 = arith.mulf %get3A_1553, %mul3A_1554 : vector<16xf32>
    %add3A_1556 = arith.addf %add3A_1548, %mul3A_1555 : vector<16xf32>
    %get3A_1557 = arith.constant 6 : i32
    %get3A_1558 = arith.index_cast %get3A_1557 : i32 to index
    %get3A_1559 = arith.constant 64 : index
    %get3A_1560 = tpu.vector_load %arg6[%get3A_1558, %get3A_1559] {strides = array<i32>} : memref<32x128xf32, #tpu.memory_space<vmem>>, vector<1x16xf32>,
    %get3A_1561 = vector.shape_cast %get3A_1560 : vector<1x16xf32> to vector<16xf32>
    %mul3A_1562 = vector.broadcast %squeeze3A_381 : f32 to vector<16xf32>
    %mul3A_1563 = arith.mulf %get3A_1561, %mul3A_1562 : vector<16xf32>
    %add3A_1564 = arith.addf %add3A_1556, %mul3A_1563 : vector<16xf32>
    %get3A_1565 = arith.constant 7 : i32
    %get3A_1566 = arith.index_cast %get3A_1565 : i32 to index
    %get3A_1567 = arith.constant 64 : index
    %get3A_1568 = tpu.vector_load %arg6[%get3A_1566, %get3A_1567] {strides = array<i32>} : memref<32x128xf32, #tpu.memory_space<vmem>>, vector<1x16xf32>,
    %get3A_1569 = vector.shape_cast %get3A_1568 : vector<1x16xf32> to vector<16xf32>
    %mul3A_1570 = vector.broadcast %squeeze3A_383 : f32 to vector<16xf32>
    %mul3A_1571 = arith.mulf %get3A_1569, %mul3A_1570 : vector<16xf32>
    %add3A_1572 = arith.addf %add3A_1564, %mul3A_1571 : vector<16xf32>
    %get3A_1573 = arith.constant 8 : i32
    %get3A_1574 = arith.index_cast %get3A_1573 : i32 to index
    %get3A_1575 = arith.constant 64 : index
    %get3A_1576 = tpu.vector_load %arg6[%get3A_1574, %get3A_1575] {strides = array<i32>} : memref<32x128xf32, #tpu.memory_space<vmem>>, vector<1x16xf32>,
    %get3A_1577 = vector.shape_cast %get3A_1576 : vector<1x16xf32> to vector<16xf32>
    %mul3A_1578 = vector.broadcast %squeeze3A_385 : f32 to vector<16xf32>
    %mul3A_1579 = arith.mulf %get3A_1577, %mul3A_1578 : vector<16xf32>
    %add3A_1580 = arith.addf %add3A_1572, %mul3A_1579 : vector<16xf32>
    %get3A_1581 = arith.constant 9 : i32
    %get3A_1582 = arith.index_cast %get3A_1581 : i32 to index
    %get3A_1583 = arith.constant 64 : index
    %get3A_1584 = tpu.vector_load %arg6[%get3A_1582, %get3A_1583] {strides = array<i32>} : memref<32x128xf32, #tpu.memory_space<vmem>>, vector<1x16xf32>,
    %get3A_1585 = vector.shape_cast %get3A_1584 : vector<1x16xf32> to vector<16xf32>
    %mul3A_1586 = vector.broadcast %squeeze3A_387 : f32 to vector<16xf32>
    %mul3A_1587 = arith.mulf %get3A_1585, %mul3A_1586 : vector<16xf32>
    %add3A_1588 = arith.addf %add3A_1580, %mul3A_1587 : vector<16xf32>
    %get3A_1589 = arith.constant 10 : i32
    %get3A_1590 = arith.index_cast %get3A_1589 : i32 to index
    %get3A_1591 = arith.constant 64 : index
    %get3A_1592 = tpu.vector_load %arg6[%get3A_1590, %get3A_1591] {strides = array<i32>} : memref<32x128xf32, #tpu.memory_space<vmem>>, vector<1x16xf32>,
    %get3A_1593 = vector.shape_cast %get3A_1592 : vector<1x16xf32> to vector<16xf32>
    %mul3A_1594 = vector.broadcast %squeeze3A_389 : f32 to vector<16xf32>
    %mul3A_1595 = arith.mulf %get3A_1593, %mul3A_1594 : vector<16xf32>
    %add3A_1596 = arith.addf %add3A_1588, %mul3A_1595 : vector<16xf32>
    %get3A_1597 = arith.constant 11 : i32
    %get3A_1598 = arith.index_cast %get3A_1597 : i32 to index
    %get3A_1599 = arith.constant 64 : index
    %get3A_1600 = tpu.vector_load %arg6[%get3A_1598, %get3A_1599] {strides = array<i32>} : memref<32x128xf32, #tpu.memory_space<vmem>>, vector<1x16xf32>,
    %get3A_1601 = vector.shape_cast %get3A_1600 : vector<1x16xf32> to vector<16xf32>
    %mul3A_1602 = vector.broadcast %squeeze3A_391 : f32 to vector<16xf32>
    %mul3A_1603 = arith.mulf %get3A_1601, %mul3A_1602 : vector<16xf32>
    %add3A_1604 = arith.addf %add3A_1596, %mul3A_1603 : vector<16xf32>
    %get3A_1605 = arith.constant 12 : i32
    %get3A_1606 = arith.index_cast %get3A_1605 : i32 to index
    %get3A_1607 = arith.constant 64 : index
    %get3A_1608 = tpu.vector_load %arg6[%get3A_1606, %get3A_1607] {strides = array<i32>} : memref<32x128xf32, #tpu.memory_space<vmem>>, vector<1x16xf32>,
    %get3A_1609 = vector.shape_cast %get3A_1608 : vector<1x16xf32> to vector<16xf32>
    %mul3A_1610 = vector.broadcast %squeeze3A_393 : f32 to vector<16xf32>
    %mul3A_1611 = arith.mulf %get3A_1609, %mul3A_1610 : vector<16xf32>
    %add3A_1612 = arith.addf %add3A_1604, %mul3A_1611 : vector<16xf32>
    %get3A_1613 = arith.constant 13 : i32
    %get3A_1614 = arith.index_cast %get3A_1613 : i32 to index
    %get3A_1615 = arith.constant 64 : index
    %get3A_1616 = tpu.vector_load %arg6[%get3A_1614, %get3A_1615] {strides = array<i32>} : memref<32x128xf32, #tpu.memory_space<vmem>>, vector<1x16xf32>,
    %get3A_1617 = vector.shape_cast %get3A_1616 : vector<1x16xf32> to vector<16xf32>
    %mul3A_1618 = vector.broadcast %squeeze3A_395 : f32 to vector<16xf32>
    %mul3A_1619 = arith.mulf %get3A_1617, %mul3A_1618 : vector<16xf32>
    %add3A_1620 = arith.addf %add3A_1612, %mul3A_1619 : vector<16xf32>
    %get3A_1621 = arith.constant 14 : i32
    %get3A_1622 = arith.index_cast %get3A_1621 : i32 to index
    %get3A_1623 = arith.constant 64 : index
    %get3A_1624 = tpu.vector_load %arg6[%get3A_1622, %get3A_1623] {strides = array<i32>} : memref<32x128xf32, #tpu.memory_space<vmem>>, vector<1x16xf32>,
    %get3A_1625 = vector.shape_cast %get3A_1624 : vector<1x16xf32> to vector<16xf32>
    %mul3A_1626 = vector.broadcast %squeeze3A_397 : f32 to vector<16xf32>
    %mul3A_1627 = arith.mulf %get3A_1625, %mul3A_1626 : vector<16xf32>
    %add3A_1628 = arith.addf %add3A_1620, %mul3A_1627 : vector<16xf32>
    %get3A_1629 = arith.constant 15 : i32
    %get3A_1630 = arith.index_cast %get3A_1629 : i32 to index
    %get3A_1631 = arith.constant 64 : index
    %get3A_1632 = tpu.vector_load %arg6[%get3A_1630, %get3A_1631] {strides = array<i32>} : memref<32x128xf32, #tpu.memory_space<vmem>>, vector<1x16xf32>,
    %get3A_1633 = vector.shape_cast %get3A_1632 : vector<1x16xf32> to vector<16xf32>
    %mul3A_1634 = vector.broadcast %squeeze3A_399 : f32 to vector<16xf32>
    %mul3A_1635 = arith.mulf %get3A_1633, %mul3A_1634 : vector<16xf32>
    %add3A_1636 = arith.addf %add3A_1628, %mul3A_1635 : vector<16xf32>
    %get3A_1637 = arith.constant 16 : i32
    %get3A_1638 = arith.index_cast %get3A_1637 : i32 to index
    %get3A_1639 = arith.constant 64 : index
    %get3A_1640 = tpu.vector_load %arg6[%get3A_1638, %get3A_1639] {strides = array<i32>} : memref<32x128xf32, #tpu.memory_space<vmem>>, vector<1x16xf32>,
    %get3A_1641 = vector.shape_cast %get3A_1640 : vector<1x16xf32> to vector<16xf32>
    %mul3A_1642 = vector.broadcast %squeeze3A_401 : f32 to vector<16xf32>
    %mul3A_1643 = arith.mulf %get3A_1641, %mul3A_1642 : vector<16xf32>
    %add3A_1644 = arith.addf %add3A_1636, %mul3A_1643 : vector<16xf32>
    %get3A_1645 = arith.constant 17 : i32
    %get3A_1646 = arith.index_cast %get3A_1645 : i32 to index
    %get3A_1647 = arith.constant 64 : index
    %get3A_1648 = tpu.vector_load %arg6[%get3A_1646, %get3A_1647] {strides = array<i32>} : memref<32x128xf32, #tpu.memory_space<vmem>>, vector<1x16xf32>,
    %get3A_1649 = vector.shape_cast %get3A_1648 : vector<1x16xf32> to vector<16xf32>
    %mul3A_1650 = vector.broadcast %squeeze3A_403 : f32 to vector<16xf32>
    %mul3A_1651 = arith.mulf %get3A_1649, %mul3A_1650 : vector<16xf32>
    %add3A_1652 = arith.addf %add3A_1644, %mul3A_1651 : vector<16xf32>
    %get3A_1653 = arith.constant 18 : i32
    %get3A_1654 = arith.index_cast %get3A_1653 : i32 to index
    %get3A_1655 = arith.constant 64 : index
    %get3A_1656 = tpu.vector_load %arg6[%get3A_1654, %get3A_1655] {strides = array<i32>} : memref<32x128xf32, #tpu.memory_space<vmem>>, vector<1x16xf32>,
    %get3A_1657 = vector.shape_cast %get3A_1656 : vector<1x16xf32> to vector<16xf32>
    %mul3A_1658 = vector.broadcast %squeeze3A_405 : f32 to vector<16xf32>
    %mul3A_1659 = arith.mulf %get3A_1657, %mul3A_1658 : vector<16xf32>
    %add3A_1660 = arith.addf %add3A_1652, %mul3A_1659 : vector<16xf32>
    %get3A_1661 = arith.constant 19 : i32
    %get3A_1662 = arith.index_cast %get3A_1661 : i32 to index
    %get3A_1663 = arith.constant 64 : index
    %get3A_1664 = tpu.vector_load %arg6[%get3A_1662, %get3A_1663] {strides = array<i32>} : memref<32x128xf32, #tpu.memory_space<vmem>>, vector<1x16xf32>,
    %get3A_1665 = vector.shape_cast %get3A_1664 : vector<1x16xf32> to vector<16xf32>
    %mul3A_1666 = vector.broadcast %squeeze3A_407 : f32 to vector<16xf32>
    %mul3A_1667 = arith.mulf %get3A_1665, %mul3A_1666 : vector<16xf32>
    %add3A_1668 = arith.addf %add3A_1660, %mul3A_1667 : vector<16xf32>
    %get3A_1669 = arith.constant 20 : i32
    %get3A_1670 = arith.index_cast %get3A_1669 : i32 to index
    %get3A_1671 = arith.constant 64 : index
    %get3A_1672 = tpu.vector_load %arg6[%get3A_1670, %get3A_1671] {strides = array<i32>} : memref<32x128xf32, #tpu.memory_space<vmem>>, vector<1x16xf32>,
    %get3A_1673 = vector.shape_cast %get3A_1672 : vector<1x16xf32> to vector<16xf32>
    %mul3A_1674 = vector.broadcast %squeeze3A_409 : f32 to vector<16xf32>
    %mul3A_1675 = arith.mulf %get3A_1673, %mul3A_1674 : vector<16xf32>
    %add3A_1676 = arith.addf %add3A_1668, %mul3A_1675 : vector<16xf32>
    %get3A_1677 = arith.constant 21 : i32
    %get3A_1678 = arith.index_cast %get3A_1677 : i32 to index
    %get3A_1679 = arith.constant 64 : index
    %get3A_1680 = tpu.vector_load %arg6[%get3A_1678, %get3A_1679] {strides = array<i32>} : memref<32x128xf32, #tpu.memory_space<vmem>>, vector<1x16xf32>,
    %get3A_1681 = vector.shape_cast %get3A_1680 : vector<1x16xf32> to vector<16xf32>
    %mul3A_1682 = vector.broadcast %squeeze3A_411 : f32 to vector<16xf32>
    %mul3A_1683 = arith.mulf %get3A_1681, %mul3A_1682 : vector<16xf32>
    %add3A_1684 = arith.addf %add3A_1676, %mul3A_1683 : vector<16xf32>
    %get3A_1685 = arith.constant 22 : i32
    %get3A_1686 = arith.index_cast %get3A_1685 : i32 to index
    %get3A_1687 = arith.constant 64 : index
    %get3A_1688 = tpu.vector_load %arg6[%get3A_1686, %get3A_1687] {strides = array<i32>} : memref<32x128xf32, #tpu.memory_space<vmem>>, vector<1x16xf32>,
    %get3A_1689 = vector.shape_cast %get3A_1688 : vector<1x16xf32> to vector<16xf32>
    %mul3A_1690 = vector.broadcast %squeeze3A_413 : f32 to vector<16xf32>
    %mul3A_1691 = arith.mulf %get3A_1689, %mul3A_1690 : vector<16xf32>
    %add3A_1692 = arith.addf %add3A_1684, %mul3A_1691 : vector<16xf32>
    %get3A_1693 = arith.constant 23 : i32
    %get3A_1694 = arith.index_cast %get3A_1693 : i32 to index
    %get3A_1695 = arith.constant 64 : index
    %get3A_1696 = tpu.vector_load %arg6[%get3A_1694, %get3A_1695] {strides = array<i32>} : memref<32x128xf32, #tpu.memory_space<vmem>>, vector<1x16xf32>,
    %get3A_1697 = vector.shape_cast %get3A_1696 : vector<1x16xf32> to vector<16xf32>
    %mul3A_1698 = vector.broadcast %squeeze3A_415 : f32 to vector<16xf32>
    %mul3A_1699 = arith.mulf %get3A_1697, %mul3A_1698 : vector<16xf32>
    %add3A_1700 = arith.addf %add3A_1692, %mul3A_1699 : vector<16xf32>
    %get3A_1701 = arith.constant 24 : i32
    %get3A_1702 = arith.index_cast %get3A_1701 : i32 to index
    %get3A_1703 = arith.constant 64 : index
    %get3A_1704 = tpu.vector_load %arg6[%get3A_1702, %get3A_1703] {strides = array<i32>} : memref<32x128xf32, #tpu.memory_space<vmem>>, vector<1x16xf32>,
    %get3A_1705 = vector.shape_cast %get3A_1704 : vector<1x16xf32> to vector<16xf32>
    %mul3A_1706 = vector.broadcast %squeeze3A_417 : f32 to vector<16xf32>
    %mul3A_1707 = arith.mulf %get3A_1705, %mul3A_1706 : vector<16xf32>
    %add3A_1708 = arith.addf %add3A_1700, %mul3A_1707 : vector<16xf32>
    %get3A_1709 = arith.constant 25 : i32
    %get3A_1710 = arith.index_cast %get3A_1709 : i32 to index
    %get3A_1711 = arith.constant 64 : index
    %get3A_1712 = tpu.vector_load %arg6[%get3A_1710, %get3A_1711] {strides = array<i32>} : memref<32x128xf32, #tpu.memory_space<vmem>>, vector<1x16xf32>,
    %get3A_1713 = vector.shape_cast %get3A_1712 : vector<1x16xf32> to vector<16xf32>
    %mul3A_1714 = vector.broadcast %squeeze3A_419 : f32 to vector<16xf32>
    %mul3A_1715 = arith.mulf %get3A_1713, %mul3A_1714 : vector<16xf32>
    %add3A_1716 = arith.addf %add3A_1708, %mul3A_1715 : vector<16xf32>
    %get3A_1717 = arith.constant 26 : i32
    %get3A_1718 = arith.index_cast %get3A_1717 : i32 to index
    %get3A_1719 = arith.constant 64 : index
    %get3A_1720 = tpu.vector_load %arg6[%get3A_1718, %get3A_1719] {strides = array<i32>} : memref<32x128xf32, #tpu.memory_space<vmem>>, vector<1x16xf32>,
    %get3A_1721 = vector.shape_cast %get3A_1720 : vector<1x16xf32> to vector<16xf32>
    %mul3A_1722 = vector.broadcast %squeeze3A_421 : f32 to vector<16xf32>
    %mul3A_1723 = arith.mulf %get3A_1721, %mul3A_1722 : vector<16xf32>
    %add3A_1724 = arith.addf %add3A_1716, %mul3A_1723 : vector<16xf32>
    %get3A_1725 = arith.constant 27 : i32
    %get3A_1726 = arith.index_cast %get3A_1725 : i32 to index
    %get3A_1727 = arith.constant 64 : index
    %get3A_1728 = tpu.vector_load %arg6[%get3A_1726, %get3A_1727] {strides = array<i32>} : memref<32x128xf32, #tpu.memory_space<vmem>>, vector<1x16xf32>,
    %get3A_1729 = vector.shape_cast %get3A_1728 : vector<1x16xf32> to vector<16xf32>
    %mul3A_1730 = vector.broadcast %squeeze3A_423 : f32 to vector<16xf32>
    %mul3A_1731 = arith.mulf %get3A_1729, %mul3A_1730 : vector<16xf32>
    %add3A_1732 = arith.addf %add3A_1724, %mul3A_1731 : vector<16xf32>
    %get3A_1733 = arith.constant 28 : i32
    %get3A_1734 = arith.index_cast %get3A_1733 : i32 to index
    %get3A_1735 = arith.constant 64 : index
    %get3A_1736 = tpu.vector_load %arg6[%get3A_1734, %get3A_1735] {strides = array<i32>} : memref<32x128xf32, #tpu.memory_space<vmem>>, vector<1x16xf32>,
    %get3A_1737 = vector.shape_cast %get3A_1736 : vector<1x16xf32> to vector<16xf32>
    %mul3A_1738 = vector.broadcast %squeeze3A_425 : f32 to vector<16xf32>
    %mul3A_1739 = arith.mulf %get3A_1737, %mul3A_1738 : vector<16xf32>
    %add3A_1740 = arith.addf %add3A_1732, %mul3A_1739 : vector<16xf32>
    %get3A_1741 = arith.constant 29 : i32
    %get3A_1742 = arith.index_cast %get3A_1741 : i32 to index
    %get3A_1743 = arith.constant 64 : index
    %get3A_1744 = tpu.vector_load %arg6[%get3A_1742, %get3A_1743] {strides = array<i32>} : memref<32x128xf32, #tpu.memory_space<vmem>>, vector<1x16xf32>,
    %get3A_1745 = vector.shape_cast %get3A_1744 : vector<1x16xf32> to vector<16xf32>
    %mul3A_1746 = vector.broadcast %squeeze3A_427 : f32 to vector<16xf32>
    %mul3A_1747 = arith.mulf %get3A_1745, %mul3A_1746 : vector<16xf32>
    %add3A_1748 = arith.addf %add3A_1740, %mul3A_1747 : vector<16xf32>
    %get3A_1749 = arith.constant 30 : i32
    %get3A_1750 = arith.index_cast %get3A_1749 : i32 to index
    %get3A_1751 = arith.constant 64 : index
    %get3A_1752 = tpu.vector_load %arg6[%get3A_1750, %get3A_1751] {strides = array<i32>} : memref<32x128xf32, #tpu.memory_space<vmem>>, vector<1x16xf32>,
    %get3A_1753 = vector.shape_cast %get3A_1752 : vector<1x16xf32> to vector<16xf32>
    %mul3A_1754 = vector.broadcast %squeeze3A_429 : f32 to vector<16xf32>
    %mul3A_1755 = arith.mulf %get3A_1753, %mul3A_1754 : vector<16xf32>
    %add3A_1756 = arith.addf %add3A_1748, %mul3A_1755 : vector<16xf32>
    %get3A_1757 = arith.constant 31 : i32
    %get3A_1758 = arith.index_cast %get3A_1757 : i32 to index
    %get3A_1759 = arith.constant 64 : index
    %get3A_1760 = tpu.vector_load %arg6[%get3A_1758, %get3A_1759] {strides = array<i32>} : memref<32x128xf32, #tpu.memory_space<vmem>>, vector<1x16xf32>,
    %get3A_1761 = vector.shape_cast %get3A_1760 : vector<1x16xf32> to vector<16xf32>
    %mul3A_1762 = vector.broadcast %squeeze3A_431 : f32 to vector<16xf32>
    %mul3A_1763 = arith.mulf %get3A_1761, %mul3A_1762 : vector<16xf32>
    %add3A_1764 = arith.addf %add3A_1756, %mul3A_1763 : vector<16xf32>
    %mul3A_1765 = arith.mulf %add3A_1764, %div3A_469 : vector<16xf32>
    %swap3A_1766 = arith.constant 64 : index
    %swap3A_1767 = tpu.vector_load %arg7[%swap3A_1766] {strides = array<i32>} : memref<128xf32, #tpu.memory_space<vmem>>, vector<16xf32>,
    %swap3A_1768 = vector.shape_cast %swap3A_1767 : vector<16xf32> to vector<16xf32>
    %swap3A_1769 = vector.shape_cast %mul3A_1765 : vector<16xf32> to vector<16xf32>
    tpu.vector_store %arg7[%swap3A_1766], %swap3A_1769 {strides = array<i32>} : memref<128xf32, #tpu.memory_space<vmem>>, vector<16xf32>,
    %get3A_1770 = arith.constant 0 : i32
    %get3A_1771 = arith.index_cast %get3A_1770 : i32 to index
    %get3A_1772 = arith.constant 80 : index
    %get3A_1773 = tpu.vector_load %arg6[%get3A_1771, %get3A_1772] {strides = array<i32>} : memref<32x128xf32, #tpu.memory_space<vmem>>, vector<1x16xf32>,
    %get3A_1774 = vector.shape_cast %get3A_1773 : vector<1x16xf32> to vector<16xf32>
    %mul3A_1775 = vector.broadcast %squeeze3A_369 : f32 to vector<16xf32>
    %mul3A_1776 = arith.mulf %get3A_1774, %mul3A_1775 : vector<16xf32>
    %get3A_1777 = arith.constant 1 : i32
    %get3A_1778 = arith.index_cast %get3A_1777 : i32 to index
    %get3A_1779 = arith.constant 80 : index
    %get3A_1780 = tpu.vector_load %arg6[%get3A_1778, %get3A_1779] {strides = array<i32>} : memref<32x128xf32, #tpu.memory_space<vmem>>, vector<1x16xf32>,
    %get3A_1781 = vector.shape_cast %get3A_1780 : vector<1x16xf32> to vector<16xf32>
    %mul3A_1782 = vector.broadcast %squeeze3A_371 : f32 to vector<16xf32>
    %mul3A_1783 = arith.mulf %get3A_1781, %mul3A_1782 : vector<16xf32>
    %add3A_1784 = arith.addf %mul3A_1776, %mul3A_1783 : vector<16xf32>
    %get3A_1785 = arith.constant 2 : i32
    %get3A_1786 = arith.index_cast %get3A_1785 : i32 to index
    %get3A_1787 = arith.constant 80 : index
    %get3A_1788 = tpu.vector_load %arg6[%get3A_1786, %get3A_1787] {strides = array<i32>} : memref<32x128xf32, #tpu.memory_space<vmem>>, vector<1x16xf32>,
    %get3A_1789 = vector.shape_cast %get3A_1788 : vector<1x16xf32> to vector<16xf32>
    %mul3A_1790 = vector.broadcast %squeeze3A_373 : f32 to vector<16xf32>
    %mul3A_1791 = arith.mulf %get3A_1789, %mul3A_1790 : vector<16xf32>
    %add3A_1792 = arith.addf %add3A_1784, %mul3A_1791 : vector<16xf32>
    %get3A_1793 = arith.constant 3 : i32
    %get3A_1794 = arith.index_cast %get3A_1793 : i32 to index
    %get3A_1795 = arith.constant 80 : index
    %get3A_1796 = tpu.vector_load %arg6[%get3A_1794, %get3A_1795] {strides = array<i32>} : memref<32x128xf32, #tpu.memory_space<vmem>>, vector<1x16xf32>,
    %get3A_1797 = vector.shape_cast %get3A_1796 : vector<1x16xf32> to vector<16xf32>
    %mul3A_1798 = vector.broadcast %squeeze3A_375 : f32 to vector<16xf32>
    %mul3A_1799 = arith.mulf %get3A_1797, %mul3A_1798 : vector<16xf32>
    %add3A_1800 = arith.addf %add3A_1792, %mul3A_1799 : vector<16xf32>
    %get3A_1801 = arith.constant 4 : i32
    %get3A_1802 = arith.index_cast %get3A_1801 : i32 to index
    %get3A_1803 = arith.constant 80 : index
    %get3A_1804 = tpu.vector_load %arg6[%get3A_1802, %get3A_1803] {strides = array<i32>} : memref<32x128xf32, #tpu.memory_space<vmem>>, vector<1x16xf32>,
    %get3A_1805 = vector.shape_cast %get3A_1804 : vector<1x16xf32> to vector<16xf32>
    %mul3A_1806 = vector.broadcast %squeeze3A_377 : f32 to vector<16xf32>
    %mul3A_1807 = arith.mulf %get3A_1805, %mul3A_1806 : vector<16xf32>
    %add3A_1808 = arith.addf %add3A_1800, %mul3A_1807 : vector<16xf32>
    %get3A_1809 = arith.constant 5 : i32
    %get3A_1810 = arith.index_cast %get3A_1809 : i32 to index
    %get3A_1811 = arith.constant 80 : index
    %get3A_1812 = tpu.vector_load %arg6[%get3A_1810, %get3A_1811] {strides = array<i32>} : memref<32x128xf32, #tpu.memory_space<vmem>>, vector<1x16xf32>,
    %get3A_1813 = vector.shape_cast %get3A_1812 : vector<1x16xf32> to vector<16xf32>
    %mul3A_1814 = vector.broadcast %squeeze3A_379 : f32 to vector<16xf32>
    %mul3A_1815 = arith.mulf %get3A_1813, %mul3A_1814 : vector<16xf32>
    %add3A_1816 = arith.addf %add3A_1808, %mul3A_1815 : vector<16xf32>
    %get3A_1817 = arith.constant 6 : i32
    %get3A_1818 = arith.index_cast %get3A_1817 : i32 to index
    %get3A_1819 = arith.constant 80 : index
    %get3A_1820 = tpu.vector_load %arg6[%get3A_1818, %get3A_1819] {strides = array<i32>} : memref<32x128xf32, #tpu.memory_space<vmem>>, vector<1x16xf32>,
    %get3A_1821 = vector.shape_cast %get3A_1820 : vector<1x16xf32> to vector<16xf32>
    %mul3A_1822 = vector.broadcast %squeeze3A_381 : f32 to vector<16xf32>
    %mul3A_1823 = arith.mulf %get3A_1821, %mul3A_1822 : vector<16xf32>
    %add3A_1824 = arith.addf %add3A_1816, %mul3A_1823 : vector<16xf32>
    %get3A_1825 = arith.constant 7 : i32
    %get3A_1826 = arith.index_cast %get3A_1825 : i32 to index
    %get3A_1827 = arith.constant 80 : index
    %get3A_1828 = tpu.vector_load %arg6[%get3A_1826, %get3A_1827] {strides = array<i32>} : memref<32x128xf32, #tpu.memory_space<vmem>>, vector<1x16xf32>,
    %get3A_1829 = vector.shape_cast %get3A_1828 : vector<1x16xf32> to vector<16xf32>
    %mul3A_1830 = vector.broadcast %squeeze3A_383 : f32 to vector<16xf32>
    %mul3A_1831 = arith.mulf %get3A_1829, %mul3A_1830 : vector<16xf32>
    %add3A_1832 = arith.addf %add3A_1824, %mul3A_1831 : vector<16xf32>
    %get3A_1833 = arith.constant 8 : i32
    %get3A_1834 = arith.index_cast %get3A_1833 : i32 to index
    %get3A_1835 = arith.constant 80 : index
    %get3A_1836 = tpu.vector_load %arg6[%get3A_1834, %get3A_1835] {strides = array<i32>} : memref<32x128xf32, #tpu.memory_space<vmem>>, vector<1x16xf32>,
    %get3A_1837 = vector.shape_cast %get3A_1836 : vector<1x16xf32> to vector<16xf32>
    %mul3A_1838 = vector.broadcast %squeeze3A_385 : f32 to vector<16xf32>
    %mul3A_1839 = arith.mulf %get3A_1837, %mul3A_1838 : vector<16xf32>
    %add3A_1840 = arith.addf %add3A_1832, %mul3A_1839 : vector<16xf32>
    %get3A_1841 = arith.constant 9 : i32
    %get3A_1842 = arith.index_cast %get3A_1841 : i32 to index
    %get3A_1843 = arith.constant 80 : index
    %get3A_1844 = tpu.vector_load %arg6[%get3A_1842, %get3A_1843] {strides = array<i32>} : memref<32x128xf32, #tpu.memory_space<vmem>>, vector<1x16xf32>,
    %get3A_1845 = vector.shape_cast %get3A_1844 : vector<1x16xf32> to vector<16xf32>
    %mul3A_1846 = vector.broadcast %squeeze3A_387 : f32 to vector<16xf32>
    %mul3A_1847 = arith.mulf %get3A_1845, %mul3A_1846 : vector<16xf32>
    %add3A_1848 = arith.addf %add3A_1840, %mul3A_1847 : vector<16xf32>
    %get3A_1849 = arith.constant 10 : i32
    %get3A_1850 = arith.index_cast %get3A_1849 : i32 to index
    %get3A_1851 = arith.constant 80 : index
    %get3A_1852 = tpu.vector_load %arg6[%get3A_1850, %get3A_1851] {strides = array<i32>} : memref<32x128xf32, #tpu.memory_space<vmem>>, vector<1x16xf32>,
    %get3A_1853 = vector.shape_cast %get3A_1852 : vector<1x16xf32> to vector<16xf32>
    %mul3A_1854 = vector.broadcast %squeeze3A_389 : f32 to vector<16xf32>
    %mul3A_1855 = arith.mulf %get3A_1853, %mul3A_1854 : vector<16xf32>
    %add3A_1856 = arith.addf %add3A_1848, %mul3A_1855 : vector<16xf32>
    %get3A_1857 = arith.constant 11 : i32
    %get3A_1858 = arith.index_cast %get3A_1857 : i32 to index
    %get3A_1859 = arith.constant 80 : index
    %get3A_1860 = tpu.vector_load %arg6[%get3A_1858, %get3A_1859] {strides = array<i32>} : memref<32x128xf32, #tpu.memory_space<vmem>>, vector<1x16xf32>,
    %get3A_1861 = vector.shape_cast %get3A_1860 : vector<1x16xf32> to vector<16xf32>
    %mul3A_1862 = vector.broadcast %squeeze3A_391 : f32 to vector<16xf32>
    %mul3A_1863 = arith.mulf %get3A_1861, %mul3A_1862 : vector<16xf32>
    %add3A_1864 = arith.addf %add3A_1856, %mul3A_1863 : vector<16xf32>
    %get3A_1865 = arith.constant 12 : i32
    %get3A_1866 = arith.index_cast %get3A_1865 : i32 to index
    %get3A_1867 = arith.constant 80 : index
    %get3A_1868 = tpu.vector_load %arg6[%get3A_1866, %get3A_1867] {strides = array<i32>} : memref<32x128xf32, #tpu.memory_space<vmem>>, vector<1x16xf32>,
    %get3A_1869 = vector.shape_cast %get3A_1868 : vector<1x16xf32> to vector<16xf32>
    %mul3A_1870 = vector.broadcast %squeeze3A_393 : f32 to vector<16xf32>
    %mul3A_1871 = arith.mulf %get3A_1869, %mul3A_1870 : vector<16xf32>
    %add3A_1872 = arith.addf %add3A_1864, %mul3A_1871 : vector<16xf32>
    %get3A_1873 = arith.constant 13 : i32
    %get3A_1874 = arith.index_cast %get3A_1873 : i32 to index
    %get3A_1875 = arith.constant 80 : index
    %get3A_1876 = tpu.vector_load %arg6[%get3A_1874, %get3A_1875] {strides = array<i32>} : memref<32x128xf32, #tpu.memory_space<vmem>>, vector<1x16xf32>,
    %get3A_1877 = vector.shape_cast %get3A_1876 : vector<1x16xf32> to vector<16xf32>
    %mul3A_1878 = vector.broadcast %squeeze3A_395 : f32 to vector<16xf32>
    %mul3A_1879 = arith.mulf %get3A_1877, %mul3A_1878 : vector<16xf32>
    %add3A_1880 = arith.addf %add3A_1872, %mul3A_1879 : vector<16xf32>
    %get3A_1881 = arith.constant 14 : i32
    %get3A_1882 = arith.index_cast %get3A_1881 : i32 to index
    %get3A_1883 = arith.constant 80 : index
    %get3A_1884 = tpu.vector_load %arg6[%get3A_1882, %get3A_1883] {strides = array<i32>} : memref<32x128xf32, #tpu.memory_space<vmem>>, vector<1x16xf32>,
    %get3A_1885 = vector.shape_cast %get3A_1884 : vector<1x16xf32> to vector<16xf32>
    %mul3A_1886 = vector.broadcast %squeeze3A_397 : f32 to vector<16xf32>
    %mul3A_1887 = arith.mulf %get3A_1885, %mul3A_1886 : vector<16xf32>
    %add3A_1888 = arith.addf %add3A_1880, %mul3A_1887 : vector<16xf32>
    %get3A_1889 = arith.constant 15 : i32
    %get3A_1890 = arith.index_cast %get3A_1889 : i32 to index
    %get3A_1891 = arith.constant 80 : index
    %get3A_1892 = tpu.vector_load %arg6[%get3A_1890, %get3A_1891] {strides = array<i32>} : memref<32x128xf32, #tpu.memory_space<vmem>>, vector<1x16xf32>,
    %get3A_1893 = vector.shape_cast %get3A_1892 : vector<1x16xf32> to vector<16xf32>
    %mul3A_1894 = vector.broadcast %squeeze3A_399 : f32 to vector<16xf32>
    %mul3A_1895 = arith.mulf %get3A_1893, %mul3A_1894 : vector<16xf32>
    %add3A_1896 = arith.addf %add3A_1888, %mul3A_1895 : vector<16xf32>
    %get3A_1897 = arith.constant 16 : i32
    %get3A_1898 = arith.index_cast %get3A_1897 : i32 to index
    %get3A_1899 = arith.constant 80 : index
    %get3A_1900 = tpu.vector_load %arg6[%get3A_1898, %get3A_1899] {strides = array<i32>} : memref<32x128xf32, #tpu.memory_space<vmem>>, vector<1x16xf32>,
    %get3A_1901 = vector.shape_cast %get3A_1900 : vector<1x16xf32> to vector<16xf32>
    %mul3A_1902 = vector.broadcast %squeeze3A_401 : f32 to vector<16xf32>
    %mul3A_1903 = arith.mulf %get3A_1901, %mul3A_1902 : vector<16xf32>
    %add3A_1904 = arith.addf %add3A_1896, %mul3A_1903 : vector<16xf32>
    %get3A_1905 = arith.constant 17 : i32
    %get3A_1906 = arith.index_cast %get3A_1905 : i32 to index
    %get3A_1907 = arith.constant 80 : index
    %get3A_1908 = tpu.vector_load %arg6[%get3A_1906, %get3A_1907] {strides = array<i32>} : memref<32x128xf32, #tpu.memory_space<vmem>>, vector<1x16xf32>,
    %get3A_1909 = vector.shape_cast %get3A_1908 : vector<1x16xf32> to vector<16xf32>
    %mul3A_1910 = vector.broadcast %squeeze3A_403 : f32 to vector<16xf32>
    %mul3A_1911 = arith.mulf %get3A_1909, %mul3A_1910 : vector<16xf32>
    %add3A_1912 = arith.addf %add3A_1904, %mul3A_1911 : vector<16xf32>
    %get3A_1913 = arith.constant 18 : i32
    %get3A_1914 = arith.index_cast %get3A_1913 : i32 to index
    %get3A_1915 = arith.constant 80 : index
    %get3A_1916 = tpu.vector_load %arg6[%get3A_1914, %get3A_1915] {strides = array<i32>} : memref<32x128xf32, #tpu.memory_space<vmem>>, vector<1x16xf32>,
    %get3A_1917 = vector.shape_cast %get3A_1916 : vector<1x16xf32> to vector<16xf32>
    %mul3A_1918 = vector.broadcast %squeeze3A_405 : f32 to vector<16xf32>
    %mul3A_1919 = arith.mulf %get3A_1917, %mul3A_1918 : vector<16xf32>
    %add3A_1920 = arith.addf %add3A_1912, %mul3A_1919 : vector<16xf32>
    %get3A_1921 = arith.constant 19 : i32
    %get3A_1922 = arith.index_cast %get3A_1921 : i32 to index
    %get3A_1923 = arith.constant 80 : index
    %get3A_1924 = tpu.vector_load %arg6[%get3A_1922, %get3A_1923] {strides = array<i32>} : memref<32x128xf32, #tpu.memory_space<vmem>>, vector<1x16xf32>,
    %get3A_1925 = vector.shape_cast %get3A_1924 : vector<1x16xf32> to vector<16xf32>
    %mul3A_1926 = vector.broadcast %squeeze3A_407 : f32 to vector<16xf32>
    %mul3A_1927 = arith.mulf %get3A_1925, %mul3A_1926 : vector<16xf32>
    %add3A_1928 = arith.addf %add3A_1920, %mul3A_1927 : vector<16xf32>
    %get3A_1929 = arith.constant 20 : i32
    %get3A_1930 = arith.index_cast %get3A_1929 : i32 to index
    %get3A_1931 = arith.constant 80 : index
    %get3A_1932 = tpu.vector_load %arg6[%get3A_1930, %get3A_1931] {strides = array<i32>} : memref<32x128xf32, #tpu.memory_space<vmem>>, vector<1x16xf32>,
    %get3A_1933 = vector.shape_cast %get3A_1932 : vector<1x16xf32> to vector<16xf32>
    %mul3A_1934 = vector.broadcast %squeeze3A_409 : f32 to vector<16xf32>
    %mul3A_1935 = arith.mulf %get3A_1933, %mul3A_1934 : vector<16xf32>
    %add3A_1936 = arith.addf %add3A_1928, %mul3A_1935 : vector<16xf32>
    %get3A_1937 = arith.constant 21 : i32
    %get3A_1938 = arith.index_cast %get3A_1937 : i32 to index
    %get3A_1939 = arith.constant 80 : index
    %get3A_1940 = tpu.vector_load %arg6[%get3A_1938, %get3A_1939] {strides = array<i32>} : memref<32x128xf32, #tpu.memory_space<vmem>>, vector<1x16xf32>,
    %get3A_1941 = vector.shape_cast %get3A_1940 : vector<1x16xf32> to vector<16xf32>
    %mul3A_1942 = vector.broadcast %squeeze3A_411 : f32 to vector<16xf32>
    %mul3A_1943 = arith.mulf %get3A_1941, %mul3A_1942 : vector<16xf32>
    %add3A_1944 = arith.addf %add3A_1936, %mul3A_1943 : vector<16xf32>
    %get3A_1945 = arith.constant 22 : i32
    %get3A_1946 = arith.index_cast %get3A_1945 : i32 to index
    %get3A_1947 = arith.constant 80 : index
    %get3A_1948 = tpu.vector_load %arg6[%get3A_1946, %get3A_1947] {strides = array<i32>} : memref<32x128xf32, #tpu.memory_space<vmem>>, vector<1x16xf32>,
    %get3A_1949 = vector.shape_cast %get3A_1948 : vector<1x16xf32> to vector<16xf32>
    %mul3A_1950 = vector.broadcast %squeeze3A_413 : f32 to vector<16xf32>
    %mul3A_1951 = arith.mulf %get3A_1949, %mul3A_1950 : vector<16xf32>
    %add3A_1952 = arith.addf %add3A_1944, %mul3A_1951 : vector<16xf32>
    %get3A_1953 = arith.constant 23 : i32
    %get3A_1954 = arith.index_cast %get3A_1953 : i32 to index
    %get3A_1955 = arith.constant 80 : index
    %get3A_1956 = tpu.vector_load %arg6[%get3A_1954, %get3A_1955] {strides = array<i32>} : memref<32x128xf32, #tpu.memory_space<vmem>>, vector<1x16xf32>,
    %get3A_1957 = vector.shape_cast %get3A_1956 : vector<1x16xf32> to vector<16xf32>
    %mul3A_1958 = vector.broadcast %squeeze3A_415 : f32 to vector<16xf32>
    %mul3A_1959 = arith.mulf %get3A_1957, %mul3A_1958 : vector<16xf32>
    %add3A_1960 = arith.addf %add3A_1952, %mul3A_1959 : vector<16xf32>
    %get3A_1961 = arith.constant 24 : i32
    %get3A_1962 = arith.index_cast %get3A_1961 : i32 to index
    %get3A_1963 = arith.constant 80 : index
    %get3A_1964 = tpu.vector_load %arg6[%get3A_1962, %get3A_1963] {strides = array<i32>} : memref<32x128xf32, #tpu.memory_space<vmem>>, vector<1x16xf32>,
    %get3A_1965 = vector.shape_cast %get3A_1964 : vector<1x16xf32> to vector<16xf32>
    %mul3A_1966 = vector.broadcast %squeeze3A_417 : f32 to vector<16xf32>
    %mul3A_1967 = arith.mulf %get3A_1965, %mul3A_1966 : vector<16xf32>
    %add3A_1968 = arith.addf %add3A_1960, %mul3A_1967 : vector<16xf32>
    %get3A_1969 = arith.constant 25 : i32
    %get3A_1970 = arith.index_cast %get3A_1969 : i32 to index
    %get3A_1971 = arith.constant 80 : index
    %get3A_1972 = tpu.vector_load %arg6[%get3A_1970, %get3A_1971] {strides = array<i32>} : memref<32x128xf32, #tpu.memory_space<vmem>>, vector<1x16xf32>,
    %get3A_1973 = vector.shape_cast %get3A_1972 : vector<1x16xf32> to vector<16xf32>
    %mul3A_1974 = vector.broadcast %squeeze3A_419 : f32 to vector<16xf32>
    %mul3A_1975 = arith.mulf %get3A_1973, %mul3A_1974 : vector<16xf32>
    %add3A_1976 = arith.addf %add3A_1968, %mul3A_1975 : vector<16xf32>
    %get3A_1977 = arith.constant 26 : i32
    %get3A_1978 = arith.index_cast %get3A_1977 : i32 to index
    %get3A_1979 = arith.constant 80 : index
    %get3A_1980 = tpu.vector_load %arg6[%get3A_1978, %get3A_1979] {strides = array<i32>} : memref<32x128xf32, #tpu.memory_space<vmem>>, vector<1x16xf32>,
    %get3A_1981 = vector.shape_cast %get3A_1980 : vector<1x16xf32> to vector<16xf32>
    %mul3A_1982 = vector.broadcast %squeeze3A_421 : f32 to vector<16xf32>
    %mul3A_1983 = arith.mulf %get3A_1981, %mul3A_1982 : vector<16xf32>
    %add3A_1984 = arith.addf %add3A_1976, %mul3A_1983 : vector<16xf32>
    %get3A_1985 = arith.constant 27 : i32
    %get3A_1986 = arith.index_cast %get3A_1985 : i32 to index
    %get3A_1987 = arith.constant 80 : index
    %get3A_1988 = tpu.vector_load %arg6[%get3A_1986, %get3A_1987] {strides = array<i32>} : memref<32x128xf32, #tpu.memory_space<vmem>>, vector<1x16xf32>,
    %get3A_1989 = vector.shape_cast %get3A_1988 : vector<1x16xf32> to vector<16xf32>
    %mul3A_1990 = vector.broadcast %squeeze3A_423 : f32 to vector<16xf32>
    %mul3A_1991 = arith.mulf %get3A_1989, %mul3A_1990 : vector<16xf32>
    %add3A_1992 = arith.addf %add3A_1984, %mul3A_1991 : vector<16xf32>
    %get3A_1993 = arith.constant 28 : i32
    %get3A_1994 = arith.index_cast %get3A_1993 : i32 to index
    %get3A_1995 = arith.constant 80 : index
    %get3A_1996 = tpu.vector_load %arg6[%get3A_1994, %get3A_1995] {strides = array<i32>} : memref<32x128xf32, #tpu.memory_space<vmem>>, vector<1x16xf32>,
    %get3A_1997 = vector.shape_cast %get3A_1996 : vector<1x16xf32> to vector<16xf32>
    %mul3A_1998 = vector.broadcast %squeeze3A_425 : f32 to vector<16xf32>
    %mul3A_1999 = arith.mulf %get3A_1997, %mul3A_1998 : vector<16xf32>
    %add3A_2000 = arith.addf %add3A_1992, %mul3A_1999 : vector<16xf32>
    %get3A_2001 = arith.constant 29 : i32
    %get3A_2002 = arith.index_cast %get3A_2001 : i32 to index
    %get3A_2003 = arith.constant 80 : index
    %get3A_2004 = tpu.vector_load %arg6[%get3A_2002, %get3A_2003] {strides = array<i32>} : memref<32x128xf32, #tpu.memory_space<vmem>>, vector<1x16xf32>,
    %get3A_2005 = vector.shape_cast %get3A_2004 : vector<1x16xf32> to vector<16xf32>
    %mul3A_2006 = vector.broadcast %squeeze3A_427 : f32 to vector<16xf32>
    %mul3A_2007 = arith.mulf %get3A_2005, %mul3A_2006 : vector<16xf32>
    %add3A_2008 = arith.addf %add3A_2000, %mul3A_2007 : vector<16xf32>
    %get3A_2009 = arith.constant 30 : i32
    %get3A_2010 = arith.index_cast %get3A_2009 : i32 to index
    %get3A_2011 = arith.constant 80 : index
    %get3A_2012 = tpu.vector_load %arg6[%get3A_2010, %get3A_2011] {strides = array<i32>} : memref<32x128xf32, #tpu.memory_space<vmem>>, vector<1x16xf32>,
    %get3A_2013 = vector.shape_cast %get3A_2012 : vector<1x16xf32> to vector<16xf32>
    %mul3A_2014 = vector.broadcast %squeeze3A_429 : f32 to vector<16xf32>
    %mul3A_2015 = arith.mulf %get3A_2013, %mul3A_2014 : vector<16xf32>
    %add3A_2016 = arith.addf %add3A_2008, %mul3A_2015 : vector<16xf32>
    %get3A_2017 = arith.constant 31 : i32
    %get3A_2018 = arith.index_cast %get3A_2017 : i32 to index
    %get3A_2019 = arith.constant 80 : index
    %get3A_2020 = tpu.vector_load %arg6[%get3A_2018, %get3A_2019] {strides = array<i32>} : memref<32x128xf32, #tpu.memory_space<vmem>>, vector<1x16xf32>,
    %get3A_2021 = vector.shape_cast %get3A_2020 : vector<1x16xf32> to vector<16xf32>
    %mul3A_2022 = vector.broadcast %squeeze3A_431 : f32 to vector<16xf32>
    %mul3A_2023 = arith.mulf %get3A_2021, %mul3A_2022 : vector<16xf32>
    %add3A_2024 = arith.addf %add3A_2016, %mul3A_2023 : vector<16xf32>
    %mul3A_2025 = arith.mulf %add3A_2024, %div3A_469 : vector<16xf32>
    %swap3A_2026 = arith.constant 80 : index
    %swap3A_2027 = tpu.vector_load %arg7[%swap3A_2026] {strides = array<i32>} : memref<128xf32, #tpu.memory_space<vmem>>, vector<16xf32>,
    %swap3A_2028 = vector.shape_cast %swap3A_2027 : vector<16xf32> to vector<16xf32>
    %swap3A_2029 = vector.shape_cast %mul3A_2025 : vector<16xf32> to vector<16xf32>
    tpu.vector_store %arg7[%swap3A_2026], %swap3A_2029 {strides = array<i32>} : memref<128xf32, #tpu.memory_space<vmem>>, vector<16xf32>,
    %get3A_2030 = arith.constant 0 : i32
    %get3A_2031 = arith.index_cast %get3A_2030 : i32 to index
    %get3A_2032 = arith.constant 96 : index
    %get3A_2033 = tpu.vector_load %arg6[%get3A_2031, %get3A_2032] {strides = array<i32>} : memref<32x128xf32, #tpu.memory_space<vmem>>, vector<1x16xf32>,
    %get3A_2034 = vector.shape_cast %get3A_2033 : vector<1x16xf32> to vector<16xf32>
    %mul3A_2035 = vector.broadcast %squeeze3A_369 : f32 to vector<16xf32>
    %mul3A_2036 = arith.mulf %get3A_2034, %mul3A_2035 : vector<16xf32>
    %get3A_2037 = arith.constant 1 : i32
    %get3A_2038 = arith.index_cast %get3A_2037 : i32 to index
    %get3A_2039 = arith.constant 96 : index
    %get3A_2040 = tpu.vector_load %arg6[%get3A_2038, %get3A_2039] {strides = array<i32>} : memref<32x128xf32, #tpu.memory_space<vmem>>, vector<1x16xf32>,
    %get3A_2041 = vector.shape_cast %get3A_2040 : vector<1x16xf32> to vector<16xf32>
    %mul3A_2042 = vector.broadcast %squeeze3A_371 : f32 to vector<16xf32>
    %mul3A_2043 = arith.mulf %get3A_2041, %mul3A_2042 : vector<16xf32>
    %add3A_2044 = arith.addf %mul3A_2036, %mul3A_2043 : vector<16xf32>
    %get3A_2045 = arith.constant 2 : i32
    %get3A_2046 = arith.index_cast %get3A_2045 : i32 to index
    %get3A_2047 = arith.constant 96 : index
    %get3A_2048 = tpu.vector_load %arg6[%get3A_2046, %get3A_2047] {strides = array<i32>} : memref<32x128xf32, #tpu.memory_space<vmem>>, vector<1x16xf32>,
    %get3A_2049 = vector.shape_cast %get3A_2048 : vector<1x16xf32> to vector<16xf32>
    %mul3A_2050 = vector.broadcast %squeeze3A_373 : f32 to vector<16xf32>
    %mul3A_2051 = arith.mulf %get3A_2049, %mul3A_2050 : vector<16xf32>
    %add3A_2052 = arith.addf %add3A_2044, %mul3A_2051 : vector<16xf32>
    %get3A_2053 = arith.constant 3 : i32
    %get3A_2054 = arith.index_cast %get3A_2053 : i32 to index
    %get3A_2055 = arith.constant 96 : index
    %get3A_2056 = tpu.vector_load %arg6[%get3A_2054, %get3A_2055] {strides = array<i32>} : memref<32x128xf32, #tpu.memory_space<vmem>>, vector<1x16xf32>,
    %get3A_2057 = vector.shape_cast %get3A_2056 : vector<1x16xf32> to vector<16xf32>
    %mul3A_2058 = vector.broadcast %squeeze3A_375 : f32 to vector<16xf32>
    %mul3A_2059 = arith.mulf %get3A_2057, %mul3A_2058 : vector<16xf32>
    %add3A_2060 = arith.addf %add3A_2052, %mul3A_2059 : vector<16xf32>
    %get3A_2061 = arith.constant 4 : i32
    %get3A_2062 = arith.index_cast %get3A_2061 : i32 to index
    %get3A_2063 = arith.constant 96 : index
    %get3A_2064 = tpu.vector_load %arg6[%get3A_2062, %get3A_2063] {strides = array<i32>} : memref<32x128xf32, #tpu.memory_space<vmem>>, vector<1x16xf32>,
    %get3A_2065 = vector.shape_cast %get3A_2064 : vector<1x16xf32> to vector<16xf32>
    %mul3A_2066 = vector.broadcast %squeeze3A_377 : f32 to vector<16xf32>
    %mul3A_2067 = arith.mulf %get3A_2065, %mul3A_2066 : vector<16xf32>
    %add3A_2068 = arith.addf %add3A_2060, %mul3A_2067 : vector<16xf32>
    %get3A_2069 = arith.constant 5 : i32
    %get3A_2070 = arith.index_cast %get3A_2069 : i32 to index
    %get3A_2071 = arith.constant 96 : index
    %get3A_2072 = tpu.vector_load %arg6[%get3A_2070, %get3A_2071] {strides = array<i32>} : memref<32x128xf32, #tpu.memory_space<vmem>>, vector<1x16xf32>,
    %get3A_2073 = vector.shape_cast %get3A_2072 : vector<1x16xf32> to vector<16xf32>
    %mul3A_2074 = vector.broadcast %squeeze3A_379 : f32 to vector<16xf32>
    %mul3A_2075 = arith.mulf %get3A_2073, %mul3A_2074 : vector<16xf32>
    %add3A_2076 = arith.addf %add3A_2068, %mul3A_2075 : vector<16xf32>
    %get3A_2077 = arith.constant 6 : i32
    %get3A_2078 = arith.index_cast %get3A_2077 : i32 to index
    %get3A_2079 = arith.constant 96 : index
    %get3A_2080 = tpu.vector_load %arg6[%get3A_2078, %get3A_2079] {strides = array<i32>} : memref<32x128xf32, #tpu.memory_space<vmem>>, vector<1x16xf32>,
    %get3A_2081 = vector.shape_cast %get3A_2080 : vector<1x16xf32> to vector<16xf32>
    %mul3A_2082 = vector.broadcast %squeeze3A_381 : f32 to vector<16xf32>
    %mul3A_2083 = arith.mulf %get3A_2081, %mul3A_2082 : vector<16xf32>
    %add3A_2084 = arith.addf %add3A_2076, %mul3A_2083 : vector<16xf32>
    %get3A_2085 = arith.constant 7 : i32
    %get3A_2086 = arith.index_cast %get3A_2085 : i32 to index
    %get3A_2087 = arith.constant 96 : index
    %get3A_2088 = tpu.vector_load %arg6[%get3A_2086, %get3A_2087] {strides = array<i32>} : memref<32x128xf32, #tpu.memory_space<vmem>>, vector<1x16xf32>,
    %get3A_2089 = vector.shape_cast %get3A_2088 : vector<1x16xf32> to vector<16xf32>
    %mul3A_2090 = vector.broadcast %squeeze3A_383 : f32 to vector<16xf32>
    %mul3A_2091 = arith.mulf %get3A_2089, %mul3A_2090 : vector<16xf32>
    %add3A_2092 = arith.addf %add3A_2084, %mul3A_2091 : vector<16xf32>
    %get3A_2093 = arith.constant 8 : i32
    %get3A_2094 = arith.index_cast %get3A_2093 : i32 to index
    %get3A_2095 = arith.constant 96 : index
    %get3A_2096 = tpu.vector_load %arg6[%get3A_2094, %get3A_2095] {strides = array<i32>} : memref<32x128xf32, #tpu.memory_space<vmem>>, vector<1x16xf32>,
    %get3A_2097 = vector.shape_cast %get3A_2096 : vector<1x16xf32> to vector<16xf32>
    %mul3A_2098 = vector.broadcast %squeeze3A_385 : f32 to vector<16xf32>
    %mul3A_2099 = arith.mulf %get3A_2097, %mul3A_2098 : vector<16xf32>
    %add3A_2100 = arith.addf %add3A_2092, %mul3A_2099 : vector<16xf32>
    %get3A_2101 = arith.constant 9 : i32
    %get3A_2102 = arith.index_cast %get3A_2101 : i32 to index
    %get3A_2103 = arith.constant 96 : index
    %get3A_2104 = tpu.vector_load %arg6[%get3A_2102, %get3A_2103] {strides = array<i32>} : memref<32x128xf32, #tpu.memory_space<vmem>>, vector<1x16xf32>,
    %get3A_2105 = vector.shape_cast %get3A_2104 : vector<1x16xf32> to vector<16xf32>
    %mul3A_2106 = vector.broadcast %squeeze3A_387 : f32 to vector<16xf32>
    %mul3A_2107 = arith.mulf %get3A_2105, %mul3A_2106 : vector<16xf32>
    %add3A_2108 = arith.addf %add3A_2100, %mul3A_2107 : vector<16xf32>
    %get3A_2109 = arith.constant 10 : i32
    %get3A_2110 = arith.index_cast %get3A_2109 : i32 to index
    %get3A_2111 = arith.constant 96 : index
    %get3A_2112 = tpu.vector_load %arg6[%get3A_2110, %get3A_2111] {strides = array<i32>} : memref<32x128xf32, #tpu.memory_space<vmem>>, vector<1x16xf32>,
    %get3A_2113 = vector.shape_cast %get3A_2112 : vector<1x16xf32> to vector<16xf32>
    %mul3A_2114 = vector.broadcast %squeeze3A_389 : f32 to vector<16xf32>
    %mul3A_2115 = arith.mulf %get3A_2113, %mul3A_2114 : vector<16xf32>
    %add3A_2116 = arith.addf %add3A_2108, %mul3A_2115 : vector<16xf32>
    %get3A_2117 = arith.constant 11 : i32
    %get3A_2118 = arith.index_cast %get3A_2117 : i32 to index
    %get3A_2119 = arith.constant 96 : index
    %get3A_2120 = tpu.vector_load %arg6[%get3A_2118, %get3A_2119] {strides = array<i32>} : memref<32x128xf32, #tpu.memory_space<vmem>>, vector<1x16xf32>,
    %get3A_2121 = vector.shape_cast %get3A_2120 : vector<1x16xf32> to vector<16xf32>
    %mul3A_2122 = vector.broadcast %squeeze3A_391 : f32 to vector<16xf32>
    %mul3A_2123 = arith.mulf %get3A_2121, %mul3A_2122 : vector<16xf32>
    %add3A_2124 = arith.addf %add3A_2116, %mul3A_2123 : vector<16xf32>
    %get3A_2125 = arith.constant 12 : i32
    %get3A_2126 = arith.index_cast %get3A_2125 : i32 to index
    %get3A_2127 = arith.constant 96 : index
    %get3A_2128 = tpu.vector_load %arg6[%get3A_2126, %get3A_2127] {strides = array<i32>} : memref<32x128xf32, #tpu.memory_space<vmem>>, vector<1x16xf32>,
    %get3A_2129 = vector.shape_cast %get3A_2128 : vector<1x16xf32> to vector<16xf32>
    %mul3A_2130 = vector.broadcast %squeeze3A_393 : f32 to vector<16xf32>
    %mul3A_2131 = arith.mulf %get3A_2129, %mul3A_2130 : vector<16xf32>
    %add3A_2132 = arith.addf %add3A_2124, %mul3A_2131 : vector<16xf32>
    %get3A_2133 = arith.constant 13 : i32
    %get3A_2134 = arith.index_cast %get3A_2133 : i32 to index
    %get3A_2135 = arith.constant 96 : index
    %get3A_2136 = tpu.vector_load %arg6[%get3A_2134, %get3A_2135] {strides = array<i32>} : memref<32x128xf32, #tpu.memory_space<vmem>>, vector<1x16xf32>,
    %get3A_2137 = vector.shape_cast %get3A_2136 : vector<1x16xf32> to vector<16xf32>
    %mul3A_2138 = vector.broadcast %squeeze3A_395 : f32 to vector<16xf32>
    %mul3A_2139 = arith.mulf %get3A_2137, %mul3A_2138 : vector<16xf32>
    %add3A_2140 = arith.addf %add3A_2132, %mul3A_2139 : vector<16xf32>
    %get3A_2141 = arith.constant 14 : i32
    %get3A_2142 = arith.index_cast %get3A_2141 : i32 to index
    %get3A_2143 = arith.constant 96 : index
    %get3A_2144 = tpu.vector_load %arg6[%get3A_2142, %get3A_2143] {strides = array<i32>} : memref<32x128xf32, #tpu.memory_space<vmem>>, vector<1x16xf32>,
    %get3A_2145 = vector.shape_cast %get3A_2144 : vector<1x16xf32> to vector<16xf32>
    %mul3A_2146 = vector.broadcast %squeeze3A_397 : f32 to vector<16xf32>
    %mul3A_2147 = arith.mulf %get3A_2145, %mul3A_2146 : vector<16xf32>
    %add3A_2148 = arith.addf %add3A_2140, %mul3A_2147 : vector<16xf32>
    %get3A_2149 = arith.constant 15 : i32
    %get3A_2150 = arith.index_cast %get3A_2149 : i32 to index
    %get3A_2151 = arith.constant 96 : index
    %get3A_2152 = tpu.vector_load %arg6[%get3A_2150, %get3A_2151] {strides = array<i32>} : memref<32x128xf32, #tpu.memory_space<vmem>>, vector<1x16xf32>,
    %get3A_2153 = vector.shape_cast %get3A_2152 : vector<1x16xf32> to vector<16xf32>
    %mul3A_2154 = vector.broadcast %squeeze3A_399 : f32 to vector<16xf32>
    %mul3A_2155 = arith.mulf %get3A_2153, %mul3A_2154 : vector<16xf32>
    %add3A_2156 = arith.addf %add3A_2148, %mul3A_2155 : vector<16xf32>
    %get3A_2157 = arith.constant 16 : i32
    %get3A_2158 = arith.index_cast %get3A_2157 : i32 to index
    %get3A_2159 = arith.constant 96 : index
    %get3A_2160 = tpu.vector_load %arg6[%get3A_2158, %get3A_2159] {strides = array<i32>} : memref<32x128xf32, #tpu.memory_space<vmem>>, vector<1x16xf32>,
    %get3A_2161 = vector.shape_cast %get3A_2160 : vector<1x16xf32> to vector<16xf32>
    %mul3A_2162 = vector.broadcast %squeeze3A_401 : f32 to vector<16xf32>
    %mul3A_2163 = arith.mulf %get3A_2161, %mul3A_2162 : vector<16xf32>
    %add3A_2164 = arith.addf %add3A_2156, %mul3A_2163 : vector<16xf32>
    %get3A_2165 = arith.constant 17 : i32
    %get3A_2166 = arith.index_cast %get3A_2165 : i32 to index
    %get3A_2167 = arith.constant 96 : index
    %get3A_2168 = tpu.vector_load %arg6[%get3A_2166, %get3A_2167] {strides = array<i32>} : memref<32x128xf32, #tpu.memory_space<vmem>>, vector<1x16xf32>,
    %get3A_2169 = vector.shape_cast %get3A_2168 : vector<1x16xf32> to vector<16xf32>
    %mul3A_2170 = vector.broadcast %squeeze3A_403 : f32 to vector<16xf32>
    %mul3A_2171 = arith.mulf %get3A_2169, %mul3A_2170 : vector<16xf32>
    %add3A_2172 = arith.addf %add3A_2164, %mul3A_2171 : vector<16xf32>
    %get3A_2173 = arith.constant 18 : i32
    %get3A_2174 = arith.index_cast %get3A_2173 : i32 to index
    %get3A_2175 = arith.constant 96 : index
    %get3A_2176 = tpu.vector_load %arg6[%get3A_2174, %get3A_2175] {strides = array<i32>} : memref<32x128xf32, #tpu.memory_space<vmem>>, vector<1x16xf32>,
    %get3A_2177 = vector.shape_cast %get3A_2176 : vector<1x16xf32> to vector<16xf32>
    %mul3A_2178 = vector.broadcast %squeeze3A_405 : f32 to vector<16xf32>
    %mul3A_2179 = arith.mulf %get3A_2177, %mul3A_2178 : vector<16xf32>
    %add3A_2180 = arith.addf %add3A_2172, %mul3A_2179 : vector<16xf32>
    %get3A_2181 = arith.constant 19 : i32
    %get3A_2182 = arith.index_cast %get3A_2181 : i32 to index
    %get3A_2183 = arith.constant 96 : index
    %get3A_2184 = tpu.vector_load %arg6[%get3A_2182, %get3A_2183] {strides = array<i32>} : memref<32x128xf32, #tpu.memory_space<vmem>>, vector<1x16xf32>,
    %get3A_2185 = vector.shape_cast %get3A_2184 : vector<1x16xf32> to vector<16xf32>
    %mul3A_2186 = vector.broadcast %squeeze3A_407 : f32 to vector<16xf32>
    %mul3A_2187 = arith.mulf %get3A_2185, %mul3A_2186 : vector<16xf32>
    %add3A_2188 = arith.addf %add3A_2180, %mul3A_2187 : vector<16xf32>
    %get3A_2189 = arith.constant 20 : i32
    %get3A_2190 = arith.index_cast %get3A_2189 : i32 to index
    %get3A_2191 = arith.constant 96 : index
    %get3A_2192 = tpu.vector_load %arg6[%get3A_2190, %get3A_2191] {strides = array<i32>} : memref<32x128xf32, #tpu.memory_space<vmem>>, vector<1x16xf32>,
    %get3A_2193 = vector.shape_cast %get3A_2192 : vector<1x16xf32> to vector<16xf32>
    %mul3A_2194 = vector.broadcast %squeeze3A_409 : f32 to vector<16xf32>
    %mul3A_2195 = arith.mulf %get3A_2193, %mul3A_2194 : vector<16xf32>
    %add3A_2196 = arith.addf %add3A_2188, %mul3A_2195 : vector<16xf32>
    %get3A_2197 = arith.constant 21 : i32
    %get3A_2198 = arith.index_cast %get3A_2197 : i32 to index
    %get3A_2199 = arith.constant 96 : index
    %get3A_2200 = tpu.vector_load %arg6[%get3A_2198, %get3A_2199] {strides = array<i32>} : memref<32x128xf32, #tpu.memory_space<vmem>>, vector<1x16xf32>,
    %get3A_2201 = vector.shape_cast %get3A_2200 : vector<1x16xf32> to vector<16xf32>
    %mul3A_2202 = vector.broadcast %squeeze3A_411 : f32 to vector<16xf32>
    %mul3A_2203 = arith.mulf %get3A_2201, %mul3A_2202 : vector<16xf32>
    %add3A_2204 = arith.addf %add3A_2196, %mul3A_2203 : vector<16xf32>
    %get3A_2205 = arith.constant 22 : i32
    %get3A_2206 = arith.index_cast %get3A_2205 : i32 to index
    %get3A_2207 = arith.constant 96 : index
    %get3A_2208 = tpu.vector_load %arg6[%get3A_2206, %get3A_2207] {strides = array<i32>} : memref<32x128xf32, #tpu.memory_space<vmem>>, vector<1x16xf32>,
    %get3A_2209 = vector.shape_cast %get3A_2208 : vector<1x16xf32> to vector<16xf32>
    %mul3A_2210 = vector.broadcast %squeeze3A_413 : f32 to vector<16xf32>
    %mul3A_2211 = arith.mulf %get3A_2209, %mul3A_2210 : vector<16xf32>
    %add3A_2212 = arith.addf %add3A_2204, %mul3A_2211 : vector<16xf32>
    %get3A_2213 = arith.constant 23 : i32
    %get3A_2214 = arith.index_cast %get3A_2213 : i32 to index
    %get3A_2215 = arith.constant 96 : index
    %get3A_2216 = tpu.vector_load %arg6[%get3A_2214, %get3A_2215] {strides = array<i32>} : memref<32x128xf32, #tpu.memory_space<vmem>>, vector<1x16xf32>,
    %get3A_2217 = vector.shape_cast %get3A_2216 : vector<1x16xf32> to vector<16xf32>
    %mul3A_2218 = vector.broadcast %squeeze3A_415 : f32 to vector<16xf32>
    %mul3A_2219 = arith.mulf %get3A_2217, %mul3A_2218 : vector<16xf32>
    %add3A_2220 = arith.addf %add3A_2212, %mul3A_2219 : vector<16xf32>
    %get3A_2221 = arith.constant 24 : i32
    %get3A_2222 = arith.index_cast %get3A_2221 : i32 to index
    %get3A_2223 = arith.constant 96 : index
    %get3A_2224 = tpu.vector_load %arg6[%get3A_2222, %get3A_2223] {strides = array<i32>} : memref<32x128xf32, #tpu.memory_space<vmem>>, vector<1x16xf32>,
    %get3A_2225 = vector.shape_cast %get3A_2224 : vector<1x16xf32> to vector<16xf32>
    %mul3A_2226 = vector.broadcast %squeeze3A_417 : f32 to vector<16xf32>
    %mul3A_2227 = arith.mulf %get3A_2225, %mul3A_2226 : vector<16xf32>
    %add3A_2228 = arith.addf %add3A_2220, %mul3A_2227 : vector<16xf32>
    %get3A_2229 = arith.constant 25 : i32
    %get3A_2230 = arith.index_cast %get3A_2229 : i32 to index
    %get3A_2231 = arith.constant 96 : index
    %get3A_2232 = tpu.vector_load %arg6[%get3A_2230, %get3A_2231] {strides = array<i32>} : memref<32x128xf32, #tpu.memory_space<vmem>>, vector<1x16xf32>,
    %get3A_2233 = vector.shape_cast %get3A_2232 : vector<1x16xf32> to vector<16xf32>
    %mul3A_2234 = vector.broadcast %squeeze3A_419 : f32 to vector<16xf32>
    %mul3A_2235 = arith.mulf %get3A_2233, %mul3A_2234 : vector<16xf32>
    %add3A_2236 = arith.addf %add3A_2228, %mul3A_2235 : vector<16xf32>
    %get3A_2237 = arith.constant 26 : i32
    %get3A_2238 = arith.index_cast %get3A_2237 : i32 to index
    %get3A_2239 = arith.constant 96 : index
    %get3A_2240 = tpu.vector_load %arg6[%get3A_2238, %get3A_2239] {strides = array<i32>} : memref<32x128xf32, #tpu.memory_space<vmem>>, vector<1x16xf32>,
    %get3A_2241 = vector.shape_cast %get3A_2240 : vector<1x16xf32> to vector<16xf32>
    %mul3A_2242 = vector.broadcast %squeeze3A_421 : f32 to vector<16xf32>
    %mul3A_2243 = arith.mulf %get3A_2241, %mul3A_2242 : vector<16xf32>
    %add3A_2244 = arith.addf %add3A_2236, %mul3A_2243 : vector<16xf32>
    %get3A_2245 = arith.constant 27 : i32
    %get3A_2246 = arith.index_cast %get3A_2245 : i32 to index
    %get3A_2247 = arith.constant 96 : index
    %get3A_2248 = tpu.vector_load %arg6[%get3A_2246, %get3A_2247] {strides = array<i32>} : memref<32x128xf32, #tpu.memory_space<vmem>>, vector<1x16xf32>,
    %get3A_2249 = vector.shape_cast %get3A_2248 : vector<1x16xf32> to vector<16xf32>
    %mul3A_2250 = vector.broadcast %squeeze3A_423 : f32 to vector<16xf32>
    %mul3A_2251 = arith.mulf %get3A_2249, %mul3A_2250 : vector<16xf32>
    %add3A_2252 = arith.addf %add3A_2244, %mul3A_2251 : vector<16xf32>
    %get3A_2253 = arith.constant 28 : i32
    %get3A_2254 = arith.index_cast %get3A_2253 : i32 to index
    %get3A_2255 = arith.constant 96 : index
    %get3A_2256 = tpu.vector_load %arg6[%get3A_2254, %get3A_2255] {strides = array<i32>} : memref<32x128xf32, #tpu.memory_space<vmem>>, vector<1x16xf32>,
    %get3A_2257 = vector.shape_cast %get3A_2256 : vector<1x16xf32> to vector<16xf32>
    %mul3A_2258 = vector.broadcast %squeeze3A_425 : f32 to vector<16xf32>
    %mul3A_2259 = arith.mulf %get3A_2257, %mul3A_2258 : vector<16xf32>
    %add3A_2260 = arith.addf %add3A_2252, %mul3A_2259 : vector<16xf32>
    %get3A_2261 = arith.constant 29 : i32
    %get3A_2262 = arith.index_cast %get3A_2261 : i32 to index
    %get3A_2263 = arith.constant 96 : index
    %get3A_2264 = tpu.vector_load %arg6[%get3A_2262, %get3A_2263] {strides = array<i32>} : memref<32x128xf32, #tpu.memory_space<vmem>>, vector<1x16xf32>,
    %get3A_2265 = vector.shape_cast %get3A_2264 : vector<1x16xf32> to vector<16xf32>
    %mul3A_2266 = vector.broadcast %squeeze3A_427 : f32 to vector<16xf32>
    %mul3A_2267 = arith.mulf %get3A_2265, %mul3A_2266 : vector<16xf32>
    %add3A_2268 = arith.addf %add3A_2260, %mul3A_2267 : vector<16xf32>
    %get3A_2269 = arith.constant 30 : i32
    %get3A_2270 = arith.index_cast %get3A_2269 : i32 to index
    %get3A_2271 = arith.constant 96 : index
    %get3A_2272 = tpu.vector_load %arg6[%get3A_2270, %get3A_2271] {strides = array<i32>} : memref<32x128xf32, #tpu.memory_space<vmem>>, vector<1x16xf32>,
    %get3A_2273 = vector.shape_cast %get3A_2272 : vector<1x16xf32> to vector<16xf32>
    %mul3A_2274 = vector.broadcast %squeeze3A_429 : f32 to vector<16xf32>
    %mul3A_2275 = arith.mulf %get3A_2273, %mul3A_2274 : vector<16xf32>
    %add3A_2276 = arith.addf %add3A_2268, %mul3A_2275 : vector<16xf32>
    %get3A_2277 = arith.constant 31 : i32
    %get3A_2278 = arith.index_cast %get3A_2277 : i32 to index
    %get3A_2279 = arith.constant 96 : index
    %get3A_2280 = tpu.vector_load %arg6[%get3A_2278, %get3A_2279] {strides = array<i32>} : memref<32x128xf32, #tpu.memory_space<vmem>>, vector<1x16xf32>,
    %get3A_2281 = vector.shape_cast %get3A_2280 : vector<1x16xf32> to vector<16xf32>
    %mul3A_2282 = vector.broadcast %squeeze3A_431 : f32 to vector<16xf32>
    %mul3A_2283 = arith.mulf %get3A_2281, %mul3A_2282 : vector<16xf32>
    %add3A_2284 = arith.addf %add3A_2276, %mul3A_2283 : vector<16xf32>
    %mul3A_2285 = arith.mulf %add3A_2284, %div3A_469 : vector<16xf32>
    %swap3A_2286 = arith.constant 96 : index
    %swap3A_2287 = tpu.vector_load %arg7[%swap3A_2286] {strides = array<i32>} : memref<128xf32, #tpu.memory_space<vmem>>, vector<16xf32>,
    %swap3A_2288 = vector.shape_cast %swap3A_2287 : vector<16xf32> to vector<16xf32>
    %swap3A_2289 = vector.shape_cast %mul3A_2285 : vector<16xf32> to vector<16xf32>
    tpu.vector_store %arg7[%swap3A_2286], %swap3A_2289 {strides = array<i32>} : memref<128xf32, #tpu.memory_space<vmem>>, vector<16xf32>,
    %get3A_2290 = arith.constant 0 : i32
    %get3A_2291 = arith.index_cast %get3A_2290 : i32 to index
    %get3A_2292 = arith.constant 112 : index
    %get3A_2293 = tpu.vector_load %arg6[%get3A_2291, %get3A_2292] {strides = array<i32>} : memref<32x128xf32, #tpu.memory_space<vmem>>, vector<1x16xf32>,
    %get3A_2294 = vector.shape_cast %get3A_2293 : vector<1x16xf32> to vector<16xf32>
    %mul3A_2295 = vector.broadcast %squeeze3A_369 : f32 to vector<16xf32>
    %mul3A_2296 = arith.mulf %get3A_2294, %mul3A_2295 : vector<16xf32>
    %get3A_2297 = arith.constant 1 : i32
    %get3A_2298 = arith.index_cast %get3A_2297 : i32 to index
    %get3A_2299 = arith.constant 112 : index
    %get3A_2300 = tpu.vector_load %arg6[%get3A_2298, %get3A_2299] {strides = array<i32>} : memref<32x128xf32, #tpu.memory_space<vmem>>, vector<1x16xf32>,
    %get3A_2301 = vector.shape_cast %get3A_2300 : vector<1x16xf32> to vector<16xf32>
    %mul3A_2302 = vector.broadcast %squeeze3A_371 : f32 to vector<16xf32>
    %mul3A_2303 = arith.mulf %get3A_2301, %mul3A_2302 : vector<16xf32>
    %add3A_2304 = arith.addf %mul3A_2296, %mul3A_2303 : vector<16xf32>
    %get3A_2305 = arith.constant 2 : i32
    %get3A_2306 = arith.index_cast %get3A_2305 : i32 to index
    %get3A_2307 = arith.constant 112 : index
    %get3A_2308 = tpu.vector_load %arg6[%get3A_2306, %get3A_2307] {strides = array<i32>} : memref<32x128xf32, #tpu.memory_space<vmem>>, vector<1x16xf32>,
    %get3A_2309 = vector.shape_cast %get3A_2308 : vector<1x16xf32> to vector<16xf32>
    %mul3A_2310 = vector.broadcast %squeeze3A_373 : f32 to vector<16xf32>
    %mul3A_2311 = arith.mulf %get3A_2309, %mul3A_2310 : vector<16xf32>
    %add3A_2312 = arith.addf %add3A_2304, %mul3A_2311 : vector<16xf32>
    %get3A_2313 = arith.constant 3 : i32
    %get3A_2314 = arith.index_cast %get3A_2313 : i32 to index
    %get3A_2315 = arith.constant 112 : index
    %get3A_2316 = tpu.vector_load %arg6[%get3A_2314, %get3A_2315] {strides = array<i32>} : memref<32x128xf32, #tpu.memory_space<vmem>>, vector<1x16xf32>,
    %get3A_2317 = vector.shape_cast %get3A_2316 : vector<1x16xf32> to vector<16xf32>
    %mul3A_2318 = vector.broadcast %squeeze3A_375 : f32 to vector<16xf32>
    %mul3A_2319 = arith.mulf %get3A_2317, %mul3A_2318 : vector<16xf32>
    %add3A_2320 = arith.addf %add3A_2312, %mul3A_2319 : vector<16xf32>
    %get3A_2321 = arith.constant 4 : i32
    %get3A_2322 = arith.index_cast %get3A_2321 : i32 to index
    %get3A_2323 = arith.constant 112 : index
    %get3A_2324 = tpu.vector_load %arg6[%get3A_2322, %get3A_2323] {strides = array<i32>} : memref<32x128xf32, #tpu.memory_space<vmem>>, vector<1x16xf32>,
    %get3A_2325 = vector.shape_cast %get3A_2324 : vector<1x16xf32> to vector<16xf32>
    %mul3A_2326 = vector.broadcast %squeeze3A_377 : f32 to vector<16xf32>
    %mul3A_2327 = arith.mulf %get3A_2325, %mul3A_2326 : vector<16xf32>
    %add3A_2328 = arith.addf %add3A_2320, %mul3A_2327 : vector<16xf32>
    %get3A_2329 = arith.constant 5 : i32
    %get3A_2330 = arith.index_cast %get3A_2329 : i32 to index
    %get3A_2331 = arith.constant 112 : index
    %get3A_2332 = tpu.vector_load %arg6[%get3A_2330, %get3A_2331] {strides = array<i32>} : memref<32x128xf32, #tpu.memory_space<vmem>>, vector<1x16xf32>,
    %get3A_2333 = vector.shape_cast %get3A_2332 : vector<1x16xf32> to vector<16xf32>
    %mul3A_2334 = vector.broadcast %squeeze3A_379 : f32 to vector<16xf32>
    %mul3A_2335 = arith.mulf %get3A_2333, %mul3A_2334 : vector<16xf32>
    %add3A_2336 = arith.addf %add3A_2328, %mul3A_2335 : vector<16xf32>
    %get3A_2337 = arith.constant 6 : i32
    %get3A_2338 = arith.index_cast %get3A_2337 : i32 to index
    %get3A_2339 = arith.constant 112 : index
    %get3A_2340 = tpu.vector_load %arg6[%get3A_2338, %get3A_2339] {strides = array<i32>} : memref<32x128xf32, #tpu.memory_space<vmem>>, vector<1x16xf32>,
    %get3A_2341 = vector.shape_cast %get3A_2340 : vector<1x16xf32> to vector<16xf32>
    %mul3A_2342 = vector.broadcast %squeeze3A_381 : f32 to vector<16xf32>
    %mul3A_2343 = arith.mulf %get3A_2341, %mul3A_2342 : vector<16xf32>
    %add3A_2344 = arith.addf %add3A_2336, %mul3A_2343 : vector<16xf32>
    %get3A_2345 = arith.constant 7 : i32
    %get3A_2346 = arith.index_cast %get3A_2345 : i32 to index
    %get3A_2347 = arith.constant 112 : index
    %get3A_2348 = tpu.vector_load %arg6[%get3A_2346, %get3A_2347] {strides = array<i32>} : memref<32x128xf32, #tpu.memory_space<vmem>>, vector<1x16xf32>,
    %get3A_2349 = vector.shape_cast %get3A_2348 : vector<1x16xf32> to vector<16xf32>
    %mul3A_2350 = vector.broadcast %squeeze3A_383 : f32 to vector<16xf32>
    %mul3A_2351 = arith.mulf %get3A_2349, %mul3A_2350 : vector<16xf32>
    %add3A_2352 = arith.addf %add3A_2344, %mul3A_2351 : vector<16xf32>
    %get3A_2353 = arith.constant 8 : i32
    %get3A_2354 = arith.index_cast %get3A_2353 : i32 to index
    %get3A_2355 = arith.constant 112 : index
    %get3A_2356 = tpu.vector_load %arg6[%get3A_2354, %get3A_2355] {strides = array<i32>} : memref<32x128xf32, #tpu.memory_space<vmem>>, vector<1x16xf32>,
    %get3A_2357 = vector.shape_cast %get3A_2356 : vector<1x16xf32> to vector<16xf32>
    %mul3A_2358 = vector.broadcast %squeeze3A_385 : f32 to vector<16xf32>
    %mul3A_2359 = arith.mulf %get3A_2357, %mul3A_2358 : vector<16xf32>
    %add3A_2360 = arith.addf %add3A_2352, %mul3A_2359 : vector<16xf32>
    %get3A_2361 = arith.constant 9 : i32
    %get3A_2362 = arith.index_cast %get3A_2361 : i32 to index
    %get3A_2363 = arith.constant 112 : index
    %get3A_2364 = tpu.vector_load %arg6[%get3A_2362, %get3A_2363] {strides = array<i32>} : memref<32x128xf32, #tpu.memory_space<vmem>>, vector<1x16xf32>,
    %get3A_2365 = vector.shape_cast %get3A_2364 : vector<1x16xf32> to vector<16xf32>
    %mul3A_2366 = vector.broadcast %squeeze3A_387 : f32 to vector<16xf32>
    %mul3A_2367 = arith.mulf %get3A_2365, %mul3A_2366 : vector<16xf32>
    %add3A_2368 = arith.addf %add3A_2360, %mul3A_2367 : vector<16xf32>
    %get3A_2369 = arith.constant 10 : i32
    %get3A_2370 = arith.index_cast %get3A_2369 : i32 to index
    %get3A_2371 = arith.constant 112 : index
    %get3A_2372 = tpu.vector_load %arg6[%get3A_2370, %get3A_2371] {strides = array<i32>} : memref<32x128xf32, #tpu.memory_space<vmem>>, vector<1x16xf32>,
    %get3A_2373 = vector.shape_cast %get3A_2372 : vector<1x16xf32> to vector<16xf32>
    %mul3A_2374 = vector.broadcast %squeeze3A_389 : f32 to vector<16xf32>
    %mul3A_2375 = arith.mulf %get3A_2373, %mul3A_2374 : vector<16xf32>
    %add3A_2376 = arith.addf %add3A_2368, %mul3A_2375 : vector<16xf32>
    %get3A_2377 = arith.constant 11 : i32
    %get3A_2378 = arith.index_cast %get3A_2377 : i32 to index
    %get3A_2379 = arith.constant 112 : index
    %get3A_2380 = tpu.vector_load %arg6[%get3A_2378, %get3A_2379] {strides = array<i32>} : memref<32x128xf32, #tpu.memory_space<vmem>>, vector<1x16xf32>,
    %get3A_2381 = vector.shape_cast %get3A_2380 : vector<1x16xf32> to vector<16xf32>
    %mul3A_2382 = vector.broadcast %squeeze3A_391 : f32 to vector<16xf32>
    %mul3A_2383 = arith.mulf %get3A_2381, %mul3A_2382 : vector<16xf32>
    %add3A_2384 = arith.addf %add3A_2376, %mul3A_2383 : vector<16xf32>
    %get3A_2385 = arith.constant 12 : i32
    %get3A_2386 = arith.index_cast %get3A_2385 : i32 to index
    %get3A_2387 = arith.constant 112 : index
    %get3A_2388 = tpu.vector_load %arg6[%get3A_2386, %get3A_2387] {strides = array<i32>} : memref<32x128xf32, #tpu.memory_space<vmem>>, vector<1x16xf32>,
    %get3A_2389 = vector.shape_cast %get3A_2388 : vector<1x16xf32> to vector<16xf32>
    %mul3A_2390 = vector.broadcast %squeeze3A_393 : f32 to vector<16xf32>
    %mul3A_2391 = arith.mulf %get3A_2389, %mul3A_2390 : vector<16xf32>
    %add3A_2392 = arith.addf %add3A_2384, %mul3A_2391 : vector<16xf32>
    %get3A_2393 = arith.constant 13 : i32
    %get3A_2394 = arith.index_cast %get3A_2393 : i32 to index
    %get3A_2395 = arith.constant 112 : index
    %get3A_2396 = tpu.vector_load %arg6[%get3A_2394, %get3A_2395] {strides = array<i32>} : memref<32x128xf32, #tpu.memory_space<vmem>>, vector<1x16xf32>,
    %get3A_2397 = vector.shape_cast %get3A_2396 : vector<1x16xf32> to vector<16xf32>
    %mul3A_2398 = vector.broadcast %squeeze3A_395 : f32 to vector<16xf32>
    %mul3A_2399 = arith.mulf %get3A_2397, %mul3A_2398 : vector<16xf32>
    %add3A_2400 = arith.addf %add3A_2392, %mul3A_2399 : vector<16xf32>
    %get3A_2401 = arith.constant 14 : i32
    %get3A_2402 = arith.index_cast %get3A_2401 : i32 to index
    %get3A_2403 = arith.constant 112 : index
    %get3A_2404 = tpu.vector_load %arg6[%get3A_2402, %get3A_2403] {strides = array<i32>} : memref<32x128xf32, #tpu.memory_space<vmem>>, vector<1x16xf32>,
    %get3A_2405 = vector.shape_cast %get3A_2404 : vector<1x16xf32> to vector<16xf32>
    %mul3A_2406 = vector.broadcast %squeeze3A_397 : f32 to vector<16xf32>
    %mul3A_2407 = arith.mulf %get3A_2405, %mul3A_2406 : vector<16xf32>
    %add3A_2408 = arith.addf %add3A_2400, %mul3A_2407 : vector<16xf32>
    %get3A_2409 = arith.constant 15 : i32
    %get3A_2410 = arith.index_cast %get3A_2409 : i32 to index
    %get3A_2411 = arith.constant 112 : index
    %get3A_2412 = tpu.vector_load %arg6[%get3A_2410, %get3A_2411] {strides = array<i32>} : memref<32x128xf32, #tpu.memory_space<vmem>>, vector<1x16xf32>,
    %get3A_2413 = vector.shape_cast %get3A_2412 : vector<1x16xf32> to vector<16xf32>
    %mul3A_2414 = vector.broadcast %squeeze3A_399 : f32 to vector<16xf32>
    %mul3A_2415 = arith.mulf %get3A_2413, %mul3A_2414 : vector<16xf32>
    %add3A_2416 = arith.addf %add3A_2408, %mul3A_2415 : vector<16xf32>
    %get3A_2417 = arith.constant 16 : i32
    %get3A_2418 = arith.index_cast %get3A_2417 : i32 to index
    %get3A_2419 = arith.constant 112 : index
    %get3A_2420 = tpu.vector_load %arg6[%get3A_2418, %get3A_2419] {strides = array<i32>} : memref<32x128xf32, #tpu.memory_space<vmem>>, vector<1x16xf32>,
    %get3A_2421 = vector.shape_cast %get3A_2420 : vector<1x16xf32> to vector<16xf32>
    %mul3A_2422 = vector.broadcast %squeeze3A_401 : f32 to vector<16xf32>
    %mul3A_2423 = arith.mulf %get3A_2421, %mul3A_2422 : vector<16xf32>
    %add3A_2424 = arith.addf %add3A_2416, %mul3A_2423 : vector<16xf32>
    %get3A_2425 = arith.constant 17 : i32
    %get3A_2426 = arith.index_cast %get3A_2425 : i32 to index
    %get3A_2427 = arith.constant 112 : index
    %get3A_2428 = tpu.vector_load %arg6[%get3A_2426, %get3A_2427] {strides = array<i32>} : memref<32x128xf32, #tpu.memory_space<vmem>>, vector<1x16xf32>,
    %get3A_2429 = vector.shape_cast %get3A_2428 : vector<1x16xf32> to vector<16xf32>
    %mul3A_2430 = vector.broadcast %squeeze3A_403 : f32 to vector<16xf32>
    %mul3A_2431 = arith.mulf %get3A_2429, %mul3A_2430 : vector<16xf32>
    %add3A_2432 = arith.addf %add3A_2424, %mul3A_2431 : vector<16xf32>
    %get3A_2433 = arith.constant 18 : i32
    %get3A_2434 = arith.index_cast %get3A_2433 : i32 to index
    %get3A_2435 = arith.constant 112 : index
    %get3A_2436 = tpu.vector_load %arg6[%get3A_2434, %get3A_2435] {strides = array<i32>} : memref<32x128xf32, #tpu.memory_space<vmem>>, vector<1x16xf32>,
    %get3A_2437 = vector.shape_cast %get3A_2436 : vector<1x16xf32> to vector<16xf32>
    %mul3A_2438 = vector.broadcast %squeeze3A_405 : f32 to vector<16xf32>
    %mul3A_2439 = arith.mulf %get3A_2437, %mul3A_2438 : vector<16xf32>
    %add3A_2440 = arith.addf %add3A_2432, %mul3A_2439 : vector<16xf32>
    %get3A_2441 = arith.constant 19 : i32
    %get3A_2442 = arith.index_cast %get3A_2441 : i32 to index
    %get3A_2443 = arith.constant 112 : index
    %get3A_2444 = tpu.vector_load %arg6[%get3A_2442, %get3A_2443] {strides = array<i32>} : memref<32x128xf32, #tpu.memory_space<vmem>>, vector<1x16xf32>,
    %get3A_2445 = vector.shape_cast %get3A_2444 : vector<1x16xf32> to vector<16xf32>
    %mul3A_2446 = vector.broadcast %squeeze3A_407 : f32 to vector<16xf32>
    %mul3A_2447 = arith.mulf %get3A_2445, %mul3A_2446 : vector<16xf32>
    %add3A_2448 = arith.addf %add3A_2440, %mul3A_2447 : vector<16xf32>
    %get3A_2449 = arith.constant 20 : i32
    %get3A_2450 = arith.index_cast %get3A_2449 : i32 to index
    %get3A_2451 = arith.constant 112 : index
    %get3A_2452 = tpu.vector_load %arg6[%get3A_2450, %get3A_2451] {strides = array<i32>} : memref<32x128xf32, #tpu.memory_space<vmem>>, vector<1x16xf32>,
    %get3A_2453 = vector.shape_cast %get3A_2452 : vector<1x16xf32> to vector<16xf32>
    %mul3A_2454 = vector.broadcast %squeeze3A_409 : f32 to vector<16xf32>
    %mul3A_2455 = arith.mulf %get3A_2453, %mul3A_2454 : vector<16xf32>
    %add3A_2456 = arith.addf %add3A_2448, %mul3A_2455 : vector<16xf32>
    %get3A_2457 = arith.constant 21 : i32
    %get3A_2458 = arith.index_cast %get3A_2457 : i32 to index
    %get3A_2459 = arith.constant 112 : index
    %get3A_2460 = tpu.vector_load %arg6[%get3A_2458, %get3A_2459] {strides = array<i32>} : memref<32x128xf32, #tpu.memory_space<vmem>>, vector<1x16xf32>,
    %get3A_2461 = vector.shape_cast %get3A_2460 : vector<1x16xf32> to vector<16xf32>
    %mul3A_2462 = vector.broadcast %squeeze3A_411 : f32 to vector<16xf32>
    %mul3A_2463 = arith.mulf %get3A_2461, %mul3A_2462 : vector<16xf32>
    %add3A_2464 = arith.addf %add3A_2456, %mul3A_2463 : vector<16xf32>
    %get3A_2465 = arith.constant 22 : i32
    %get3A_2466 = arith.index_cast %get3A_2465 : i32 to index
    %get3A_2467 = arith.constant 112 : index
    %get3A_2468 = tpu.vector_load %arg6[%get3A_2466, %get3A_2467] {strides = array<i32>} : memref<32x128xf32, #tpu.memory_space<vmem>>, vector<1x16xf32>,
    %get3A_2469 = vector.shape_cast %get3A_2468 : vector<1x16xf32> to vector<16xf32>
    %mul3A_2470 = vector.broadcast %squeeze3A_413 : f32 to vector<16xf32>
    %mul3A_2471 = arith.mulf %get3A_2469, %mul3A_2470 : vector<16xf32>
    %add3A_2472 = arith.addf %add3A_2464, %mul3A_2471 : vector<16xf32>
    %get3A_2473 = arith.constant 23 : i32
    %get3A_2474 = arith.index_cast %get3A_2473 : i32 to index
    %get3A_2475 = arith.constant 112 : index
    %get3A_2476 = tpu.vector_load %arg6[%get3A_2474, %get3A_2475] {strides = array<i32>} : memref<32x128xf32, #tpu.memory_space<vmem>>, vector<1x16xf32>,
    %get3A_2477 = vector.shape_cast %get3A_2476 : vector<1x16xf32> to vector<16xf32>
    %mul3A_2478 = vector.broadcast %squeeze3A_415 : f32 to vector<16xf32>
    %mul3A_2479 = arith.mulf %get3A_2477, %mul3A_2478 : vector<16xf32>
    %add3A_2480 = arith.addf %add3A_2472, %mul3A_2479 : vector<16xf32>
    %get3A_2481 = arith.constant 24 : i32
    %get3A_2482 = arith.index_cast %get3A_2481 : i32 to index
    %get3A_2483 = arith.constant 112 : index
    %get3A_2484 = tpu.vector_load %arg6[%get3A_2482, %get3A_2483] {strides = array<i32>} : memref<32x128xf32, #tpu.memory_space<vmem>>, vector<1x16xf32>,
    %get3A_2485 = vector.shape_cast %get3A_2484 : vector<1x16xf32> to vector<16xf32>
    %mul3A_2486 = vector.broadcast %squeeze3A_417 : f32 to vector<16xf32>
    %mul3A_2487 = arith.mulf %get3A_2485, %mul3A_2486 : vector<16xf32>
    %add3A_2488 = arith.addf %add3A_2480, %mul3A_2487 : vector<16xf32>
    %get3A_2489 = arith.constant 25 : i32
    %get3A_2490 = arith.index_cast %get3A_2489 : i32 to index
    %get3A_2491 = arith.constant 112 : index
    %get3A_2492 = tpu.vector_load %arg6[%get3A_2490, %get3A_2491] {strides = array<i32>} : memref<32x128xf32, #tpu.memory_space<vmem>>, vector<1x16xf32>,
    %get3A_2493 = vector.shape_cast %get3A_2492 : vector<1x16xf32> to vector<16xf32>
    %mul3A_2494 = vector.broadcast %squeeze3A_419 : f32 to vector<16xf32>
    %mul3A_2495 = arith.mulf %get3A_2493, %mul3A_2494 : vector<16xf32>
    %add3A_2496 = arith.addf %add3A_2488, %mul3A_2495 : vector<16xf32>
    %get3A_2497 = arith.constant 26 : i32
    %get3A_2498 = arith.index_cast %get3A_2497 : i32 to index
    %get3A_2499 = arith.constant 112 : index
    %get3A_2500 = tpu.vector_load %arg6[%get3A_2498, %get3A_2499] {strides = array<i32>} : memref<32x128xf32, #tpu.memory_space<vmem>>, vector<1x16xf32>,
    %get3A_2501 = vector.shape_cast %get3A_2500 : vector<1x16xf32> to vector<16xf32>
    %mul3A_2502 = vector.broadcast %squeeze3A_421 : f32 to vector<16xf32>
    %mul3A_2503 = arith.mulf %get3A_2501, %mul3A_2502 : vector<16xf32>
    %add3A_2504 = arith.addf %add3A_2496, %mul3A_2503 : vector<16xf32>
    %get3A_2505 = arith.constant 27 : i32
    %get3A_2506 = arith.index_cast %get3A_2505 : i32 to index
    %get3A_2507 = arith.constant 112 : index
    %get3A_2508 = tpu.vector_load %arg6[%get3A_2506, %get3A_2507] {strides = array<i32>} : memref<32x128xf32, #tpu.memory_space<vmem>>, vector<1x16xf32>,
    %get3A_2509 = vector.shape_cast %get3A_2508 : vector<1x16xf32> to vector<16xf32>
    %mul3A_2510 = vector.broadcast %squeeze3A_423 : f32 to vector<16xf32>
    %mul3A_2511 = arith.mulf %get3A_2509, %mul3A_2510 : vector<16xf32>
    %add3A_2512 = arith.addf %add3A_2504, %mul3A_2511 : vector<16xf32>
    %get3A_2513 = arith.constant 28 : i32
    %get3A_2514 = arith.index_cast %get3A_2513 : i32 to index
    %get3A_2515 = arith.constant 112 : index
    %get3A_2516 = tpu.vector_load %arg6[%get3A_2514, %get3A_2515] {strides = array<i32>} : memref<32x128xf32, #tpu.memory_space<vmem>>, vector<1x16xf32>,
    %get3A_2517 = vector.shape_cast %get3A_2516 : vector<1x16xf32> to vector<16xf32>
    %mul3A_2518 = vector.broadcast %squeeze3A_425 : f32 to vector<16xf32>
    %mul3A_2519 = arith.mulf %get3A_2517, %mul3A_2518 : vector<16xf32>
    %add3A_2520 = arith.addf %add3A_2512, %mul3A_2519 : vector<16xf32>
    %get3A_2521 = arith.constant 29 : i32
    %get3A_2522 = arith.index_cast %get3A_2521 : i32 to index
    %get3A_2523 = arith.constant 112 : index
    %get3A_2524 = tpu.vector_load %arg6[%get3A_2522, %get3A_2523] {strides = array<i32>} : memref<32x128xf32, #tpu.memory_space<vmem>>, vector<1x16xf32>,
    %get3A_2525 = vector.shape_cast %get3A_2524 : vector<1x16xf32> to vector<16xf32>
    %mul3A_2526 = vector.broadcast %squeeze3A_427 : f32 to vector<16xf32>
    %mul3A_2527 = arith.mulf %get3A_2525, %mul3A_2526 : vector<16xf32>
    %add3A_2528 = arith.addf %add3A_2520, %mul3A_2527 : vector<16xf32>
    %get3A_2529 = arith.constant 30 : i32
    %get3A_2530 = arith.index_cast %get3A_2529 : i32 to index
    %get3A_2531 = arith.constant 112 : index
    %get3A_2532 = tpu.vector_load %arg6[%get3A_2530, %get3A_2531] {strides = array<i32>} : memref<32x128xf32, #tpu.memory_space<vmem>>, vector<1x16xf32>,
    %get3A_2533 = vector.shape_cast %get3A_2532 : vector<1x16xf32> to vector<16xf32>
    %mul3A_2534 = vector.broadcast %squeeze3A_429 : f32 to vector<16xf32>
    %mul3A_2535 = arith.mulf %get3A_2533, %mul3A_2534 : vector<16xf32>
    %add3A_2536 = arith.addf %add3A_2528, %mul3A_2535 : vector<16xf32>
    %get3A_2537 = arith.constant 31 : i32
    %get3A_2538 = arith.index_cast %get3A_2537 : i32 to index
    %get3A_2539 = arith.constant 112 : index
    %get3A_2540 = tpu.vector_load %arg6[%get3A_2538, %get3A_2539] {strides = array<i32>} : memref<32x128xf32, #tpu.memory_space<vmem>>, vector<1x16xf32>,
    %get3A_2541 = vector.shape_cast %get3A_2540 : vector<1x16xf32> to vector<16xf32>
    %mul3A_2542 = vector.broadcast %squeeze3A_431 : f32 to vector<16xf32>
    %mul3A_2543 = arith.mulf %get3A_2541, %mul3A_2542 : vector<16xf32>
    %add3A_2544 = arith.addf %add3A_2536, %mul3A_2543 : vector<16xf32>
    %mul3A_2545 = arith.mulf %add3A_2544, %div3A_469 : vector<16xf32>
    %swap3A_2546 = arith.constant 112 : index
    %swap3A_2547 = tpu.vector_load %arg7[%swap3A_2546] {strides = array<i32>} : memref<128xf32, #tpu.memory_space<vmem>>, vector<16xf32>,
    %swap3A_2548 = vector.shape_cast %swap3A_2547 : vector<16xf32> to vector<16xf32>
    %swap3A_2549 = vector.shape_cast %mul3A_2545 : vector<16xf32> to vector<16xf32>
    tpu.vector_store %arg7[%swap3A_2546], %swap3A_2549 {strides = array<i32>} : memref<128xf32, #tpu.memory_space<vmem>>, vector<16xf32>,
    %mul3A_2550 = arith.constant 128 : i32
    %mul3A_2551 = arith.muli %rem3A_18, %mul3A_2550 : i32
    "tpu.region"() ({
      %run_scoped3A = tpu.sem_alloc : memref<!tpu.dma_semaphore, #tpu.memory_space<semaphore_mem>>
      %dma_start3A_2552 = tpu.memref_slice %arg4[%select_n3A, %mul3A_2551] : memref<4x1024xf32, #tpu.memory_space<hbm>> -> memref<1x128xf32, #tpu.memory_space<hbm>>
      %dma_start3A_2553 = tpu.memref_squeeze %dma_start3A_2552 : memref<1x128xf32, #tpu.memory_space<hbm>> -> memref<128xf32, #tpu.memory_space<hbm>>
      %dma_start3A_2554 = tpu.memref_slice %arg4[%select_n3A, %mul3A_2551] : memref<4x1024xf32, #tpu.memory_space<hbm>> -> memref<1x128xf32, #tpu.memory_space<hbm>>
      %dma_start3A_2555 = tpu.memref_squeeze %dma_start3A_2554 : memref<1x128xf32, #tpu.memory_space<hbm>> -> memref<128xf32, #tpu.memory_space<hbm>>
      tpu.enqueue_dma source(%arg7 : memref<128xf32, #tpu.memory_space<vmem>>) target(%dma_start3A_2555 : memref<128xf32, #tpu.memory_space<hbm>>) target_semaphore(%run_scoped3A : memref<!tpu.dma_semaphore, #tpu.memory_space<semaphore_mem>>)
      %dma_wait3A_2556 = tpu.memref_slice %arg4[%select_n3A, %mul3A_2551] : memref<4x1024xf32, #tpu.memory_space<hbm>> -> memref<1x128xf32, #tpu.memory_space<hbm>>
      %dma_wait3A_2557 = tpu.memref_squeeze %dma_wait3A_2556 : memref<1x128xf32, #tpu.memory_space<hbm>> -> memref<128xf32, #tpu.memory_space<hbm>>
      %dma_wait3A_2558 = tpu.memref_slice %arg4[%select_n3A, %mul3A_2551] : memref<4x1024xf32, #tpu.memory_space<hbm>> -> memref<1x128xf32, #tpu.memory_space<hbm>>
      %dma_wait3A_2559 = tpu.memref_squeeze %dma_wait3A_2558 : memref<1x128xf32, #tpu.memory_space<hbm>> -> memref<128xf32, #tpu.memory_space<hbm>>
      tpu.wait_dma2 semaphore(%run_scoped3A : memref<!tpu.dma_semaphore, #tpu.memory_space<semaphore_mem>>) src(%arg7 : memref<128xf32, #tpu.memory_space<vmem>>) dst(%dma_wait3A_2559 : memref<128xf32, #tpu.memory_space<hbm>>)
      tpu.yield
    }) : () -> ()
    return
  }
}

module attributes {stable_mosaic.version = 14 : i64} {
  func.func @_tc_head(%arg0: memref<4x1024xf32, #tpu.memory_space<vmem>>, %arg1: memref<1024x1024xf32, #tpu.memory_space<vmem>>, %arg2: memref<1x1024xf32, #tpu.memory_space<vmem>>, %arg3: memref<4x1024xf32, #tpu.memory_space<vmem>>) attributes {dimension_semantics = [], scalar_prefetch = 0 : i64, scratch_operands = 0 : i64, tpu.core_type = #tpu.core_type<tc>} {
    %get3A = arith.constant 0 : index
    %get3A_0 = arith.constant 0 : index
    %get3A_1 = vector.load %arg0[%get3A, %get3A_0] : memref<4x1024xf32, #tpu.memory_space<vmem>>, vector<4x1024xf32>
    %get3A_2 = arith.constant 0 : index
    %get3A_3 = arith.constant 0 : index
    %get3A_4 = vector.load %arg1[%get3A_2, %get3A_3] : memref<1024x1024xf32, #tpu.memory_space<vmem>>, vector<1024x1024xf32>
    %dot_general3A = arith.constant dense<0.000000e+00> : vector<4x1024xf32>
    %dot_general3A_5 = tpu.matmul %get3A_1, %get3A_4, %dot_general3A {dimension_numbers = #tpu.dot_dimension_numbers<[1], [0], [0], [1], [0, 0, 1, 1], [], []>, transpose_lhs_hint = false} : vector<4x1024xf32>, vector<1024x1024xf32>, vector<4x1024xf32> -> vector<4x1024xf32>
    %get3A_6 = arith.constant 0 : index
    %get3A_7 = arith.constant 0 : index
    %get3A_8 = vector.load %arg2[%get3A_6, %get3A_7] : memref<1x1024xf32, #tpu.memory_space<vmem>>, vector<1x1024xf32>
    %add3A = vector.broadcast %get3A_8 : vector<1x1024xf32> to vector<4x1024xf32>
    %add3A_9 = arith.addf %dot_general3A_5, %add3A : vector<4x1024xf32>
    %tanh3A = math.tanh %add3A_9 : vector<4x1024xf32>
    %swap3A = arith.constant 0 : index
    %swap3A_10 = arith.constant 0 : index
    %swap3A_11 = vector.load %arg3[%swap3A, %swap3A_10] : memref<4x1024xf32, #tpu.memory_space<vmem>>, vector<4x1024xf32>
    tpu.vector_store %arg3[%swap3A, %swap3A_10], %tanh3A {strides = array<i32>} : memref<4x1024xf32, #tpu.memory_space<vmem>>, vector<4x1024xf32>,
    return
  }
}

</mosaic_0001>

<sc_bundles>
// kernel: kernel.4.cloned.1.call-start
scs
__scs_entry_jumppad:
0x0: {  	(pc) =	sbr.rel $0x88, $3  }
0x1: {  	(tag) =	ssettag $0x0;
	lr =	simm.s32 $0x1  }
0x2: {  	[smem:$0x3F9D] =	sst lr;
	_ =	strace $0xD0000000  }
0x3: {  	_ = 	snop  }
0x4: {  	_ = 	snop  }
0x5: {  	_ = 	snop  }
0x6: {  	_ = 	snop  }
0x7: {  	_ = 	snop  }
__scs_overlays_trampoline_lowered:
0x8: {  	[smem:$0x3FAC] =	sst s0  }
0x9: {  	[smem:$0x3FAD] =	sst s1  }
0xa: {  	[smem:$0x3FAE] =	sst s2  }
0xb: {  	[smem:$0x3FAF] =	sst s3  }
0xc: {  	[smem:$0x3FB0] =	sst s4  }
0xd: {  	[smem:$0x3FB1] =	sst s5  }
0xe: {  	[smem:$0x3FB2] =	sst s6  }
0xf: {  	[smem:$0x3FB3] =	sst s7  }
0x10: {  	[smem:$0x3FB4] =	sst s8  }
0x11: {  	[smem:$0x3FB5] =	sst s9;
	s0 =	simm.s32 @!p0 $0x0  }
0x12: {  	s1 =	sld [smem:$0x3F9B];
	s0 =	simm.s32 @p0 $0x1  }
0x13: {  	[smem:$0x3FB6] =	sst s0;
	s0 =	simm.s32 @!p1 $0x0  }
0x14: {  	s2 =	sld [smem:$0x3F9A];
	s0 =	simm.s32 @p1 $0x1  }
0x15: {  	[smem:$0x3FB7] =	sst s0;
	s0 =	simm.s32 @!p2 $0x0  }
0x16: {  	s3 =	sld [smem:$0x3FDB];
	s0 =	simm.s32 @p2 $0x1  }
0x17: {  	s4 =	simm.s32 $0x1BF5;
	[smem:$0x3FB9] =	sst s0  }
0x18: {  	s0 =	sld [smem:$0x3F9C];
	_ =	swait.ge [sflag:s4], $0x0  }
0x19: {  	s7 =	sld [smem:$0x3F9D]  }
0x1a: {  	s8 =	sadd.s32 $0xFFFFE003, lr  }
0x1b: {  	s9 =	sadd.s32 $0xFFFFFEF7, lr;
	s5 =	simm.s32 $0xFFFFFFFF;
	p2 =	slt.u32 s8, $0xFFFFF086  }
0x1c: {  	p1 =	slt.u32 s9, $0xF7A;
	s5 =	simm.s32 @!p2 $0x0  }
0x1d: {  	s5 =	simm.s32 @p1 $0x1;
	p0 =	seq.s32 s7, s2  }
0x1e: {  	s7 =	smul.u32 @!p0 $0xF7A, s2;
	p2 =	seq.s32 @!p0 s5, $0x0  }
0x1f: {  	s9 =	smul.u32 $0xF7A, s1;
	s8 =	simm.s32 @!p0 $0x1BF5;
	p2 =	por !p2, p0  }
0x20: {  	[sflag:s8] =	ssyncset.s32 @!p0 $0xFFFFF086;
	s6 =	sadd.s32 @!p0 s3, s7;
	s7 =	simm.s32 @!p0 $0x108  }
0x21: {  	s3 =	sadd.s32 s3, s9;
	s6 =	sadd.s32 @!p0 $0x88, s6;
	s7 =	simm.s32 @p2 $0x1082  }
0x22: {  	[simem:s7], [sflag:s8] =	dma.local @!p0 [hbm:s6], $0xF7A  }
0x23: {  	s9 =	sor.u32 $0xD0000000, s2;
	s6 =	simm.s32 $0x108;
	_ =	swait.ge @!p0 [sflag:s8], $0x0  }
0x24: {  	s3 =	sadd.s32 $0x88, s3;
	s6 =	simm.s32 @!p1 $0x1082;
	[sflag:s4] =	ssyncset.s32 $0xFFFFF086  }
0x25: {  	[simem:s6], [sflag:s4] =	dma.local [hbm:s3], $0xF7A  }
0x26: {  	[smem:$0x3F9D] =	sst s1;
	(tag) =	ssettag s2;
	_ =	strace s9  }
0x27: {  	s1 =	sld [smem:$0x3FAD]  }
0x28: {  	s2 =	sld [smem:$0x3FAE]  }
0x29: {  	s4 =	sld [smem:$0x3FB0]  }
0x2a: {  	p0 =	seq.s32 s5, $0x0;
	s5 =	sld [smem:$0x3FB1]  }
0x2b: {  	s6 =	sld [smem:$0x3FB2]  }
0x2c: {  	s7 =	sld [smem:$0x3FB3]  }
0x2d: {  	s3 =	simm.s32 $0x108;
	s8 =	sld [smem:$0x3FB4]  }
0x2e: {  	s3 =	simm.s32 @!p0 $0x1082;
	s9 =	sld [smem:$0x3FB5]  }
0x2f: {  	lr =	sadd.s32 s0, s3;
	s0 =	sld [smem:$0x3FAC]  }
0x30: {  	s3 =	sld [smem:$0x3FAF]  }
0x31: {  	[smem:$0x3FB8] =	sst s10  }
0x32: {  	s10 =	sld [smem:$0x3FB6];
	_ =	sdelay $0x3  }
0x33: {  	p0 =	seq.s32 s10, $0x1;
	s10 =	sld [smem:$0x3FB8];
	_ =	sdelay $0x3  }
0x34: {  	[smem:$0x3FB8] =	sst s10  }
0x35: {  	s10 =	sld [smem:$0x3FB7];
	_ =	sdelay $0x3  }
0x36: {  	p1 =	seq.s32 s10, $0x1;
	s10 =	sld [smem:$0x3FB8];
	_ =	sdelay $0x3  }
0x37: {  	[smem:$0x3FB8] =	sst s10  }
0x38: {  	s10 =	sld [smem:$0x3FB9]  }
0x39: {  	_ = 	snop;
	(pc) =	sbr.ind lr, $3  }
0x3a: {  	_ = 	snop  }
0x3b: {  	_ = 	snop  }
0x3c: {  	p2 =	seq.s32 s10, $0x1;
	s10 =	sld [smem:$0x3FB8]  }
0x3d: {  	_ =	shalt  }
0x3e: {  	_ =	shalt  }
0x3f: {  	_ =	shalt  }
0x40: {  	_ =	shalt  }
0x41: {  	_ =	shalt  }
0x42: {  	_ =	shalt  }
0x43: {  	_ =	shalt  }
0x44: {  	_ =	shalt  }
0x45: {  	_ =	shalt  }
0x46: {  	_ =	shalt  }
0x47: {  	_ =	shalt  }
0x48: {  	_ =	shalt  }
0x49: {  	_ =	shalt  }
0x4a: {  	_ =	shalt  }
0x4b: {  	_ =	shalt  }
0x4c: {  	_ =	shalt  }
0x4d: {  	_ =	shalt  }
0x4e: {  	_ =	shalt  }
0x4f: {  	_ =	shalt  }
0x50: {  	_ =	shalt  }
0x51: {  	_ =	shalt  }
0x52: {  	_ =	shalt  }
0x53: {  	_ =	shalt  }
0x54: {  	_ =	shalt  }
0x55: {  	_ =	shalt  }
0x56: {  	_ =	shalt  }
0x57: {  	_ =	shalt  }
0x58: {  	_ =	shalt  }
0x59: {  	_ =	shalt  }
0x5a: {  	_ =	shalt  }
0x5b: {  	_ =	shalt  }
0x5c: {  	_ =	shalt  }
0x5d: {  	_ =	shalt  }
0x5e: {  	_ =	shalt  }
0x5f: {  	_ =	shalt  }
0x60: {  	_ =	shalt  }
0x61: {  	_ =	shalt  }
0x62: {  	_ =	shalt  }
0x63: {  	_ =	shalt  }
0x64: {  	_ =	shalt  }
0x65: {  	_ =	shalt  }
0x66: {  	_ =	shalt  }
0x67: {  	_ =	shalt  }
0x68: {  	_ =	shalt  }
0x69: {  	_ =	shalt  }
0x6a: {  	_ =	shalt  }
0x6b: {  	_ =	shalt  }
0x6c: {  	_ =	shalt  }
0x6d: {  	_ =	shalt  }
0x6e: {  	_ =	shalt  }
0x6f: {  	_ =	shalt  }
0x70: {  	_ =	shalt  }
0x71: {  	_ =	shalt  }
0x72: {  	_ =	shalt  }
0x73: {  	_ =	shalt  }
0x74: {  	_ =	shalt  }
0x75: {  	_ =	shalt  }
0x76: {  	_ =	shalt  }
0x77: {  	_ =	shalt  }
0x78: {  	_ =	shalt  }
0x79: {  	_ =	shalt  }
0x7a: {  	_ =	shalt  }
0x7b: {  	_ =	shalt  }
0x7c: {  	_ =	shalt  }
0x7d: {  	_ =	shalt  }
0x7e: {  	_ =	shalt  }
0x7f: {  	_ =	shalt  }
0x80: {  	_ =	shalt  }
0x81: {  	_ =	shalt  }
0x82: {  	_ =	shalt  }
0x83: {  	_ =	shalt  }
0x84: {  	_ =	shalt  }
0x85: {  	_ =	shalt  }
0x86: {  	_ =	shalt  }
0x87: {  	_ =	shalt  }
.Lfunc_end0:
.L_simem_size_0:
called_computation_lowered:
.L_overlay_start_0:
0x88: {  	s2 =	sld [smem:$0x3FD9]  }
0x89: {  	s3 =	sld [smem:$0x3FFE];
	_ =	sdelay $0x1  }
0x8a: {  	s1 =	srdreg.scid  }
0x8b: {  	s0 =	sand.u32 $0x1, s1  }
0x8c: {  	s17 =	sshll.u32 s0, $0xA;
	s2 =	sadd.s32 s3, s2  }
0x8d: {  	s2 =	sadd.s32 s2, s17  }
0x8e: {  	[smem:$0x3FC4] =	sst s2  }
0x8f: {  	_ = 	snop  }
0x90: {  	s2 =	sld [smem:$0x3FC9]  }
0x91: {  	s18 =	sld [smem:$0x3FD0];
	(tm) =	ssettm $0x1  }
0x92: {  	s4 =	sld [smem:$0x3FFB];
	_ =	sdelay $0x3  }
0x93: {  	_ =	strace s4  }
0x94: {  	s4 =	sld [smem:$0x3FFC];
	_ =	sdelay $0x3  }
0x95: {  	_ =	strace s4  }
0x96: {  	s4 =	sld [smem:$0x3FFD];
	_ =	sdelay $0x3  }
0x97: {  	_ =	strace s4  }
0x98: {  	_ =	strace $0x8FFFFFFF  }
0x99: {  	s19 =	sld [smem:$0x3FDB];
	_ =	sdelay $0x1  }
0x9a: {  	s5 =	simm.s32 $_scs_section_size  }
0x9b: {  	s6 =	simm.s32 $_size__tile_overlayer_lowered;
	s7 =	simm.s32 $_tile_overlayer_lowered  }
0x9c: {  	s22 =	simm.s32 $0x1BFF;
	s21 =	sshll.u32 s7, $0x1;
	s4 =	sadd.s32 s5, s19  }
0x9d: {  	s8 =	simm.s32 $0x0;
	s20 =	sshll.u32 s6, $0x1;
	s6 =	sadd.s32 s21, s4  }
0x9e: {  	[timem:s8], [sflag:s22] =	dma.local [hbm:s6], s20  }
0x9f: {  	_ =	swait.ge [sflag:s22], s20  }
0xa0: {  	s5 =	ssub.s32 $0x0, s20;
	[sflag:s22] =	ssyncset.done $0x0  }
0xa1: {  	[sflag:s22] =	ssyncadd.s32 s5;
	_ =	sdelay $0x1  }
0xa2: {  	s23 =	simm.s32 $0x1B8B  }
0xa3: {  	_ =	swait.ge [sflag:s23], $0x1  }
0xa4: {  	[sflag:s23] =	ssyncset.done $0x0  }
0xa5: {  	s25 =	simm.s32 $0x1B8E;
	s24 =	sld [smem:$0x3FFE];
	[sflag:s23] =	ssyncadd.s32 $0xFFFFFFFF  }
0xa6: {  	s26 =	simm.s32 $execute0_lowered;
	[smem:$0x3FD2] =	sst s25  }
0xa7: {  	s6 =	sshll.u32 s26, $0x1;
	_ =	strace $0x80000046;
	[dreg:$0x1] =	wrdreg $0xFFFFFFFF  }
0xa8: {  	s28 =	simm.s32 $_size_execute0_lowered;
	s4 =	sadd.s32 s4, s6;
	[dreg:$0x0] =	wrdreg $0x0  }
0xa9: {  	s6 =	sshll.u32 s28, $0x1;
	[dreg:$0x2] =	wrdreg s4  }
0xaa: {  	[dreg:$0x3] =	wrdreg s6  }
0xab: {  	[dreg:$0x4] =	wrdreg $0xC0  }
0xac: {  	_ =	task [dreg:s8], $0x5FFFF  }
0xad: {  	[dreg:$0x1] =	wrdreg $0xFFFFFFFF  }
0xae: {  	[dreg:$0x0] =	wrdreg $0x60  }
0xaf: {  	[dreg:$0x2] =	wrdreg s2  }
0xb0: {  	[dreg:$0x3] =	wrdreg s24  }
0xb1: {  	[dreg:$0x4] =	wrdreg s18  }
0xb2: {  	[dreg:$0x5] =	wrdreg $0x9  }
0xb3: {  	_ =	task.clear_ibuf [dreg:s8], $0x6FFFF;
	_ =	strace $0x90000046  }
0xb4: {  	s29 =	simm.s32 $0x9;
	_ =	strace $0x80000048  }
0xb5: {  	_ =	swait.ge [sflag:s29], $0x1  }
0xb6: {  	[sflag:s29] =	ssyncadd.s32 $0xFFFFFFFF  }
0xb7: {  	_ =	strace $0x90000048  }
0xb8: {  	_ =	sfence  }
0xb9: {  	s30 =	sld [smem:$0x0];
	_ =	sdelay $0x2  }
0xba: {  	s31 =	sshll.u32 s1, $0xD;
	s1 =	sshrl.u32 s1, $0x2  }
0xbb: {  	s3 =	sand.u32 $0x4000, s31;
	s1 =	sadd.s32 s1, s30  }
0xbc: {  	s0 =	sor.u32 s3, s0;
	s1 =	sshll.u32 s1, $0x11  }
0xbd: {  	s0 =	sor.u32 s1, s0  }
0xbe: {  	s0 =	sadd.s32 $0x8F2B, s0  }
0xbf: {  	[sflag:s0] =	ssyncadd.remote.s32 $0x1  }
0xc0: {  	_ =	sfence.sel $0xFFFF  }
0xc1: {  	[dreg:$0x0] =	wrdreg $0xFFFFFFFF;
	(pc) =	sbr.abs _section_cstart, $3  }
0xc2: {  	[dreg:$0x1] =	wrdreg $0xFFFFFFFF  }
0xc3: {  	_ =	task.clear_ibuf [dreg:s8], $0x2FFFF;
	_ =	strace $0x9FFFFFFF  }
0xc4: {  	(tm) =	ssettm $0x7FFFFFFF  }
0xc5: {  	_ =	shalt  }
tec
execute0_lowered:
.L_overlay_start_1:
0x0: {  	(tag) =	ssettag $0x1  }
0x1: {  	s3 =	rddreg [dreg:$0x0]  }
0x2: {  	s6 =	rddreg [dreg:$0x1]  }
0x3: {  	s0 =	stileid.u32;
	s7 =	rddreg [dreg:$0x2]  }
0x4: {  	s1 =	srdreg.scid;
	s2 =	sshll.u32 s0, $0x1;
	s4 =	sshll.u32 s0, $0x5  }
0x5: {  	s5 =	sand.u32 $0x1, s1;
	s1 =	rddreg [dreg:$0x3];
	s2 =	sand.u32 $0x6, s2  }
0x6: {  	s8 =	sand.u32 $0x180, s4;
	s4 =	sor.u32 s5, s2;
	s2 =	simm.s32 $0x0  }
0x7: {  	s21 =	simm.s32 $0x80;
	[smem:$0x7FF] =	sst s2  }
0x8: {  	s22 =	simm.s32 $0x100;
	_ =	strace $0x80000047;
	[dreg:$0x6] =	wrdreg s21  }
0x9: {  	s23 =	simm.s32 $0x180;
	[dreg:$0x7] =	wrdreg s22  }
0xa: {  	s24 =	simm.s32 $0x200;
	[dreg:$0x8] =	wrdreg s23  }
0xb: {  	s25 =	simm.s32 $0x280;
	[dreg:$0x9] =	wrdreg s24  }
0xc: {  	s26 =	simm.s32 $0x300;
	[dreg:$0xa] =	wrdreg s25  }
0xd: {  	s28 =	simm.s32 $0x380;
	[dreg:$0xb] =	wrdreg s26  }
0xe: {  	s29 =	simm.s32 $0x400;
	[dreg:$0xc] =	wrdreg s28  }
0xf: {  	s30 =	simm.s32 $0x480;
	[dreg:$0xd] =	wrdreg s29  }
0x10: {  	s31 =	simm.s32 $0x500;
	s9 =	sshrl.u32 s8, $0x3;
	[dreg:$0xe] =	wrdreg s30  }
0x11: {  	s6 =	sadd.s32 s9, s6;
	s9 =	simm.s32 $0x680;
	[dreg:$0xf] =	wrdreg s31  }
0x12: {  	s11 =	simm.s32 $0x780;
	[dreg:$0x12] =	wrdreg s9  }
0x13: {  	s12 =	simm.s32 $0x800;
	[dreg:$0x14] =	wrdreg s11  }
0x14: {  	s13 =	simm.s32 $0x880;
	[dreg:$0x15] =	wrdreg s12  }
0x15: {  	s14 =	simm.s32 $0x900;
	[dreg:$0x16] =	wrdreg s13  }
0x16: {  	s15 =	simm.s32 $0x980;
	[dreg:$0x17] =	wrdreg s14  }
0x17: {  	s16 =	simm.s32 $0xA00;
	[dreg:$0x18] =	wrdreg s15  }
0x18: {  	s17 =	simm.s32 $0xA80;
	[dreg:$0x19] =	wrdreg s16  }
0x19: {  	s18 =	simm.s32 $0xB00;
	[dreg:$0x1a] =	wrdreg s17  }
0x1a: {  	s19 =	simm.s32 $0xB80;
	[dreg:$0x1b] =	wrdreg s18  }
0x1b: {  	s10 =	sshll.u32 s4, $0x9;
	s6 =	sadd.s32 $0xA00, s6;
	[dreg:$0x1c] =	wrdreg s19  }
0x1c: {  	s8 =	sor.u32 s8, s10;
	s10 =	simm.s32 $0x700;
	[dreg:$0x4] =	wrdreg s6  }
0x1d: {  	s21 =	simm.s32 $0xC80;
	[dreg:$0x13] =	wrdreg s10  }
0x1e: {  	s22 =	simm.s32 $0xD00;
	[dreg:$0x1e] =	wrdreg s21  }
0x1f: {  	s23 =	simm.s32 $0xD80;
	[dreg:$0x1f] =	wrdreg s22  }
0x20: {  	s24 =	simm.s32 $0xE00;
	[smem:$0x7F7] =	sst s23  }
0x21: {  	s26 =	simm.s32 $0xE80;
	[smem:$0x7F8] =	sst s24  }
0x22: {  	s28 =	simm.s32 $0xF00;
	[smem:$0x7F9] =	sst s26  }
0x23: {  	s5 =	ssub.s32 $0x2, s5;
	s29 =	simm.s32 $0xF80;
	[smem:$0x7FA] =	sst s28  }
0x24: {  	s4 =	sshll.u32 s4, $0x7;
	s30 =	simm.s32 $0x1000;
	[smem:$0x7FB] =	sst s29  }
0x25: {  	s31 =	simm.s32 $0x1080;
	s8 =	sshrl.u32 s8, $0x3;
	[smem:$0x7FC] =	sst s30  }
0x26: {  	s25 =	sshrl.u32 s5, $0x1;
	[smem:$0x7FD] =	sst s31;
	s20 =	sadd.s32 s7, s8  }
0x27: {  	v0 =	vlaneseq.u32;
	vm0 =	vmmov $0x1;
	s3 =	sadd.s32 s3, s4;
	s7 =	simm.s32 $0x580;
	[dreg:$0x5] =	wrdreg s20  }
0x28: {  	vm5 =	vcmask $0x3F04;
	vm9 =	vcmask $0x3F14;
	vm10 =	vcmask $0x3F18;
	s5 =	ssub.s32 s5, s25;
	s8 =	simm.s32 $0x600;
	[dreg:$0x10] =	wrdreg s7  }
0x29: {  	vm11 =	vcmask $0x3F1C;
	vm12 =	vcmask $0x3F20;
	vm13 =	vcmask $0x3F24;
	s6 =	simm.s32 $0x1;
	[dreg:$0x11] =	wrdreg s8;
	s20 =	simm.s32 $0xC00  }
0x2a: {  	vm14 =	vcmask $0x3F28;
	vm15 =	vcmask $0x3F2C;
	v51 =	vmul.u32 $0x8, v0;
	s4 =	smax.u32 s5, $0x1;
	s5 =	simm.s32 $0x2;
	[dreg:$0x1d] =	wrdreg s20  }
.LBB2_1:
0x2b: {  	s7 =	rddreg [dreg:$0x4]  }
0x2c: {  	[tilespmem:s2], [sflag:$0x2] =	stream.linear.gather [hbm4b:s7+s2], $0x80, $0x38;
	[tilespmem:$0x1100] =	vst v63  }
0x2d: {  	_ =	swait.ge [sflag:s5], $0x80  }
0x2e: {  	[sflag:s5] =	ssyncset.done $0x0  }
0x2f: {  	[sflag:s5] =	ssyncadd.s32 $0xFFFFFF80  }
0x30: {  	v0 =	vld [tilespmem:$0x0];
	_ =	sdelay $0x4  }
0x31: {  	v1 =	vshll.u32 v0, $0x3  }
0x32: {  	v0 =	vand.u32 $0x7, v0;
	v1 =	vand.u32 $0xFFFFFFC0, v1  }
0x33: {  	v7 =	vimm.s32 $0x0;
	v0 =	vor.u32 v0, v1  }
0x34: {  	v1 =	vperm.xlane v0, v7  }
0x35: {  	v8 =	vimm.s32 $0x1  }
0x36: {  	v2 =	vperm.xlane v0, v8;
	v1 =	vadd.s32 v51, v1  }
0x37: {  	v9 =	vimm.s32 $0x2  }
0x38: {  	v4 =	vperm.xlane v0, v9;
	v2 =	vadd.s32 v51, v2  }
0x39: {  	v6 =	vimm.s32 $0x3  }
0x3a: {  	s11 =	rddreg [dreg:$0x6];
	v5 =	vperm.xlane v0, v6;
	v4 =	vadd.s32 v51, v4  }
0x3b: {  	v10 =	vimm.s32 $0x4;
	[tilespmem:s11], [sflag:$0x1] =	stream.indirect_vreg.gather [hbm4b:s3+s2], $0x80, v1, vm0, $0xb8;
	[tilespmem:$0x1100] =	vst v63  }
0x3c: {  	s8 =	rddreg [dreg:$0x7];
	v41 =	vperm.xlane v0, v10;
	v40 =	vadd.s32 v51, v5  }
0x3d: {  	v11 =	vimm.s32 $0x5;
	[tilespmem:s8], [sflag:$0x1] =	stream.indirect_vreg.gather [hbm4b:s3+s2], $0x80, v2, vm0, $0xb8;
	[tilespmem:$0x1100] =	vst v63  }
0x3e: {  	s12 =	rddreg [dreg:$0x8];
	v43 =	vperm.xlane v0, v11;
	v42 =	vadd.s32 v51, v41  }
0x3f: {  	v12 =	vimm.s32 $0x6;
	[tilespmem:s12], [sflag:$0x1] =	stream.indirect_vreg.gather [hbm4b:s3+s2], $0x80, v4, vm0, $0xb8;
	[tilespmem:$0x1100] =	vst v63  }
0x40: {  	s13 =	rddreg [dreg:$0x9];
	v45 =	vperm.xlane v0, v12;
	v44 =	vadd.s32 v51, v43  }
0x41: {  	v3 =	vimm.s32 $0x7;
	[tilespmem:s13], [sflag:$0x1] =	stream.indirect_vreg.gather [hbm4b:s3+s2], $0x80, v40, vm0, $0xb8;
	[tilespmem:$0x1100] =	vst v63  }
0x42: {  	s14 =	rddreg [dreg:$0xa];
	v47 =	vperm.xlane v0, v3;
	v46 =	vadd.s32 v51, v45  }
0x43: {  	v13 =	vimm.s32 $0x8;
	[tilespmem:s14], [sflag:$0x1] =	stream.indirect_vreg.gather [hbm4b:s3+s2], $0x80, v42, vm0, $0xb8;
	[tilespmem:$0x1100] =	vst v63  }
0x44: {  	s15 =	rddreg [dreg:$0xb];
	v49 =	vperm.xlane v0, v13;
	v48 =	vadd.s32 v51, v47  }
0x45: {  	v14 =	vimm.s32 $0x9;
	[tilespmem:s15], [sflag:$0x1] =	stream.indirect_vreg.gather [hbm4b:s3+s2], $0x80, v44, vm0, $0xb8;
	[tilespmem:$0x1100] =	vst v63  }
0x46: {  	s16 =	rddreg [dreg:$0xc];
	v52 =	vperm.xlane v0, v14;
	v50 =	vadd.s32 v51, v49  }
0x47: {  	v15 =	vimm.s32 $0xA;
	[tilespmem:s16], [sflag:$0x1] =	stream.indirect_vreg.gather [hbm4b:s3+s2], $0x80, v46, vm0, $0xb8;
	[tilespmem:$0x1100] =	vst v63  }
0x48: {  	s17 =	rddreg [dreg:$0xd];
	v54 =	vperm.xlane v0, v15;
	v53 =	vadd.s32 v51, v52  }
0x49: {  	v16 =	vimm.s32 $0xB;
	[tilespmem:s17], [sflag:$0x1] =	stream.indirect_vreg.gather [hbm4b:s3+s2], $0x80, v48, vm0, $0xb8;
	[tilespmem:$0x1100] =	vst v63  }
0x4a: {  	s18 =	rddreg [dreg:$0xe];
	v56 =	vperm.xlane v0, v16;
	v55 =	vadd.s32 v51, v54  }
0x4b: {  	v17 =	vimm.s32 $0xC;
	[tilespmem:s18], [sflag:$0x1] =	stream.indirect_vreg.gather [hbm4b:s3+s2], $0x80, v50, vm0, $0xb8;
	[tilespmem:$0x1100] =	vst v63  }
0x4c: {  	s19 =	rddreg [dreg:$0xf];
	v58 =	vperm.xlane v0, v17;
	v57 =	vadd.s32 v51, v56  }
0x4d: {  	v18 =	vimm.s32 $0xD;
	[tilespmem:s19], [sflag:$0x1] =	stream.indirect_vreg.gather [hbm4b:s3+s2], $0x80, v53, vm0, $0xb8;
	[tilespmem:$0x1100] =	vst v63  }
0x4e: {  	s20 =	rddreg [dreg:$0x10];
	v60 =	vperm.xlane v0, v18;
	v59 =	vadd.s32 v51, v58  }
0x4f: {  	v19 =	vimm.s32 $0xE;
	[tilespmem:s20], [sflag:$0x1] =	stream.indirect_vreg.gather [hbm4b:s3+s2], $0x80, v55, vm0, $0xb8;
	[tilespmem:$0x1100] =	vst v63  }
0x50: {  	s21 =	rddreg [dreg:$0x11];
	v62 =	vperm.xlane v0, v19;
	v61 =	vadd.s32 v51, v60  }
0x51: {  	v20 =	vimm.s32 $0xF;
	[tilespmem:s21], [sflag:$0x1] =	stream.indirect_vreg.gather [hbm4b:s3+s2], $0x80, v57, vm0, $0xb8;
	[tilespmem:$0x1100] =	vst v63  }
0x52: {  	s22 =	rddreg [dreg:$0x12];
	v0 =	vperm.xlane v0, v20;
	v63 =	vadd.s32 v51, v62  }
0x53: {  	[tilespmem:s22], [sflag:$0x1] =	stream.indirect_vreg.gather [hbm4b:s3+s2], $0x80, v59, vm0, $0xb8;
	[tilespmem:$0x1100] =	vst v63  }
0x54: {  	s23 =	rddreg [dreg:$0x13];
	v0 =	vadd.s32 v51, v0  }
0x55: {  	[tilespmem:s23], [sflag:$0x1] =	stream.indirect_vreg.gather [hbm4b:s3+s2], $0x80, v61, vm0, $0xb8;
	[tilespmem:$0x1100] =	vst v63  }
0x56: {  	s24 =	rddreg [dreg:$0x14]  }
0x57: {  	[tilespmem:s24], [sflag:$0x1] =	stream.indirect_vreg.gather [hbm4b:s3+s2], $0x80, v63, vm0, $0xb8;
	[tilespmem:$0x1100] =	vst v63  }
0x58: {  	s25 =	rddreg [dreg:$0x15]  }
0x59: {  	[tilespmem:s25], [sflag:$0x1] =	stream.indirect_vreg.gather [hbm4b:s3+s2], $0x80, v0, vm0, $0xb8;
	[tilespmem:$0x1100] =	vst v63  }
0x5a: {  	v0 =	vld [tilespmem:$0x10];
	_ =	sdelay $0x4  }
0x5b: {  	v5 =	vshll.u32 v0, $0x3  }
0x5c: {  	v0 =	vand.u32 $0x7, v0;
	v1 =	vand.u32 $0xFFFFFFC0, v5  }
0x5d: {  	v0 =	vor.u32 v0, v1  }
0x5e: {  	v1 =	vperm.xlane v0, v7;
	_ =	sdelay $0x1  }
0x5f: {  	v8 =	vperm.xlane v0, v8;
	v1 =	vadd.s32 v51, v1;
	_ =	sdelay $0x1  }
0x60: {  	v21 =	vperm.xlane v0, v9;
	v2 =	vadd.s32 v51, v8  }
0x61: {  	s26 =	rddreg [dreg:$0x16]  }
0x62: {  	s28 =	rddreg [dreg:$0x17];
	v22 =	vperm.xlane v0, v6;
	v4 =	vadd.s32 v51, v21  }
0x63: {  	[tilespmem:s26], [sflag:$0x1] =	stream.indirect_vreg.gather [hbm4b:s3+s2], $0x80, v1, vm0, $0xb8;
	[tilespmem:$0x1100] =	vst v63  }
0x64: {  	s29 =	rddreg [dreg:$0x18];
	v24 =	vperm.xlane v0, v10;
	v23 =	vadd.s32 v51, v22  }
0x65: {  	[tilespmem:s28], [sflag:$0x1] =	stream.indirect_vreg.gather [hbm4b:s3+s2], $0x80, v2, vm0, $0xb8;
	[tilespmem:$0x1100] =	vst v63  }
0x66: {  	s30 =	rddreg [dreg:$0x19];
	v26 =	vperm.xlane v0, v11;
	v25 =	vadd.s32 v51, v24  }
0x67: {  	[tilespmem:s29], [sflag:$0x1] =	stream.indirect_vreg.gather [hbm4b:s3+s2], $0x80, v4, vm0, $0xb8;
	[tilespmem:$0x1100] =	vst v63  }
0x68: {  	s31 =	rddreg [dreg:$0x1a];
	v28 =	vperm.xlane v0, v12;
	v27 =	vadd.s32 v51, v26  }
0x69: {  	[tilespmem:s30], [sflag:$0x1] =	stream.indirect_vreg.gather [hbm4b:s3+s2], $0x80, v23, vm0, $0xb8;
	[tilespmem:$0x1100] =	vst v63  }
0x6a: {  	s9 =	rddreg [dreg:$0x1b];
	v30 =	vperm.xlane v0, v3;
	v29 =	vadd.s32 v51, v28  }
0x6b: {  	[tilespmem:s31], [sflag:$0x1] =	stream.indirect_vreg.gather [hbm4b:s3+s2], $0x80, v25, vm0, $0xb8;
	[tilespmem:$0x1100] =	vst v63  }
0x6c: {  	s10 =	rddreg [dreg:$0x1c];
	v32 =	vperm.xlane v0, v13;
	v31 =	vadd.s32 v51, v30  }
0x6d: {  	[tilespmem:s9], [sflag:$0x1] =	stream.indirect_vreg.gather [hbm4b:s3+s2], $0x80, v27, vm0, $0xb8;
	[tilespmem:$0x1100] =	vst v63  }
0x6e: {  	s11 =	rddreg [dreg:$0x1d];
	v34 =	vperm.xlane v0, v14;
	v33 =	vadd.s32 v51, v32  }
0x6f: {  	[tilespmem:s10], [sflag:$0x1] =	stream.indirect_vreg.gather [hbm4b:s3+s2], $0x80, v29, vm0, $0xb8;
	[tilespmem:$0x1100] =	vst v63  }
0x70: {  	s12 =	rddreg [dreg:$0x1e];
	v36 =	vperm.xlane v0, v15;
	v35 =	vadd.s32 v51, v34  }
0x71: {  	[tilespmem:s11], [sflag:$0x1] =	stream.indirect_vreg.gather [hbm4b:s3+s2], $0x80, v31, vm0, $0xb8;
	[tilespmem:$0x1100] =	vst v63  }
0x72: {  	s13 =	rddreg [dreg:$0x1f];
	v38 =	vperm.xlane v0, v16;
	v37 =	vadd.s32 v51, v36  }
0x73: {  	[tilespmem:s12], [sflag:$0x1] =	stream.indirect_vreg.gather [hbm4b:s3+s2], $0x80, v33, vm0, $0xb8;
	[tilespmem:$0x1100] =	vst v63  }
0x74: {  	s14 =	sld [smem:$0x7F7];
	v40 =	vperm.xlane v0, v17;
	v39 =	vadd.s32 v51, v38  }
0x75: {  	[tilespmem:s13], [sflag:$0x1] =	stream.indirect_vreg.gather [hbm4b:s3+s2], $0x80, v35, vm0, $0xb8;
	[tilespmem:$0x1100] =	vst v63  }
0x76: {  	s15 =	sld [smem:$0x7F8];
	v42 =	vperm.xlane v0, v18;
	v41 =	vadd.s32 v51, v40  }
0x77: {  	[tilespmem:s14], [sflag:$0x1] =	stream.indirect_vreg.gather [hbm4b:s3+s2], $0x80, v37, vm0, $0xb8;
	[tilespmem:$0x1100] =	vst v63  }
0x78: {  	s16 =	sld [smem:$0x7F9];
	v44 =	vperm.xlane v0, v19;
	v43 =	vadd.s32 v51, v42  }
0x79: {  	[tilespmem:s15], [sflag:$0x1] =	stream.indirect_vreg.gather [hbm4b:s3+s2], $0x80, v39, vm0, $0xb8;
	[tilespmem:$0x1100] =	vst v63  }
0x7a: {  	v0 =	vperm.xlane v0, v20;
	v45 =	vadd.s32 v51, v44;
	s8 =	sld [smem:$0x7FA]  }
0x7b: {  	[tilespmem:s16], [sflag:$0x1] =	stream.indirect_vreg.gather [hbm4b:s3+s2], $0x80, v41, vm0, $0xb8;
	[tilespmem:$0x1100] =	vst v63  }
0x7c: {  	v0 =	vadd.s32 v51, v0;
	s17 =	sld [smem:$0x7FB]  }
0x7d: {  	[tilespmem:s8], [sflag:$0x1] =	stream.indirect_vreg.gather [hbm4b:s3+s2], $0x80, v43, vm0, $0xb8;
	[tilespmem:$0x1100] =	vst v63  }
0x7e: {  	s18 =	sld [smem:$0x7FC]  }
0x7f: {  	[tilespmem:s17], [sflag:$0x1] =	stream.indirect_vreg.gather [hbm4b:s3+s2], $0x80, v45, vm0, $0xb8;
	[tilespmem:$0x1100] =	vst v63  }
0x80: {  	_ = 	snop  }
0x81: {  	[tilespmem:s18], [sflag:$0x1] =	stream.indirect_vreg.gather [hbm4b:s3+s2], $0x80, v0, vm0, $0xb8;
	[tilespmem:$0x1100] =	vst v63  }
0x82: {  	v1 =	vld [tilespmem:$0x0];
	_ =	sdelay $0x4  }
0x83: {  	v0 =	vld [tilespmem:$0x10];
	v46 =	vbroadcast v1, $0x0  }
0x84: {  	vm6 =	vcmask $0x3F08;
	v47 =	vbroadcast v1, $0x1;
	v48 =	vbroadcast v1, $0x2  }
0x85: {  	vm7 =	vcmask $0x3F0C;
	v49 =	vbroadcast v1, $0x3;
	v50 =	vbroadcast v1, $0x4  }
0x86: {  	vm8 =	vcmask $0x3F10;
	v52 =	vbroadcast v1, $0x5;
	v53 =	vbroadcast v1, $0x6  }
0x87: {  	v54 =	vbroadcast v1, $0x7;
	vm1 =	veq.s32 v1, v46;
	vm3 =	veq.s32 v1, v47  }
0x88: {  	vm2 =	veq.s32 v0, v46;
	vm1 =	vmand vm1, vm5;
	vm3 =	vmand vm3, vm6  }
0x89: {  	vm4 =	veq.s32 v1, v48;
	vm1 =	vmor vm1, vm3;
	vm3 =	veq.s32 v0, v47  }
0x8a: {  	vm4 =	vmand vm4, vm7;
	vm2 =	vmor vm2, vm3;
	vm3 =	veq.s32 v1, v49  }
0x8b: {  	vm1 =	vmor vm4, vm1;
	vm4 =	veq.s32 v0, v48;
	vm3 =	vmand vm3, vm8  }
0x8c: {  	vm2 =	vmor vm4, vm2;
	vm1 =	vmor vm3, vm1;
	vm3 =	veq.s32 v0, v49  }
0x8d: {  	v55 =	vbroadcast v1, $0x8;
	vm2 =	vmor vm3, vm2;
	vm3 =	veq.s32 v1, v50  }
0x8e: {  	v56 =	vbroadcast v1, $0x9;
	v57 =	vbroadcast v1, $0xA;
	vm3 =	vmand vm3, vm9  }
0x8f: {  	vm4 =	veq.s32 v0, v50;
	vm1 =	vmor vm3, vm1;
	vm3 =	veq.s32 v1, v52  }
0x90: {  	v58 =	vbroadcast v1, $0xB;
	vm2 =	vmor vm4, vm2;
	vm3 =	vmand vm3, vm10  }
0x91: {  	vm4 =	veq.s32 v1, v53;
	vm1 =	vmor vm3, vm1;
	vm3 =	veq.s32 v0, v52  }
0x92: {  	vm4 =	vmand vm4, vm11;
	vm2 =	vmor vm3, vm2;
	vm3 =	veq.s32 v1, v54  }
0x93: {  	vm1 =	vmor vm4, vm1;
	vm4 =	veq.s32 v0, v53;
	vm3 =	vmand vm3, vm12  }
0x94: {  	vm2 =	vmor vm4, vm2;
	vm1 =	vmor vm3, vm1;
	vm3 =	veq.s32 v0, v54  }
0x95: {  	v59 =	vbroadcast v1, $0xC;
	vm2 =	vmor vm3, vm2;
	vm3 =	veq.s32 v1, v55  }
0x96: {  	v60 =	vbroadcast v1, $0xD;
	v61 =	vbroadcast v1, $0xE;
	vm3 =	vmand vm3, vm13  }
0x97: {  	vm4 =	veq.s32 v0, v55;
	vm1 =	vmor vm3, vm1;
	vm3 =	veq.s32 v1, v56  }
0x98: {  	vm6 =	vcmask $0x3F30;
	vm2 =	vmor vm4, vm2;
	vm3 =	vmand vm3, vm14  }
0x99: {  	vm4 =	veq.s32 v1, v57;
	vm1 =	vmor vm3, vm1;
	vm3 =	veq.s32 v0, v56  }
0x9a: {  	vm7 =	vcmask $0x3F3C;
	vm4 =	vmand vm4, vm15;
	vm2 =	vmor vm3, vm2  }
0x9b: {  	vm1 =	vmor vm4, vm1;
	vm3 =	veq.s32 v1, v58;
	vm4 =	veq.s32 v0, v57  }
0x9c: {  	vm3 =	vmand vm3, vm6;
	vm2 =	vmor vm4, vm2;
	vm4 =	veq.s32 v1, v59  }
0x9d: {  	vm6 =	vcmask $0x3F34;
	vm1 =	vmor vm3, vm1;
	vm3 =	veq.s32 v0, v58  }
0x9e: {  	vm8 =	vcmask $0x3F38;
	vm2 =	vmor vm3, vm2;
	vm3 =	vmand vm4, vm6  }
0x9f: {  	vm4 =	veq.s32 v1, v60;
	vm1 =	vmor vm3, vm1;
	vm3 =	veq.s32 v0, v59  }
0xa0: {  	vm2 =	vmor vm3, vm2;
	vm3 =	vmand vm4, vm8;
	vm4 =	veq.s32 v1, v61  }
0xa1: {  	vm1 =	vmor vm3, vm1;
	vm4 =	vmand vm4, vm7  }
0xa2: {  	v63 =	vimm.f32 $1.000000000e+00;
	vm1 =	vmor vm4, vm1  }
0xa3: {  	v62 =	vbroadcast v0, $0x0;
	v19 =	vsel vm1, $0x0, v63  }
0xa4: {  	v4 =	vbroadcast v0, $0x1;
	v5 =	vbroadcast v0, $0x2;
	(v2sf) =	vpush v19, $0x0  }
0xa5: {  	v6 =	vbroadcast v0, $0x3;
	v7 =	vbroadcast v0, $0x4;
	(v2sf) =	vpush v19, $0x1  }
0xa6: {  	v8 =	vbroadcast v0, $0x5;
	v1 =	vbroadcast v1, $0xF;
	vm3 =	veq.s32 v0, v60  }
0xa7: {  	vm2 =	vmor vm3, vm2;
	vm3 =	veq.s32 v0, v61;
	(v2sf) =	vpush v19, $0x2  }
0xa8: {  	vm1 =	vmor vm3, vm2;
	vm2 =	veq.s32 v0, v1;
	vm3 =	veq.s32 v0, v62  }
0xa9: {  	vm1 =	vmor vm2, vm1;
	vm2 =	vmand vm3, vm5;
	(v2sf) =	vpush v19, $0x3  }
0xaa: {  	vm3 =	veq.s32 v0, v4;
	vm1 =	vmor vm2, vm1;
	vm2 =	vcmask $0x3F08  }
0xab: {  	v9 =	vbroadcast v0, $0x6;
	vm2 =	vmand vm3, vm2;
	(v2sf) =	vpush v19, $0x4  }
0xac: {  	vm3 =	veq.s32 v0, v5;
	vm1 =	vmor vm2, vm1;
	vm2 =	vcmask $0x3F0C  }
0xad: {  	v10 =	vbroadcast v0, $0x7;
	vm2 =	vmand vm3, vm2;
	(v2sf) =	vpush v19, $0x5  }
0xae: {  	vm3 =	veq.s32 v0, v6;
	vm1 =	vmor vm2, vm1;
	vm2 =	vcmask $0x3F10  }
0xaf: {  	v11 =	vbroadcast v0, $0x8;
	vm2 =	vmand vm3, vm2;
	(v2sf) =	vpush v19, $0x6  }
0xb0: {  	v12 =	vbroadcast v0, $0x9;
	vm3 =	veq.s32 v0, v7;
	vm1 =	vmor vm2, vm1  }
0xb1: {  	vm2 =	vmand vm3, vm9;
	vm3 =	veq.s32 v0, v8;
	(v2sf) =	vpush v19, $0x7  }
0xb2: {  	vm1 =	vmor vm2, vm1;
	vm2 =	vmand vm3, vm10;
	vm3 =	veq.s32 v0, v9  }
0xb3: {  	vm1 =	vmor vm2, vm1;
	vm2 =	vmand vm3, vm11;
	s19 =	spop (v2sf);
	(v2sf) =	vpush v19, $0x8  }
0xb4: {  	v13 =	vbroadcast v0, $0xA;
	vm3 =	veq.s32 v0, v10;
	vm1 =	vmor vm2, vm1;
	s20 =	spop (v2sf)  }
0xb5: {  	vm2 =	vmand vm3, vm12;
	vm3 =	veq.s32 v0, v11;
	(v2sf) =	vpush v19, $0x9;
	s7 =	sadd.f32 s20, s19  }
0xb6: {  	vm1 =	vmor vm2, vm1;
	vm2 =	vmand vm3, vm13;
	vm3 =	veq.s32 v0, v12;
	s21 =	spop (v2sf)  }
0xb7: {  	vm1 =	vmor vm2, vm1;
	vm2 =	vmand vm3, vm14;
	(v2sf) =	vpush v19, $0xA;
	s7 =	sadd.f32 s7, s21  }
0xb8: {  	v14 =	vbroadcast v0, $0xB;
	vm1 =	vmor vm2, vm1;
	vm2 =	veq.s32 v0, v13;
	s22 =	spop (v2sf)  }
0xb9: {  	v15 =	vbroadcast v0, $0xC;
	vm2 =	vmand vm2, vm15;
	(v2sf) =	vpush v19, $0xB;
	s7 =	sadd.f32 s7, s22  }
0xba: {  	vm3 =	veq.s32 v0, v14;
	vm1 =	vmor vm2, vm1;
	vm2 =	vcmask $0x3F30;
	s23 =	spop (v2sf)  }
0xbb: {  	vm2 =	vmand vm3, vm2;
	(v2sf) =	vpush v19, $0xC;
	s7 =	sadd.f32 s7, s23  }
0xbc: {  	v16 =	vbroadcast v0, $0xD;
	vm1 =	vmor vm2, vm1;
	vm2 =	veq.s32 v0, v15;
	s24 =	spop (v2sf)  }
0xbd: {  	v17 =	vbroadcast v0, $0xE;
	vm2 =	vmand vm2, vm6;
	(v2sf) =	vpush v19, $0xD;
	s7 =	sadd.f32 s7, s24  }
0xbe: {  	vm1 =	vmor vm2, vm1;
	vm2 =	veq.s32 v0, v16;
	s25 =	spop (v2sf)  }
0xbf: {  	vm3 =	veq.s32 v0, v17;
	vm2 =	vmand vm2, vm8;
	(v2sf) =	vpush v19, $0xE;
	s7 =	sadd.f32 s7, s25  }
0xc0: {  	vm1 =	vmor vm2, vm1;
	vm2 =	vmand vm3, vm7;
	s26 =	spop (v2sf)  }
0xc1: {  	vm1 =	vmor vm2, vm1;
	(v2sf) =	vpush v19, $0xF;
	s7 =	sadd.f32 s7, s26  }
0xc2: {  	v48 =	vsel vm1, $0x0, v63;
	s28 =	spop (v2sf)  }
0xc3: {  	(v2sf) =	vpush v48, $0x0;
	s7 =	sadd.f32 s7, s28  }
0xc4: {  	s29 =	spop (v2sf)  }
0xc5: {  	(v2sf) =	vpush v48, $0x1;
	s7 =	sadd.f32 s7, s29  }
0xc6: {  	s30 =	spop (v2sf)  }
0xc7: {  	(v2sf) =	vpush v48, $0x2;
	s7 =	sadd.f32 s7, s30  }
0xc8: {  	s31 =	spop (v2sf)  }
0xc9: {  	(v2sf) =	vpush v48, $0x3;
	s7 =	sadd.f32 s7, s31  }
0xca: {  	s9 =	spop (v2sf)  }
0xcb: {  	(v2sf) =	vpush v48, $0x4;
	s7 =	sadd.f32 s7, s9  }
0xcc: {  	s10 =	spop (v2sf)  }
0xcd: {  	(v2sf) =	vpush v48, $0x5;
	s7 =	sadd.f32 s7, s10  }
0xce: {  	s11 =	spop (v2sf)  }
0xcf: {  	(v2sf) =	vpush v48, $0x6;
	s7 =	sadd.f32 s7, s11  }
0xd0: {  	s12 =	spop (v2sf)  }
0xd1: {  	(v2sf) =	vpush v48, $0x7;
	s7 =	sadd.f32 s7, s12  }
0xd2: {  	s13 =	spop (v2sf)  }
0xd3: {  	(v2sf) =	vpush v48, $0x8;
	s7 =	sadd.f32 s13, s7  }
0xd4: {  	s14 =	spop (v2sf)  }
0xd5: {  	(v2sf) =	vpush v48, $0x9;
	s7 =	sadd.f32 s7, s14  }
0xd6: {  	s15 =	spop (v2sf)  }
0xd7: {  	(v2sf) =	vpush v48, $0xA;
	s7 =	sadd.f32 s7, s15  }
0xd8: {  	s16 =	spop (v2sf)  }
0xd9: {  	(v2sf) =	vpush v48, $0xB;
	s7 =	sadd.f32 s7, s16  }
0xda: {  	s17 =	spop (v2sf)  }
0xdb: {  	(v2sf) =	vpush v48, $0xC;
	s7 =	sadd.f32 s7, s17  }
0xdc: {  	s18 =	spop (v2sf)  }
0xdd: {  	(v2sf) =	vpush v48, $0xD;
	s7 =	sadd.f32 s7, s18  }
0xde: {  	s19 =	spop (v2sf)  }
0xdf: {  	(v2sf) =	vpush v48, $0xE;
	s7 =	sadd.f32 s7, s19  }
0xe0: {  	s20 =	spop (v2sf)  }
0xe1: {  	(v2sf) =	vpush v48, $0xF;
	s7 =	sadd.f32 s7, s20  }
0xe2: {  	s21 =	spop (v2sf)  }
0xe3: {  	s7 =	sadd.f32 s7, s21  }
0xe4: {  	s22 =	spop (v2sf)  }
0xe5: {  	s7 =	sadd.f32 s7, s22  }
0xe6: {  	s23 =	spop (v2sf)  }
0xe7: {  	s7 =	sadd.f32 s7, s23  }
0xe8: {  	s24 =	spop (v2sf)  }
0xe9: {  	s7 =	sadd.f32 s7, s24  }
0xea: {  	s25 =	spop (v2sf)  }
0xeb: {  	s7 =	sadd.f32 s7, s25  }
0xec: {  	s26 =	spop (v2sf)  }
0xed: {  	s7 =	sadd.f32 s7, s26  }
0xee: {  	s28 =	spop (v2sf)  }
0xef: {  	s7 =	sadd.f32 s7, s28  }
0xf0: {  	s29 =	spop (v2sf)  }
0xf1: {  	s7 =	sadd.f32 s7, s29;
	_ =	sdelay $0x1  }
0xf2: {  	v18 =	vmov s7  }
0xf3: {  	(erf) = vrcp.f32 v18;
	_ =	sdelay $0x8  }
0xf4: {  	v0 =	vpop (erf)  }
0xf5: {  	[tilespmem:$0x1FF90] =	vst v0  }
0xf6: {  	_ =	swait.ge [sflag:s6], $0x1000  }
0xf7: {  	[sflag:s6] =	ssyncset.done $0x0  }
0xf8: {  	[sflag:s6] =	ssyncadd.s32 $0xFFFFF000  }
0xf9: {  	v24 =	vld [tilespmem:$0x80]  }
0xfa: {  	v25 =	vld [tilespmem:$0x100]  }
0xfb: {  	v26 =	vld [tilespmem:$0x180]  }
0xfc: {  	v27 =	vld [tilespmem:$0x200]  }
0xfd: {  	v28 =	vld [tilespmem:$0x280]  }
0xfe: {  	v29 =	vld [tilespmem:$0x300]  }
0xff: {  	v30 =	vld [tilespmem:$0x380]  }
0x100: {  	v31 =	vld [tilespmem:$0x400]  }
0x101: {  	v33 =	vld [tilespmem:$0x480]  }
0x102: {  	v34 =	vld [tilespmem:$0x500]  }
0x103: {  	v50 =	vld [tilespmem:$0x580]  }
0x104: {  	v60 =	vld [tilespmem:$0x600]  }
0x105: {  	v9 =	vld [tilespmem:$0x680]  }
0x106: {  	v10 =	vld [tilespmem:$0x700]  }
0x107: {  	v12 =	vld [tilespmem:$0x780]  }
0x108: {  	v13 =	vld [tilespmem:$0x800]  }
0x109: {  	v15 =	vld [tilespmem:$0x880]  }
0x10a: {  	v16 =	vld [tilespmem:$0x900]  }
0x10b: {  	v14 =	vld [tilespmem:$0x980]  }
0x10c: {  	v49 =	vld [tilespmem:$0xA00]  }
0x10d: {  	v52 =	vld [tilespmem:$0xA80]  }
0x10e: {  	v18 =	vld [tilespmem:$0xB00]  }
0x10f: {  	v56 =	vld [tilespmem:$0xB80]  }
0x110: {  	v20 =	vld [tilespmem:$0xC00]  }
0x111: {  	v21 =	vld [tilespmem:$0xC80]  }
0x112: {  	v22 =	vld [tilespmem:$0xD00]  }
0x113: {  	v23 =	vld [tilespmem:$0xD80]  }
0x114: {  	v32 =	vld [tilespmem:$0xE00]  }
0x115: {  	v35 =	vld [tilespmem:$0xE80]  }
0x116: {  	v36 =	vld [tilespmem:$0xF00]  }
0x117: {  	v37 =	vld [tilespmem:$0xF80]  }
0x118: {  	v38 =	vld [tilespmem:$0x1000]  }
0x119: {  	v0 =	vld [tilespmem:$0x190]  }
0x11a: {  	v1 =	vld [tilespmem:$0x210]  }
0x11b: {  	v2 =	vld [tilespmem:$0x290]  }
0x11c: {  	v4 =	vld [tilespmem:$0x310]  }
0x11d: {  	v5 =	vld [tilespmem:$0x390]  }
0x11e: {  	v6 =	vld [tilespmem:$0x410]  }
0x11f: {  	v39 =	vld [tilespmem:$0xA90]  }
0x120: {  	v40 =	vld [tilespmem:$0xB10];
	[tilespmem:$0x1FC20] =	vst v35  }
0x121: {  	v45 =	vld [tilespmem:$0xD10];
	[tilespmem:$0x1FC80] =	vst v36  }
0x122: {  	v46 =	vld [tilespmem:$0xD90];
	[tilespmem:$0x1FCF0] =	vst v37  }
0x123: {  	v44 =	vld [tilespmem:$0xC90];
	[tilespmem:$0x1FD50] =	vst v38  }
0x124: {  	v54 =	vld [tilespmem:$0xF10];
	[tilespmem:$0x1FB70] =	vst v39  }
0x125: {  	v41 =	vld [tilespmem:$0xB90];
	[tilespmem:$0x1FB90] =	vst v40  }
0x126: {  	v43 =	vld [tilespmem:$0xC10];
	[tilespmem:$0x1FC60] =	vst v45  }
0x127: {  	[tilespmem:$0x1FCA0] =	vst v46;
	v46 =	vbroadcast v19, $0x0;
	v45 =	vbroadcast v19, $0x1;
	v37 =	vld [tilespmem:$0x420]  }
0x128: {  	v62 =	vld [tilespmem:$0x3A0];
	[tilespmem:$0x1FC30] =	vst v44;
	v44 =	vbroadcast v19, $0x2  }
0x129: {  	[tilespmem:$0x1FD30] =	vst v54;
	v54 =	vld [tilespmem:$0x5A0];
	v24 =	vmul.f32 v46, v24;
	v25 =	vmul.f32 v45, v25  }
0x12a: {  	[tilespmem:$0x1FBD0] =	vst v41;
	v41 =	vld [tilespmem:$0x520]  }
0x12b: {  	[tilespmem:$0x1FBF0] =	vst v43;
	v38 =	vld [tilespmem:$0x4A0];
	v39 =	vmul.f32 v44, v26;
	v24 =	vadd.f32 v25, v24  }
0x12c: {  	[tilespmem:$0x1FBA0] =	vst v37;
	v37 =	vld [tilespmem:$0x6A0]  }
0x12d: {  	[tilespmem:$0x1FB80] =	vst v62;
	v43 =	vbroadcast v19, $0x3;
	v24 =	vadd.f32 v24, v39;
	v39 =	vld [tilespmem:$0x720]  }
0x12e: {  	[tilespmem:$0x1FC00] =	vst v54;
	v54 =	vld [tilespmem:$0x7A0]  }
0x12f: {  	v35 =	vld [tilespmem:$0x90];
	v62 =	vmul.f32 v43, v27;
	[tilespmem:$0x1FBE0] =	vst v41;
	v41 =	vbroadcast v19, $0x4  }
0x130: {  	v27 =	vld [tilespmem:$0x620];
	[tilespmem:$0x1FBC0] =	vst v38  }
0x131: {  	v40 =	vbroadcast v19, $0x5;
	v38 =	vmul.f32 v41, v28;
	v24 =	vadd.f32 v24, v62;
	[tilespmem:$0x1FC40] =	vst v37;
	v37 =	vld [tilespmem:$0x9A0]  }
0x132: {  	v36 =	vld [tilespmem:$0x110];
	[tilespmem:$0x1FC50] =	vst v39;
	v39 =	vbroadcast v19, $0x6  }
0x133: {  	v62 =	vmul.f32 v40, v29;
	[tilespmem:$0x1FC70] =	vst v54;
	v24 =	vadd.f32 v24, v38;
	v54 =	vld [tilespmem:$0xA20]  }
0x134: {  	v29 =	vmul.f32 v39, v30;
	v30 =	vld [tilespmem:$0x920]  }
0x135: {  	[tilespmem:$0x1FC10] =	vst v27;
	v38 =	vbroadcast v19, $0x7;
	v24 =	vadd.f32 v24, v62;
	v62 =	vmul.f32 v35, v46;
	v35 =	vld [tilespmem:$0xB20]  }
0x136: {  	v27 =	vld [tilespmem:$0x820];
	[tilespmem:$0x1FCE0] =	vst v37;
	v37 =	vbroadcast v19, $0x8  }
0x137: {  	v7 =	vld [tilespmem:$0x490];
	v25 =	vmul.f32 v38, v31;
	v24 =	vadd.f32 v24, v29  }
0x138: {  	v8 =	vld [tilespmem:$0x510];
	[tilespmem:$0x1FD10] =	vst v54;
	v33 =	vmul.f32 v37, v33  }
0x139: {  	v31 =	vld [tilespmem:$0xAA0];
	v24 =	vadd.f32 v24, v25;
	[tilespmem:$0x1FCD0] =	vst v30;
	v30 =	vmul.f32 v36, v45;
	v36 =	vbroadcast v19, $0x9  }
0x13a: {  	v0 =	vmul.f32 v0, v44;
	v54 =	vld [tilespmem:$0xBA0];
	[tilespmem:$0x1FD40] =	vst v35;
	v35 =	vbroadcast v19, $0xA  }
0x13b: {  	[tilespmem:$0x1FC90] =	vst v27;
	v27 =	vld [tilespmem:$0xC20];
	v24 =	vadd.f32 v24, v33;
	v26 =	vadd.f32 v30, v62;
	v62 =	vmul.f32 v36, v34  }
0x13c: {  	v1 =	vmul.f32 v1, v43;
	v28 =	vld [tilespmem:$0x8A0];
	v29 =	vmul.f32 v35, v50  }
0x13d: {  	v50 =	vld [tilespmem:$0xDA0];
	v34 =	vbroadcast v19, $0xB;
	v0 =	vadd.f32 v0, v26;
	v24 =	vadd.f32 v24, v62  }
0x13e: {  	[tilespmem:$0x1FD20] =	vst v31;
	v31 =	vmul.f32 v2, v41;
	v33 =	vbroadcast v19, $0xC;
	v30 =	vld [tilespmem:$0xD20]  }
0x13f: {  	v11 =	vld [tilespmem:$0x610];
	[tilespmem:$0x1FD60] =	vst v54;
	v60 =	vmul.f32 v34, v60;
	v0 =	vadd.f32 v1, v0;
	v54 =	vadd.f32 v24, v29  }
0x140: {  	v57 =	vld [tilespmem:$0x810];
	[tilespmem:$0x1FD90] =	vst v27;
	v27 =	vmul.f32 v33, v9  }
0x141: {  	[tilespmem:$0x1FCB0] =	vst v28;
	v28 =	vld [tilespmem:$0xCA0];
	v0 =	vadd.f32 v31, v0;
	v2 =	vadd.f32 v54, v60;
	v31 =	vbroadcast v19, $0xD  }
0x142: {  	v25 =	vmul.f32 v4, v40;
	[tilespmem:$0x1FE20] =	vst v50;
	v50 =	vld [tilespmem:$0xF20]  }
0x143: {  	v26 =	vld [tilespmem:$0xEA0];
	[tilespmem:$0x1FDF0] =	vst v30;
	v30 =	vbroadcast v19, $0xE;
	v2 =	vadd.f32 v2, v27;
	v60 =	vmul.f32 v31, v10  }
0x144: {  	v42 =	vld [tilespmem:$0x890];
	v54 =	vmul.f32 v5, v39;
	v0 =	vadd.f32 v25, v0  }
0x145: {  	[tilespmem:$0x1FB50] =	vst v22;
	v22 =	vld [tilespmem:$0x590];
	v29 =	vbroadcast v19, $0xF;
	v25 =	vmul.f32 v30, v12;
	v2 =	vadd.f32 v2, v60  }
0x146: {  	v3 =	vld [tilespmem:$0x910];
	[tilespmem:$0x1FDD0] =	vst v28;
	v24 =	vmul.f32 v6, v38;
	v0 =	vadd.f32 v54, v0  }
0x147: {  	v58 =	vld [tilespmem:$0x990];
	v28 =	vbroadcast v48, $0x0;
	[tilespmem:$0x1FE90] =	vst v50;
	v50 =	vmul.f32 v13, v29;
	v2 =	vadd.f32 v2, v25  }
0x148: {  	v59 =	vld [tilespmem:$0xA10];
	[tilespmem:$0x1FE60] =	vst v26;
	v26 =	vmul.f32 v7, v37;
	v0 =	vadd.f32 v24, v0  }
0x149: {  	v47 =	vld [tilespmem:$0xE10];
	v27 =	vbroadcast v48, $0x1;
	v60 =	vmul.f32 v28, v15;
	v2 =	vadd.f32 v2, v50  }
0x14a: {  	v53 =	vld [tilespmem:$0xE90];
	v19 =	vmul.f32 v22, v35;
	v54 =	vmul.f32 v8, v36;
	v0 =	vadd.f32 v26, v0  }
0x14b: {  	[tilespmem:$0x1FB30] =	vst v20;
	v20 =	vld [tilespmem:$0x690];
	v22 =	vmul.f32 v27, v16;
	v26 =	vbroadcast v48, $0x2;
	v2 =	vadd.f32 v60, v2  }
0x14c: {  	[tilespmem:$0x1FBB0] =	vst v32;
	v32 =	vld [tilespmem:$0x710];
	v0 =	vadd.f32 v54, v0  }
0x14d: {  	[tilespmem:$0x1FB40] =	vst v21;
	v21 =	vld [tilespmem:$0x790];
	v25 =	vbroadcast v48, $0x3;
	v54 =	vmul.f32 v26, v14;
	v2 =	vadd.f32 v2, v22  }
0x14e: {  	v55 =	vld [tilespmem:$0xF90];
	v50 =	vmul.f32 v11, v34;
	v0 =	vadd.f32 v19, v0  }
0x14f: {  	v61 =	vld [tilespmem:$0x1010];
	v24 =	vbroadcast v48, $0x4;
	v22 =	vmul.f32 v25, v49;
	v4 =	vadd.f32 v2, v54  }
0x150: {  	v63 =	vld [tilespmem:$0x2A0];
	v60 =	vmul.f32 v20, v33;
	v1 =	vadd.f32 v50, v0  }
0x151: {  	[tilespmem:$0x1FD00] =	vst v53;
	v53 =	vld [tilespmem:$0xA0];
	v50 =	vmul.f32 v24, v52;
	v4 =	vadd.f32 v4, v22;
	v22 =	vbroadcast v48, $0x5  }
0x152: {  	[tilespmem:$0x1FB60] =	vst v23;
	v23 =	vld [tilespmem:$0x120];
	v49 =	vmul.f32 v32, v31;
	v32 =	vmul.f32 v21, v30;
	v1 =	vadd.f32 v60, v1  }
0x153: {  	[tilespmem:$0x1FCC0] =	vst v47;
	v47 =	vld [tilespmem:$0x1A0];
	v21 =	vbroadcast v48, $0x6;
	v4 =	vadd.f32 v4, v50;
	v54 =	vmul.f32 v22, v18  }
0x154: {  	[tilespmem:$0x1FD70] =	vst v55;
	v55 =	vld [tilespmem:$0x220];
	v1 =	vadd.f32 v49, v1  }
0x155: {  	v16 =	vld [tilespmem:$0xAB0];
	v49 =	vmul.f32 v21, v56;
	v4 =	vadd.f32 v4, v54  }
0x156: {  	v1 =	vadd.f32 v32, v1;
	v32 =	vmul.f32 v42, v28;
	v42 =	vld [tilespmem:$0x1FB30]  }
0x157: {  	v4 =	vadd.f32 v4, v49;
	v49 =	vld [tilespmem:$0x1FB40]  }
0x158: {  	[tilespmem:$0x1FDB0] =	vst v61;
	v61 =	vld [tilespmem:$0x320];
	v0 =	vmul.f32 v57, v29  }
0x159: {  	v9 =	vld [tilespmem:$0xB0];
	v20 =	vbroadcast v48, $0x7  }
0x15a: {  	v5 =	vld [tilespmem:$0x130];
	v19 =	vbroadcast v48, $0x8;
	v1 =	vadd.f32 v0, v1  }
0x15b: {  	[tilespmem:$0x1FD80] =	vst v16;
	v16 =	vmul.f32 v23, v45;
	v23 =	vld [tilespmem:$0xB30];
	v42 =	vmul.f32 v20, v42  }
0x15c: {  	v7 =	vld [tilespmem:$0x1B0];
	v1 =	vadd.f32 v32, v1;
	v32 =	vmul.f32 v19, v49;
	v49 =	vmul.f32 v3, v27  }
0x15d: {  	v4 =	vadd.f32 v4, v42;
	v42 =	vmul.f32 v53, v46;
	v53 =	vmul.f32 v58, v26;
	v58 =	vld [tilespmem:$0xBB0]  }
0x15e: {  	v1 =	vadd.f32 v49, v1;
	v49 =	vld [tilespmem:$0x1FB50]  }
0x15f: {  	v13 =	vld [tilespmem:$0x230];
	v0 =	vadd.f32 v16, v42;
	v16 =	vmul.f32 v47, v44  }
0x160: {  	[tilespmem:$0x1FDA0] =	vst v23;
	v23 =	vbroadcast v48, $0x9;
	v47 =	vld [tilespmem:$0xC30]  }
0x161: {  	v4 =	vadd.f32 v4, v32;
	v32 =	vld [tilespmem:$0xD30];
	v0 =	vadd.f32 v16, v0;
	v16 =	vmul.f32 v55, v43  }
0x162: {  	v1 =	vadd.f32 v53, v1;
	[tilespmem:$0x1FDC0] =	vst v58;
	v58 =	vmul.f32 v59, v25;
	v59 =	vld [tilespmem:$0xCB0]  }
0x163: {  	v0 =	vadd.f32 v16, v0;
	v16 =	vld [tilespmem:$0xEB0];
	v53 =	vmul.f32 v23, v49  }
0x164: {  	v1 =	vadd.f32 v58, v1;
	v58 =	vld [tilespmem:$0xE30]  }
0x165: {  	v4 =	vadd.f32 v4, v53;
	v53 =	vld [tilespmem:$0xDB0]  }
0x166: {  	[tilespmem:$0x1FDE0] =	vst v47;
	v47 =	vld [tilespmem:$0x1FB70]  }
0x167: {  	v9 =	vmul.f32 v9, v46;
	v5 =	vmul.f32 v5, v45;
	[tilespmem:$0x1FE00] =	vst v59;
	v59 =	vld [tilespmem:$0x1FB60]  }
0x168: {  	v55 =	vmul.f32 v63, v41;
	[tilespmem:$0x1FE10] =	vst v32  }
0x169: {  	v15 =	vld [tilespmem:$0x330];
	v7 =	vmul.f32 v7, v44;
	v5 =	vadd.f32 v5, v9;
	[tilespmem:$0x1FE70] =	vst v16  }
0x16a: {  	v32 =	vbroadcast v48, $0xA;
	v0 =	vadd.f32 v55, v0;
	v16 =	vld [tilespmem:$0x1FB80];
	[tilespmem:$0x1FE30] =	vst v53;
	v53 =	vmul.f32 v61, v40  }
0x16b: {  	[tilespmem:$0x1FE50] =	vst v58;
	v49 =	vmul.f32 v47, v24;
	v58 =	vadd.f32 v7, v5;
	v47 =	vld [tilespmem:$0x1FB90]  }
0x16c: {  	v63 =	vmul.f32 v32, v59;
	v59 =	vmul.f32 v13, v43;
	v0 =	vadd.f32 v53, v0;
	v53 =	vld [tilespmem:$0x1FBA0];
	_ =	sdelay $0x1  }
0x16d: {  	v9 =	vadd.f32 v4, v63;
	v4 =	vadd.f32 v59, v58;
	v59 =	vmul.f32 v15, v40;
	v15 =	vld [tilespmem:$0x1FBC0]  }
0x16e: {  	v42 =	vld [tilespmem:$0x1030];
	v63 =	vadd.f32 v49, v1;
	v1 =	vmul.f32 v16, v39  }
0x16f: {  	v6 =	vld [tilespmem:$0x2B0]  }
0x170: {  	v13 =	vld [tilespmem:$0x1FBB0];
	v49 =	vmul.f32 v47, v22;
	v0 =	vadd.f32 v1, v0;
	v58 =	vmul.f32 v53, v38;
	_ =	sdelay $0x1  }
0x171: {  	v5 =	vadd.f32 v49, v63;
	v49 =	vld [tilespmem:$0x1FBD0];
	v47 =	vmul.f32 v15, v37;
	v0 =	vadd.f32 v58, v0  }
0x172: {  	v8 =	vld [tilespmem:$0x3B0];
	[tilespmem:$0x1FEE0] =	vst v42;
	v42 =	vbroadcast v48, $0xB  }
0x173: {  	v0 =	vadd.f32 v47, v0;
	v47 =	vld [tilespmem:$0x1FBF0]  }
0x174: {  	v10 =	vld [tilespmem:$0x430];
	v6 =	vmul.f32 v6, v41;
	v13 =	vmul.f32 v42, v13  }
0x175: {  	v12 =	vld [tilespmem:$0x530]  }
0x176: {  	v6 =	vadd.f32 v6, v4;
	v53 =	vmul.f32 v49, v21;
	v49 =	vadd.f32 v9, v13;
	v13 =	vld [tilespmem:$0x1FBE0]  }
0x177: {  	v11 =	vld [tilespmem:$0x4B0];
	v8 =	vmul.f32 v8, v39  }
0x178: {  	v6 =	vadd.f32 v59, v6;
	v59 =	vld [tilespmem:$0x1FC00];
	v5 =	vadd.f32 v53, v5;
	v53 =	vmul.f32 v47, v20;
	_ =	sdelay $0x1  }
0x179: {  	v6 =	vadd.f32 v8, v6;
	v8 =	vmul.f32 v10, v38;
	v5 =	vadd.f32 v53, v5;
	v53 =	vld [tilespmem:$0x1FC10]  }
0x17a: {  	v10 =	vld [tilespmem:$0x1FC30];
	v15 =	vmul.f32 v13, v36  }
0x17b: {  	v6 =	vadd.f32 v8, v6;
	v8 =	vmul.f32 v11, v37;
	v11 =	vmul.f32 v12, v36;
	v12 =	vld [tilespmem:$0x1FC40]  }
0x17c: {  	v1 =	vmul.f32 v59, v35;
	v0 =	vadd.f32 v15, v0;
	_ =	sdelay $0x1  }
0x17d: {  	v0 =	vadd.f32 v1, v0;
	v59 =	vmul.f32 v53, v34;
	_ =	sdelay $0x1  }
0x17e: {  	v10 =	vmul.f32 v10, v19;
	v12 =	vmul.f32 v12, v33;
	v0 =	vadd.f32 v59, v0;
	_ =	sdelay $0x1  }
0x17f: {  	v1 =	vadd.f32 v10, v5;
	v5 =	vadd.f32 v12, v0;
	v12 =	vld [tilespmem:$0x1FC50]  }
0x180: {  	v59 =	vld [tilespmem:$0x640]  }
0x181: {  	v17 =	vld [tilespmem:$0x1020]  }
0x182: {  	v14 =	vld [tilespmem:$0x5B0]  }
0x183: {  	v2 =	vld [tilespmem:$0x630]  }
0x184: {  	v6 =	vadd.f32 v8, v6;
	v8 =	vld [tilespmem:$0x1FC20];
	v12 =	vmul.f32 v12, v31  }
0x185: {  	[tilespmem:$0x1FE80] =	vst v59;
	v59 =	vld [tilespmem:$0x7C0]  }
0x186: {  	v12 =	vadd.f32 v12, v5;
	v5 =	vld [tilespmem:$0x1FC70]  }
0x187: {  	v47 =	vbroadcast v48, $0xC  }
0x188: {  	[tilespmem:$0x1FED0] =	vst v17;
	v17 =	vld [tilespmem:$0x6B0]  }
0x189: {  	v14 =	vmul.f32 v14, v35;
	v60 =	vld [tilespmem:$0x730];
	v11 =	vadd.f32 v11, v6;
	v8 =	vmul.f32 v47, v8  }
0x18a: {  	v2 =	vmul.f32 v2, v34;
	[tilespmem:$0x1FEB0] =	vst v59;
	v59 =	vld [tilespmem:$0x1FCA0]  }
0x18b: {  	v11 =	vadd.f32 v14, v11;
	v8 =	vadd.f32 v49, v8;
	v49 =	vld [tilespmem:$0x1FC60];
	v0 =	vmul.f32 v5, v30;
	_ =	sdelay $0x1  }
0x18c: {  	v17 =	vmul.f32 v17, v33;
	v11 =	vadd.f32 v2, v11;
	v0 =	vadd.f32 v0, v12;
	v12 =	vld [tilespmem:$0x1FC80]  }
0x18d: {  	v62 =	vld [tilespmem:$0xE20]  }
0x18e: {  	v11 =	vadd.f32 v17, v11;
	v17 =	vmul.f32 v59, v32;
	v59 =	vmul.f32 v60, v31  }
0x18f: {  	v14 =	vmul.f32 v49, v23;
	v49 =	vbroadcast v48, $0xD  }
0x190: {  	v11 =	vadd.f32 v59, v11;
	v59 =	vld [tilespmem:$0xAC0]  }
0x191: {  	v1 =	vadd.f32 v14, v1;
	v14 =	vld [tilespmem:$0x1FC90];
	v12 =	vmul.f32 v49, v12  }
0x192: {  	[tilespmem:$0x1FE40] =	vst v62;
	v62 =	vld [tilespmem:$0xFA0]  }
0x193: {  	v8 =	vadd.f32 v8, v12;
	v12 =	vld [tilespmem:$0x1FCB0]  }
0x194: {  	v52 =	vld [tilespmem:$0x7B0]  }
0x195: {  	[tilespmem:$0x1FF00] =	vst v59;
	v59 =	vld [tilespmem:$0xB40]  }
0x196: {  	v57 =	vld [tilespmem:$0xA30];
	v3 =	vmul.f32 v14, v29  }
0x197: {  	v50 =	vld [tilespmem:$0x830]  }
0x198: {  	v0 =	vadd.f32 v3, v0;
	v3 =	vmul.f32 v12, v28;
	v12 =	vld [tilespmem:$0xA40]  }
0x199: {  	v18 =	vld [tilespmem:$0x8B0]  }
0x19a: {  	[tilespmem:$0x1FF10] =	vst v59;
	v59 =	vld [tilespmem:$0xBC0]  }
0x19b: {  	v56 =	vld [tilespmem:$0x9B0]  }
0x19c: {  	v1 =	vadd.f32 v17, v1;
	v17 =	vld [tilespmem:$0x1FCC0]  }
0x19d: {  	[tilespmem:$0x1FEF0] =	vst v12;
	v12 =	vmul.f32 v52, v30;
	v52 =	vld [tilespmem:$0x1FCD0]  }
0x19e: {  	v55 =	vld [tilespmem:$0xF30]  }
0x19f: {  	[tilespmem:$0x1FF20] =	vst v59;
	v59 =	vld [tilespmem:$0xC40]  }
0x1a0: {  	v54 =	vld [tilespmem:$0x930]  }
0x1a1: {  	v7 =	vld [tilespmem:$0x3C0]  }
0x1a2: {  	v0 =	vadd.f32 v3, v0;
	v3 =	vmul.f32 v17, v42;
	v17 =	vmul.f32 v52, v27;
	v52 =	vld [tilespmem:$0x1FCE0]  }
0x1a3: {  	[tilespmem:$0x1FEA0] =	vst v55;
	v55 =	vld [tilespmem:$0xC0]  }
0x1a4: {  	[tilespmem:$0x1FF30] =	vst v59;
	v59 =	vld [tilespmem:$0xCC0]  }
0x1a5: {  	v61 =	vld [tilespmem:$0xFB0]  }
0x1a6: {  	v16 =	vld [tilespmem:$0x140]  }
0x1a7: {  	v1 =	vadd.f32 v3, v1;
	v3 =	vmul.f32 v52, v26;
	v52 =	vld [tilespmem:$0x1FCF0]  }
0x1a8: {  	v4 =	vld [tilespmem:$0x1C0]  }
0x1a9: {  	[tilespmem:$0x1FF40] =	vst v59;
	v59 =	vld [tilespmem:$0xD40]  }
0x1aa: {  	v63 =	vld [tilespmem:$0x240];
	v11 =	vadd.f32 v12, v11;
	v12 =	vmul.f32 v50, v29;
	v50 =	vbroadcast v48, $0xE  }
0x1ab: {  	v0 =	vadd.f32 v17, v0;
	v17 =	vmul.f32 v18, v28;
	v18 =	vld [tilespmem:$0x1FD00]  }
0x1ac: {  	v11 =	vadd.f32 v12, v11;
	v12 =	vmul.f32 v52, v50;
	v52 =	vld [tilespmem:$0x1FD10]  }
0x1ad: {  	[tilespmem:$0x1FEC0] =	vst v61;
	v61 =	vld [tilespmem:$0x340]  }
0x1ae: {  	[tilespmem:$0x1FF50] =	vst v59;
	v59 =	vld [tilespmem:$0xE40]  }
0x1af: {  	v8 =	vadd.f32 v8, v12;
	v12 =	vmul.f32 v54, v27;
	v54 =	vld [tilespmem:$0x1FD20]  }
0x1b0: {  	v58 =	vld [tilespmem:$0x2C0]  }
0x1b1: {  	v0 =	vadd.f32 v3, v0;
	v3 =	vmul.f32 v18, v47;
	v18 =	vmul.f32 v52, v25;
	v52 =	vld [tilespmem:$0xDC0]  }
0x1b2: {  	v9 =	vld [tilespmem:$0x440]  }
0x1b3: {  	[tilespmem:$0x1FF70] =	vst v59;
	v59 =	vld [tilespmem:$0xF40]  }
0x1b4: {  	v1 =	vadd.f32 v3, v1;
	v3 =	vmul.f32 v54, v24;
	v54 =	vld [tilespmem:$0xEC0]  }
0x1b5: {  	v13 =	vld [tilespmem:$0x540]  }
0x1b6: {  	v11 =	vadd.f32 v17, v11;
	[tilespmem:$0x1FF60] =	vst v52;
	v52 =	vmul.f32 v56, v26;
	v56 =	vld [tilespmem:$0x1FD40]  }
0x1b7: {  	v0 =	vadd.f32 v18, v0;
	v18 =	vld [tilespmem:$0x1FD30]  }
0x1b8: {  	v11 =	vadd.f32 v12, v11;
	[tilespmem:$0x1FFC0] =	vst v59;
	v59 =	vld [tilespmem:$0x1040]  }
0x1b9: {  	[tilespmem:$0x1FF80] =	vst v54;
	v54 =	vld [tilespmem:$0xFC0]  }
0x1ba: {  	v11 =	vadd.f32 v52, v11;
	v52 =	vmul.f32 v57, v25;
	v57 =	vld [tilespmem:$0x1FD60]  }
0x1bb: {  	v0 =	vadd.f32 v3, v0;
	v3 =	vmul.f32 v56, v22;
	v56 =	vld [tilespmem:$0x1FD50]  }
0x1bc: {  	v12 =	vmul.f32 v18, v49;
	v18 =	vld [tilespmem:$0x1FD70]  }
0x1bd: {  	v11 =	vadd.f32 v52, v11;
	v52 =	vld [tilespmem:$0x1FD80]  }
0x1be: {  	v48 =	vbroadcast v48, $0xF;
	[tilespmem:$0x1FFE0] =	vst v59;
	v59 =	vld [tilespmem:$0x1FDC0]  }
0x1bf: {  	[tilespmem:$0x1FFD0] =	vst v54;
	v54 =	vld [tilespmem:$0x1FD90]  }
0x1c0: {  	v0 =	vadd.f32 v3, v0;
	v3 =	vmul.f32 v56, v48;
	v56 =	vld [tilespmem:$0x1FDA0]  }
0x1c1: {  	v6 =	vld [tilespmem:$0x6C0]  }
0x1c2: {  	v15 =	vld [tilespmem:$0x4C0];
	v17 =	vmul.f32 v57, v21;
	v3 =	vadd.f32 v8, v3  }
0x1c3: {  	v1 =	vadd.f32 v12, v1;
	v12 =	vmul.f32 v18, v50;
	v57 =	vld [tilespmem:$0x1FDB0];
	v18 =	vmul.f32 v52, v24  }
0x1c4: {  	v0 =	vadd.f32 v17, v0;
	[tilespmem:$0x1FFA0] =	vst v3;
	v3 =	vmul.f32 v54, v20;
	v54 =	vmul.f32 v59, v21;
	v59 =	vld [tilespmem:$0x1FDE0]  }
0x1c5: {  	v2 =	vld [tilespmem:$0x8C0];
	v1 =	vadd.f32 v12, v1;
	v11 =	vadd.f32 v18, v11;
	v12 =	vmul.f32 v56, v22  }
0x1c6: {  	v16 =	vmul.f32 v16, v45;
	v10 =	vld [tilespmem:$0x740];
	v0 =	vadd.f32 v3, v0;
	v3 =	vmul.f32 v55, v46  }
0x1c7: {  	v56 =	vld [tilespmem:$0x1FDD0];
	v11 =	vadd.f32 v12, v11  }
0x1c8: {  	v4 =	vmul.f32 v4, v44;
	v53 =	vld [tilespmem:$0x5C0];
	v3 =	vadd.f32 v16, v3  }
0x1c9: {  	v12 =	vmul.f32 v57, v48;
	v57 =	vadd.f32 v54, v11;
	v11 =	vmul.f32 v59, v20;
	v59 =	vld [tilespmem:$0x1FE00]  }
0x1ca: {  	v63 =	vmul.f32 v63, v43;
	v52 =	vld [tilespmem:$0xD0];
	v3 =	vadd.f32 v4, v3  }
0x1cb: {  	v8 =	vld [tilespmem:$0x150]  }
0x1cc: {  	v1 =	vadd.f32 v12, v1;
	v16 =	vmul.f32 v56, v19;
	v3 =	vadd.f32 v63, v3;
	v63 =	vld [tilespmem:$0x1FE10]  }
0x1cd: {  	v14 =	vld [tilespmem:$0x940]  }
0x1ce: {  	v17 =	vld [tilespmem:$0x1D0];
	[tilespmem:$0x1FFB0] =	vst v1;
	v1 =	vadd.f32 v11, v57;
	v0 =	vadd.f32 v16, v0;
	v16 =	vmul.f32 v59, v19  }
0x1cf: {  	v18 =	vld [tilespmem:$0x250]  }
0x1d0: {  	v52 =	vmul.f32 v52, v46;
	v1 =	vadd.f32 v16, v1;
	v16 =	vld [tilespmem:$0x1FE30]  }
0x1d1: {  	v5 =	vld [tilespmem:$0x840];
	v8 =	vmul.f32 v8, v45;
	v4 =	vmul.f32 v63, v23  }
0x1d2: {  	v58 =	vmul.f32 v58, v41;
	v55 =	vld [tilespmem:$0x2D0]  }
0x1d3: {  	v60 =	vld [tilespmem:$0x9C0];
	v1 =	vadd.f32 v4, v1;
	v4 =	vadd.f32 v8, v52;
	v52 =	vmul.f32 v17, v44  }
0x1d4: {  	v61 =	vmul.f32 v61, v40;
	v57 =	vld [tilespmem:$0x1FDF0];
	v3 =	vadd.f32 v58, v3  }
0x1d5: {  	v12 =	vld [tilespmem:$0x3D0];
	v4 =	vadd.f32 v52, v4;
	v8 =	vmul.f32 v16, v32;
	v52 =	vmul.f32 v18, v43  }
0x1d6: {  	v7 =	vmul.f32 v7, v39;
	v3 =	vadd.f32 v61, v3;
	v61 =	vld [tilespmem:$0x1FE20]  }
0x1d7: {  	v56 =	vld [tilespmem:$0x350];
	v16 =	vmul.f32 v55, v41;
	v8 =	vadd.f32 v8, v1;
	v1 =	vadd.f32 v52, v4  }
0x1d8: {  	v3 =	vadd.f32 v7, v3;
	v7 =	vmul.f32 v9, v38;
	v9 =	vld [tilespmem:$0x1FE40]  }
0x1d9: {  	v11 =	vmul.f32 v57, v23;
	v4 =	vadd.f32 v16, v1;
	v16 =	vld [tilespmem:$0x1FE50]  }
0x1da: {  	v54 =	vld [tilespmem:$0x450]  }
0x1db: {  	v59 =	vld [tilespmem:$0x550];
	v0 =	vadd.f32 v11, v0;
	v11 =	vmul.f32 v61, v32  }
0x1dc: {  	v58 =	vld [tilespmem:$0x650];
	v3 =	vadd.f32 v7, v3  }
0x1dd: {  	v57 =	vld [tilespmem:$0x4D0];
	v0 =	vadd.f32 v11, v0;
	v7 =	vmul.f32 v9, v42;
	v9 =	vmul.f32 v15, v37  }
0x1de: {  	v63 =	vld [tilespmem:$0x5D0];
	v15 =	vmul.f32 v16, v42;
	v16 =	vmul.f32 v56, v40  }
0x1df: {  	v0 =	vadd.f32 v7, v0;
	v7 =	vmul.f32 v13, v36;
	v13 =	vmul.f32 v53, v35;
	v53 =	vld [tilespmem:$0x1FE70]  }
0x1e0: {  	v12 =	vmul.f32 v12, v39;
	v8 =	vadd.f32 v15, v8;
	v4 =	vadd.f32 v16, v4;
	v15 =	vld [tilespmem:$0x1FE60]  }
0x1e1: {  	v17 =	vld [tilespmem:$0x6D0]  }
0x1e2: {  	v54 =	vmul.f32 v54, v38;
	v61 =	vld [tilespmem:$0x750];
	v4 =	vadd.f32 v12, v4  }
0x1e3: {  	v18 =	vld [tilespmem:$0x7D0];
	v3 =	vadd.f32 v9, v3  }
0x1e4: {  	v55 =	vld [tilespmem:$0x8D0];
	v57 =	vmul.f32 v57, v37;
	v4 =	vadd.f32 v54, v4  }
0x1e5: {  	v3 =	vadd.f32 v7, v3;
	v53 =	vmul.f32 v53, v47;
	v7 =	vmul.f32 v15, v47;
	v15 =	vld [tilespmem:$0x1FE80]  }
0x1e6: {  	v4 =	vadd.f32 v57, v4;
	v57 =	vld [tilespmem:$0x1FEA0]  }
0x1e7: {  	v3 =	vadd.f32 v13, v3;
	v13 =	vadd.f32 v53, v8;
	v53 =	vld [tilespmem:$0x1FE90]  }
0x1e8: {  	v11 =	vld [tilespmem:$0x850]  }
0x1e9: {  	v52 =	vld [tilespmem:$0x950]  }
0x1ea: {  	v1 =	vld [tilespmem:$0xA50];
	v0 =	vadd.f32 v7, v0;
	v7 =	vmul.f32 v15, v34  }
0x1eb: {  	v6 =	vmul.f32 v6, v33;
	v9 =	vld [tilespmem:$0xB50];
	v57 =	vmul.f32 v57, v49  }
0x1ec: {  	v10 =	vmul.f32 v10, v31;
	v56 =	vld [tilespmem:$0x9D0];
	v3 =	vadd.f32 v7, v3;
	v7 =	vmul.f32 v53, v49  }
0x1ed: {  	v59 =	vmul.f32 v59, v36;
	v16 =	vld [tilespmem:$0xAD0];
	v13 =	vadd.f32 v57, v13;
	v57 =	vmul.f32 v63, v35  }
0x1ee: {  	v63 =	vmul.f32 v62, v50;
	v62 =	vld [tilespmem:$0x1FEC0];
	v0 =	vadd.f32 v7, v0;
	v7 =	vadd.f32 v6, v3  }
0x1ef: {  	v12 =	vld [tilespmem:$0xBD0]  }
0x1f0: {  	v4 =	vadd.f32 v59, v4;
	v59 =	vadd.f32 v10, v7;
	v10 =	vld [tilespmem:$0x1FEB0]  }
0x1f1: {  	v8 =	vld [tilespmem:$0xCD0]  }
0x1f2: {  	v54 =	vld [tilespmem:$0xDD0]  }
0x1f3: {  	v15 =	vld [tilespmem:$0xC50];
	v4 =	vadd.f32 v57, v4;
	v57 =	vmul.f32 v62, v50;
	v62 =	vmul.f32 v58, v34  }
0x1f4: {  	v53 =	vld [tilespmem:$0xD50]  }
0x1f5: {  	v4 =	vadd.f32 v62, v4;
	v62 =	vld [tilespmem:$0x1FEE0];
	v10 =	vmul.f32 v10, v30  }
0x1f6: {  	v3 =	vld [tilespmem:$0xE50]  }
0x1f7: {  	v5 =	vmul.f32 v5, v29;
	v6 =	vld [tilespmem:$0xED0];
	v10 =	vadd.f32 v10, v59  }
0x1f8: {  	v2 =	vmul.f32 v2, v28;
	v17 =	vmul.f32 v17, v33;
	v59 =	vld [tilespmem:$0x1050]  }
0x1f9: {  	v61 =	vmul.f32 v61, v31;
	v63 =	vadd.f32 v63, v0;
	v0 =	vld [tilespmem:$0x160];
	v5 =	vadd.f32 v5, v10  }
0x1fa: {  	v13 =	vadd.f32 v57, v13;
	v57 =	vld [tilespmem:$0xE0];
	v17 =	vadd.f32 v17, v4;
	v62 =	vmul.f32 v62, v48  }
0x1fb: {  	v7 =	vld [tilespmem:$0xF50];
	v2 =	vadd.f32 v2, v5  }
0x1fc: {  	v5 =	vadd.f32 v62, v13;
	v13 =	vadd.f32 v61, v17;
	v17 =	vmul.f32 v18, v30;
	v18 =	vld [tilespmem:$0x1E0]  }
0x1fd: {  	[tilespmem:$0x1FFF0] =	vst v59;
	v59 =	vld [tilespmem:$0x1FED0]  }
0x1fe: {  	v11 =	vmul.f32 v11, v29;
	v58 =	vld [tilespmem:$0xFD0]  }
0x1ff: {  	v0 =	vmul.f32 v0, v45;
	v57 =	vmul.f32 v57, v46;
	v62 =	vld [tilespmem:$0x1FEF0];
	v13 =	vadd.f32 v17, v13  }
0x200: {  	v55 =	vmul.f32 v55, v28;
	v17 =	vld [tilespmem:$0x360]  }
0x201: {  	v0 =	vadd.f32 v0, v57;
	v11 =	vadd.f32 v11, v13;
	v57 =	vmul.f32 v18, v44;
	v18 =	vld [tilespmem:$0x2F0]  }
0x202: {  	v10 =	vmul.f32 v59, v48;
	v59 =	vld [tilespmem:$0xF0]  }
0x203: {  	v11 =	vadd.f32 v55, v11;
	v55 =	vld [tilespmem:$0x4E0]  }
0x204: {  	v4 =	vadd.f32 v10, v63;
	v63 =	vmul.f32 v14, v27;
	v14 =	vld [tilespmem:$0x170]  }
0x205: {  	v0 =	vadd.f32 v57, v0;
	v57 =	vmul.f32 v52, v27;
	v52 =	vld [tilespmem:$0x5F0]  }
0x206: {  	v10 =	vmul.f32 v60, v26;
	v60 =	vld [tilespmem:$0x1F0]  }
0x207: {  	v61 =	vmul.f32 v59, v46;
	v46 =	vld [tilespmem:$0x260]  }
0x208: {  	v59 =	vld [tilespmem:$0x270]  }
0x209: {  	v11 =	vadd.f32 v57, v11;
	v57 =	vld [tilespmem:$0x4F0];
	v2 =	vadd.f32 v63, v2;
	v63 =	vmul.f32 v14, v45  }
0x20a: {  	v45 =	vld [tilespmem:$0x2E0]  }
0x20b: {  	v2 =	vadd.f32 v10, v2;
	v10 =	vmul.f32 v62, v25;
	v13 =	vadd.f32 v63, v61;
	v61 =	vld [tilespmem:$0x1FF00]  }
0x20c: {  	v60 =	vmul.f32 v60, v44;
	v62 =	vmul.f32 v46, v43;
	v46 =	vld [tilespmem:$0x370]  }
0x20d: {  	v63 =	vmul.f32 v59, v43;
	v59 =	vld [tilespmem:$0x3E0]  }
0x20e: {  	v43 =	vld [tilespmem:$0x1FF10];
	v13 =	vadd.f32 v60, v13  }
0x20f: {  	v0 =	vadd.f32 v62, v0;
	v60 =	vmul.f32 v45, v41;
	v62 =	vmul.f32 v18, v41;
	v41 =	vld [tilespmem:$0x470]  }
0x210: {  	v13 =	vadd.f32 v63, v13;
	v63 =	vld [tilespmem:$0x460]  }
0x211: {  	v17 =	vmul.f32 v17, v40;
	v2 =	vadd.f32 v10, v2;
	v10 =	vmul.f32 v61, v24;
	v61 =	vld [tilespmem:$0x3F0]  }
0x212: {  	v0 =	vadd.f32 v60, v0;
	v60 =	vld [tilespmem:$0x560];
	v13 =	vadd.f32 v62, v13;
	v45 =	vmul.f32 v46, v40  }
0x213: {  	v46 =	vmul.f32 v56, v26;
	v2 =	vadd.f32 v10, v2;
	v10 =	vmul.f32 v43, v22;
	v43 =	vld [tilespmem:$0x760]  }
0x214: {  	v56 =	vmul.f32 v59, v39;
	v0 =	vadd.f32 v17, v0;
	v13 =	vadd.f32 v45, v13;
	v45 =	vld [tilespmem:$0x5E0]  }
0x215: {  	v62 =	vmul.f32 v63, v38;
	v63 =	vld [tilespmem:$0x570]  }
0x216: {  	v0 =	vadd.f32 v56, v0;
	v56 =	vmul.f32 v57, v37;
	v57 =	vld [tilespmem:$0x660]  }
0x217: {  	v11 =	vadd.f32 v46, v11;
	v46 =	vmul.f32 v55, v37;
	v37 =	vld [tilespmem:$0x8E0]  }
0x218: {  	v1 =	vmul.f32 v1, v25;
	v59 =	vmul.f32 v61, v39;
	v61 =	vld [tilespmem:$0x1FF20]  }
0x219: {  	v39 =	vld [tilespmem:$0x6F0];
	v0 =	vadd.f32 v62, v0  }
0x21a: {  	v1 =	vadd.f32 v1, v11;
	v62 =	vmul.f32 v16, v24;
	v13 =	vadd.f32 v59, v13;
	v59 =	vld [tilespmem:$0x1FF30]  }
0x21b: {  	v0 =	vadd.f32 v46, v0;
	v46 =	vld [tilespmem:$0x770]  }
0x21c: {  	v44 =	vmul.f32 v41, v38;
	v1 =	vadd.f32 v62, v1;
	v62 =	vld [tilespmem:$0x1FF50]  }
0x21d: {  	v60 =	vmul.f32 v60, v36;
	v63 =	vmul.f32 v63, v36;
	v36 =	vld [tilespmem:$0x6E0]  }
0x21e: {  	v55 =	vadd.f32 v44, v13;
	v44 =	vld [tilespmem:$0x1FF40]  }
0x21f: {  	v38 =	vmul.f32 v45, v35;
	v45 =	vmul.f32 v57, v34;
	v57 =	vld [tilespmem:$0x7F0]  }
0x220: {  	v40 =	vmul.f32 v61, v21;
	v61 =	vld [tilespmem:$0x670]  }
0x221: {  	v0 =	vadd.f32 v60, v0;
	v60 =	vmul.f32 v39, v33;
	v39 =	vld [tilespmem:$0x8F0];
	v11 =	vadd.f32 v56, v55  }
0x222: {  	v55 =	vld [tilespmem:$0x7E0]  }
0x223: {  	v0 =	vadd.f32 v38, v0;
	v11 =	vadd.f32 v63, v11;
	v63 =	vmul.f32 v43, v31;
	v43 =	vld [tilespmem:$0x1FF60]  }
0x224: {  	v2 =	vadd.f32 v10, v2;
	v56 =	vmul.f32 v36, v33;
	v33 =	vld [tilespmem:$0x870]  }
0x225: {  	v9 =	vmul.f32 v9, v22;
	v0 =	vadd.f32 v45, v0;
	v45 =	vld [tilespmem:$0x970]  }
0x226: {  	v2 =	vadd.f32 v40, v2;
	v17 =	vmul.f32 v59, v20;
	v40 =	vmul.f32 v57, v30;
	v57 =	vld [tilespmem:$0x9F0]  }
0x227: {  	v41 =	vmul.f32 v52, v35;
	v1 =	vadd.f32 v9, v1;
	v36 =	vmul.f32 v46, v31;
	v31 =	vld [tilespmem:$0xAF0]  }
0x228: {  	v2 =	vadd.f32 v17, v2;
	v35 =	vmul.f32 v44, v19;
	v52 =	vmul.f32 v61, v34;
	v61 =	vld [tilespmem:$0x860]  }
0x229: {  	v11 =	vadd.f32 v41, v11;
	v41 =	vld [tilespmem:$0x960];
	v0 =	vadd.f32 v56, v0  }
0x22a: {  	v2 =	vadd.f32 v35, v2;
	v35 =	vmul.f32 v12, v21;
	v38 =	vmul.f32 v55, v30;
	v55 =	vld [tilespmem:$0x9E0]  }
0x22b: {  	v59 =	vadd.f32 v52, v11;
	v0 =	vadd.f32 v63, v0;
	v63 =	vld [tilespmem:$0xA70]  }
0x22c: {  	v1 =	vadd.f32 v35, v1;
	v35 =	vld [tilespmem:$0xB60]  }
0x22d: {  	v18 =	vmul.f32 v43, v32;
	v43 =	vld [tilespmem:$0xBF0];
	v9 =	vadd.f32 v60, v59  }
0x22e: {  	v56 =	vmul.f32 v37, v28;
	v60 =	vld [tilespmem:$0xA60]  }
0x22f: {  	v59 =	vmul.f32 v39, v28;
	v28 =	vmul.f32 v45, v27;
	v45 =	vld [tilespmem:$0xC60];
	v9 =	vadd.f32 v36, v9  }
0x230: {  	v39 =	vmul.f32 v53, v23;
	v53 =	vld [tilespmem:$0xC70];
	v0 =	vadd.f32 v38, v0;
	v44 =	vmul.f32 v61, v29  }
0x231: {  	v52 =	vmul.f32 v33, v29;
	v61 =	vld [tilespmem:$0x1FF70];
	v9 =	vadd.f32 v40, v9  }
0x232: {  	v46 =	vmul.f32 v15, v20;
	v29 =	vld [tilespmem:$0xAE0];
	v0 =	vadd.f32 v44, v0  }
0x233: {  	v8 =	vmul.f32 v8, v19;
	v17 =	vmul.f32 v62, v23;
	v38 =	vld [tilespmem:$0xB70];
	v9 =	vadd.f32 v52, v9  }
0x234: {  	v1 =	vadd.f32 v46, v1;
	v62 =	vmul.f32 v41, v27;
	v46 =	vld [tilespmem:$0x1FFA0];
	v0 =	vadd.f32 v56, v0  }
0x235: {  	v3 =	vmul.f32 v3, v42;
	v6 =	vmul.f32 v6, v47;
	v36 =	vld [tilespmem:$0x1FF80];
	v9 =	vadd.f32 v59, v9  }
0x236: {  	v2 =	vadd.f32 v17, v2;
	v30 =	vmul.f32 v55, v26;
	v55 =	vld [tilespmem:$0x1FFB0];
	v0 =	vadd.f32 v62, v0  }
0x237: {  	v7 =	vmul.f32 v7, v49;
	v34 =	vmul.f32 v57, v26;
	v26 =	vld [tilespmem:$0xDE0];
	v33 =	vadd.f32 v28, v9  }
0x238: {  	v2 =	vadd.f32 v18, v2;
	v40 =	vld [tilespmem:$0xBE0];
	v37 =	vmul.f32 v60, v25;
	v0 =	vadd.f32 v30, v0  }
0x239: {  	v1 =	vadd.f32 v8, v1;
	v12 =	vmul.f32 v63, v25;
	v63 =	vld [tilespmem:$0xD70];
	v8 =	vadd.f32 v34, v33  }
0x23a: {  	v13 =	vmul.f32 v43, v21;
	v43 =	vld [tilespmem:$0xF70];
	v41 =	vmul.f32 v29, v24;
	v0 =	vadd.f32 v37, v0  }
0x23b: {  	v44 =	vmul.f32 v31, v24;
	v1 =	vadd.f32 v39, v1;
	v56 =	vld [tilespmem:$0xCE0];
	v8 =	vadd.f32 v12, v8  }
0x23c: {  	v60 =	vld [tilespmem:$0xD60];
	v11 =	vmul.f32 v53, v20;
	v52 =	vmul.f32 v35, v22;
	v0 =	vadd.f32 v41, v0  }
0x23d: {  	v25 =	vld [tilespmem:$0x1FFC0];
	v17 =	vmul.f32 v61, v42;
	v15 =	vmul.f32 v38, v22;
	v8 =	vadd.f32 v44, v8  }
0x23e: {  	v61 =	vmul.f32 v54, v32;
	v59 =	vld [tilespmem:$0xCF0];
	v57 =	vmul.f32 v40, v21;
	v0 =	vadd.f32 v52, v0  }
0x23f: {  	v39 =	vld [tilespmem:$0xF60];
	v54 =	vmul.f32 v58, v50;
	v14 =	vmul.f32 v36, v47;
	v8 =	vadd.f32 v15, v8  }
0x240: {  	v24 =	vld [tilespmem:$0x1FF90];
	v62 =	vmul.f32 v45, v20;
	v2 =	vadd.f32 v17, v2;
	v0 =	vadd.f32 v57, v0  }
0x241: {  	v29 =	vld [tilespmem:$0xE60];
	v36 =	vmul.f32 v26, v32;
	v1 =	vadd.f32 v61, v1;
	v8 =	vadd.f32 v13, v8  }
0x242: {  	v35 =	vmul.f32 v63, v23;
	v27 =	vmul.f32 v56, v19;
	v28 =	vld [tilespmem:$0xDF0];
	v0 =	vadd.f32 v62, v0  }
0x243: {  	v38 =	vld [tilespmem:$0x1FFD0];
	v10 =	vmul.f32 v43, v49;
	v30 =	vmul.f32 v59, v19;
	v8 =	vadd.f32 v11, v8  }
0x244: {  	v2 =	vadd.f32 v14, v2;
	v31 =	vmul.f32 v60, v23;
	v33 =	vld [tilespmem:$0xE70];
	v0 =	vadd.f32 v27, v0  }
0x245: {  	v21 =	vmul.f32 v25, v49;
	v1 =	vadd.f32 v3, v1;
	v34 =	vld [tilespmem:$0xEE0];
	v8 =	vadd.f32 v30, v8  }
0x246: {  	v14 =	vmul.f32 v24, v46;
	v9 =	vmul.f32 v55, v24;
	v37 =	vld [tilespmem:$0xEF0];
	v0 =	vadd.f32 v31, v0  }
0x247: {  	v4 =	vmul.f32 v4, v24;
	v46 =	vld [tilespmem:$0xFF0];
	v40 =	vmul.f32 v28, v32;
	v8 =	vadd.f32 v35, v8  }
0x248: {  	v17 =	vmul.f32 v38, v50;
	v41 =	vmul.f32 v29, v42;
	v44 =	vld [tilespmem:$0xFE0];
	v0 =	vadd.f32 v36, v0  }
0x249: {  	v1 =	vadd.f32 v6, v1;
	v45 =	vmul.f32 v33, v42;
	v57 =	vld [tilespmem:$0x1FFE0];
	v8 =	vadd.f32 v40, v8  }
0x24a: {  	v2 =	vadd.f32 v21, v2;
	v59 =	vld [tilespmem:$0x1FFF0];
	v3 =	vmul.f32 v34, v47;
	v0 =	vadd.f32 v41, v0  }
0x24b: {  	v1 =	vadd.f32 v7, v1;
	v52 =	vld [tilespmem:$0x1060];
	v53 =	vmul.f32 v37, v47;
	v8 =	vadd.f32 v45, v8  }
0x24c: {  	v56 =	vld [tilespmem:$0x1070];
	v55 =	vmul.f32 v39, v49;
	v2 =	vadd.f32 v17, v2;
	v0 =	vadd.f32 v3, v0  }
0x24d: {  	v5 =	vmul.f32 v5, v24;
	v1 =	vadd.f32 v54, v1;
	v8 =	vadd.f32 v53, v8  }
0x24e: {  	v58 =	vmul.f32 v44, v50;
	v16 =	vmul.f32 v57, v48;
	v0 =	vadd.f32 v55, v0  }
0x24f: {  	v6 =	vmul.f32 v46, v50;
	v11 =	vmul.f32 v59, v48;
	v8 =	vadd.f32 v10, v8  }
0x250: {  	[tilespmem:$0x1080] =	vst v14;
	v60 =	vmul.f32 v52, v48;
	v2 =	vadd.f32 v16, v2;
	v0 =	vadd.f32 v58, v0  }
0x251: {  	[tilespmem:$0x1090] =	vst v9;
	v61 =	vmul.f32 v56, v48;
	v1 =	vadd.f32 v11, v1;
	v6 =	vadd.f32 v6, v8  }
0x252: {  	[tilespmem:$0x10A0] =	vst v4;
	v2 =	vmul.f32 v2, v24;
	v0 =	vadd.f32 v60, v0  }
0x253: {  	[tilespmem:$0x10B0] =	vst v5;
	v1 =	vmul.f32 v1, v24;
	v62 =	vadd.f32 v61, v6  }
0x254: {  	[tilespmem:$0x10C0] =	vst v2;
	v0 =	vmul.f32 v0, v24  }
0x255: {  	s31 =	sld [smem:$0x7FD];
	[tilespmem:$0x10D0] =	vst v1;
	v63 =	vmul.f32 v62, v24  }
0x256: {  	p0 =	sne.s32 s4, $0x1;
	[tilespmem:$0x10E0] =	vst v0  }
.Ltmp0:
0x257: {  	s30 =	rddreg [dreg:$0x5];
	[tilespmem:$0x10F0] =	vst v63;
	(pc) =	sbr.rel @p0 .LBB2_1-.Ltmp0, $4  }
0x258: {  	[hbm4b:s30+s2] =	stream.linear.scatter [tilespmem:s31], [sflag:$0x2], $0x80, $0x38;
	[tilespmem:$0x1100] =	vst v63  }
0x259: {  	_ =	swait.ge [sflag:s5], $0x80  }
0x25a: {  	[sflag:s5] =	ssyncset.done $0x0  }
0x25b: {  	s4 =	sadd.s32 $0xFFFFFFFF, s4;
	[sflag:s5] =	ssyncadd.s32 $0xFFFFFF80  }
0x25c: {  	_ =	sfence.sel $0x180000  }
0x25d: {  	[bflag:$0x0] =	sbarrier.arrive $0xFFFF  }
0x25e: {  	p0 =	sne.s32 s0, $0x0;
	_ =	strace $0x90000047  }
0x25f: {  	s0 =	sadd.s32 @!p0 $0x100000, s1;
	[bflag:$0x2] =	sbarrier.arrive $0xFFFF  }
0x260: {  	[sflag:s0] =	ssyncadd.tile.s32 @!p0 $0x1;
	_ =	shalt  }
.Lfunc_end2:
_tile_overlayer_lowered:
.L_overlay_start_2:
0x261: {  	(tag) =	ssettag $0x2  }
0x262: {  	s0 =	rddreg [dreg:$0x0];
	s2 =	stileid.u32  }
0x263: {  	s1 =	rddreg [dreg:$0x1];
	p0 =	sne.s32 s2, $0x0  }
0x264: {  	s3 =	rddreg [dreg:$0x2];
	[bflag:$0x3] =	sbarrier.arrive $0xFFFF;
	s2 =	simm.s32 @!p0 $0x1C02  }
0x265: {  	[timem:s3], [sflag:s2] =	dma.local @!p0 [hbm:s0], s1  }
0x266: {  	s0 =	simm.s32 @!p0 $0x2  }
0x267: {  	_ =	swait.ge @!p0 [sflag:s0], s1  }
0x268: {  	s1 =	ssub.s32 @!p0 $0x0, s1;
	[sflag:s0] =	ssyncset.done @!p0 $0x0  }
0x269: {  	[sflag:s0] =	ssyncadd.s32 @!p0 s1  }
0x26a: {  	[bflag:$0x3] =	sbarrier.arrive $0xFFFF  }
0x26b: {  	_ =	shalt  }

</sc_bundles>
